<compile_context>
chip_gen: v7x
topology: tpu7x:2x2x1
jax: 0.10.2.dev20260603
libtpu: 0.0.44.dev20260713+nightly
codegen_flags: <defaults>
</compile_context>

<pallas_src>
import functools

import jax
import jax.numpy as jnp
from jax import lax
from jax.experimental import pallas as pl
from jax.experimental.pallas import tpu as pltpu
from jax.experimental.pallas import tpu_sc as plsc

_S = 1024


def _pool_body(seg_ref, x_ref, w1_ref, b1_ref, w2_ref, out_ref, denom_ref,
               *, nb, s, sw):
    i = pl.program_id(0)

    @pl.when(i == 0)
    def _init():
        out_ref[...] = jnp.zeros_like(out_ref)
        denom_ref[...] = jnp.zeros_like(denom_ref)

    xb = x_ref[...]
    h = jnp.tanh(
        jnp.dot(xb, w1_ref[...], preferred_element_type=jnp.float32)
        + b1_ref[...])
    wv = jnp.dot(h, w2_ref[...], preferred_element_type=jnp.float32)
    e = jnp.exp(wv)

    seg = seg_ref[0]
    bn = seg.shape[-1]
    xw = (xb * e).astype(jnp.bfloat16)
    e16 = e.astype(jnp.bfloat16)
    smin = jnp.min(seg)
    smax = jnp.max(seg)
    for j in range(s // sw):
        lo = j * sw

        @pl.when(jnp.logical_and(smin < lo + sw, smax >= lo))
        def _win(lo=lo):
            pj = (jax.lax.broadcasted_iota(jnp.int32, (sw, bn), 0) + lo
                  == seg).astype(jnp.bfloat16)
            out_ref[lo:lo + sw, :] += jnp.dot(
                pj, xw, preferred_element_type=jnp.float32)
            dj = jnp.dot(pj, e16, preferred_element_type=jnp.float32)
            denom_ref[lo:lo + sw, :] += jnp.broadcast_to(dj, (sw, 16))

def _pooling_call(x, seg3, w1, b1r, w2, *, bn, nb, s, d, sw=256,
                  interpret=False):
    return pl.pallas_call(
        functools.partial(_pool_body, nb=nb, s=s, sw=sw),
        grid=(nb,),
        in_specs=[
            pl.BlockSpec((1, 1, bn), lambda i: (i, 0, 0)),
            pl.BlockSpec((bn, d), lambda i: (i, 0)),
            pl.BlockSpec((d, d), lambda i: (0, 0)),
            pl.BlockSpec((1, d), lambda i: (0, 0)),
            pl.BlockSpec((d, 1), lambda i: (0, 0)),
        ],
        out_specs=(pl.BlockSpec((s, d), lambda i: (0, 0)),
                   pl.BlockSpec((s, 16), lambda i: (0, 0))),
        out_shape=(jax.ShapeDtypeStruct((s, d), jnp.float32),
                   jax.ShapeDtypeStruct((s, 16), jnp.float32)),
        compiler_params=pltpu.CompilerParams(
            dimension_semantics=("arbitrary",)),
        interpret=interpret,
    )(seg3, x, w1, b1r, w2)


def _sc_norm_body(numer_hbm, denom_hbm, out_hbm, numer_v, denom_v, *, rows, d):
    w = lax.axis_index("c") * 16 + lax.axis_index("s")
    base = w * rows
    pltpu.sync_copy(numer_hbm.at[pl.ds(base * d, rows * d)], numer_v)
    pltpu.sync_copy(denom_hbm.at[pl.ds(base * 16, rows * 16)], denom_v)
    for r in range(rows):
        ivec = 1.0 / (denom_v[pl.ds(r * 16, 16)] + 1e-16)
        for cc in range(d // 16):
            o = r * d + cc * 16
            numer_v[pl.ds(o, 16)] = numer_v[pl.ds(o, 16)] * ivec
    pltpu.sync_copy(numer_v, out_hbm.at[pl.ds(base * d, rows * d)])


def _sc_normalize(numer_flat, denom_flat, *, s, d):
    nw = 32
    rows = s // nw
    kfn = pl.kernel(
        functools.partial(_sc_norm_body, rows=rows, d=d),
        mesh=plsc.VectorSubcoreMesh(core_axis_name="c", subcore_axis_name="s"),
        out_type=jax.ShapeDtypeStruct((s * d,), jnp.float32),
        scratch_types=[
            pltpu.VMEM((rows * d,), jnp.float32),
            pltpu.VMEM((rows * 16,), jnp.float32),
        ],
    )
    return kfn(numer_flat, denom_flat)


def kernel(x, batch, W1, b1, W2, b2):
    n, d = x.shape
    bn = 12800
    nb = n // bn
    seg3 = batch.astype(jnp.int32).reshape(nb, 1, bn)
    numer, denom = _pooling_call(x, seg3, W1, b1.reshape(1, d), W2,
                                 bn=bn, nb=nb, s=_S, d=d, sw=128)
    out_flat = _sc_normalize(numer.reshape(_S * d), denom.reshape(_S * 16),
                             s=_S, d=d)
    return out_flat.reshape(_S, d)

# --- scband reference (transcript-rebuilt; emitter-appended) ---
"""Pipeline reference for scband-pooling-25872882991406 (READ-ONLY COPY).

The authoritative reference and input builder live on the scoring server;
editing this copy changes nothing except your own understanding.
"""

import jax, jax.numpy as jnp
import numpy as np

N = 320000
D = 128
S = 1024

def setup_inputs(seed: int = 0) -> dict:
    key = jax.random.key(seed)
    k1, k2, k3, k4, k5, k6 = jax.random.split(key, 6)
    x = jax.random.normal(k1, (N, D), dtype=jnp.float32)
    batch = jnp.sort(jax.random.randint(k2, (N,), 0, S)).astype(jnp.int64)
    # attention_layer params: Linear(D, D) -> Tanh -> Linear(D, 1)
    W1 = jax.random.normal(k3, (D, D), dtype=jnp.float32) * (1.0 / np.sqrt(D))
    b1 = jax.random.normal(k4, (D,), dtype=jnp.float32) * 0.01
    W2 = jax.random.normal(k5, (D, 1), dtype=jnp.float32) * (1.0 / np.sqrt(D))
    b2 = jax.random.normal(k6, (1,), dtype=jnp.float32) * 0.01
    return {"x": x, "batch": batch, "W1": W1, "b1": b1, "W2": W2, "b2": b2}

def reference(x, batch, W1, b1, W2, b2):
    seg = batch.astype(jnp.int32)
    # attention scores
    h = jnp.tanh(x @ W1 + b1)
    w = (h @ W2 + b2)[:, 0]  # squeeze -> [N]
    # segment softmax (torch_geometric.utils.softmax semantics: subtract per-segment max)
    wmax = jax.ops.segment_max(w, seg, num_segments=S)
    wmax = jnp.where(jnp.isfinite(wmax), wmax, 0.0)
    wexp = jnp.exp(w - wmax[seg])
    denom = jax.ops.segment_sum(wexp, seg, num_segments=S)
    att = wexp / (denom[seg] + 1e-16)
    # weighted scatter-sum pooling
    x_weighted = x * att[:, None]
    out = jax.ops.segment_sum(x_weighted, seg, num_segments=S)
    return out

if __name__ == "__main__":
    import jax
    _d = setup_inputs()
    print(jax.jit(kernel)(*tuple(_d.values())))

</pallas_src>

<mosaic_0001>
#map = affine_map<(d0, d1) -> (0)>
module attributes {stable_mosaic.version = 14 : i64} {
  func.func @_sc_norm_body(%arg0: i32, %arg1: i32, %arg2: memref<131072xf32, #tpu.memory_space<hbm>>, %arg3: memref<16384xf32, #tpu.memory_space<hbm>>, %arg4: memref<131072xf32, #tpu.memory_space<hbm>>, %arg5: memref<4096xf32, #tpu.memory_space<vmem>>, %arg6: memref<512xf32, #tpu.memory_space<vmem>>) attributes {dimension_semantics = [#tpu.dimension_semantics<core_parallel>, #tpu.dimension_semantics<subcore_parallel>], iteration_bounds = array<i64: 2, 16>, scalar_prefetch = 0 : i64, scratch_operands = 2 : i64, tpu.core_type = #tpu.core_type<sc_vector_subcore>, window_params = [{transform_indices = #map}, {transform_indices = #map}, {transform_indices = #map}]} {
    %mul3A = arith.constant 16 : i32
    %mul3A_0 = arith.muli %arg0, %mul3A : i32
    %add3A = arith.addi %mul3A_0, %arg1 : i32
    %mul3A_1 = arith.constant 32 : i32
    %mul3A_2 = arith.muli %add3A, %mul3A_1 : i32
    %mul3A_3 = arith.constant 128 : i32
    %mul3A_4 = arith.muli %mul3A_2, %mul3A_3 : i32
    "tpu.region"() ({
      %run_scoped3A = tpu.sem_alloc : memref<!tpu.dma_semaphore, #tpu.memory_space<semaphore_mem>>
      %dma_start3A = tpu.memref_slice %arg2[%mul3A_4] : memref<131072xf32, #tpu.memory_space<hbm>> -> memref<4096xf32, #tpu.memory_space<hbm>>
      %dma_start3A_2342 = tpu.memref_slice %arg2[%mul3A_4] : memref<131072xf32, #tpu.memory_space<hbm>> -> memref<4096xf32, #tpu.memory_space<hbm>>
      tpu.enqueue_dma source(%dma_start3A_2342 : memref<4096xf32, #tpu.memory_space<hbm>>) target(%arg5 : memref<4096xf32, #tpu.memory_space<vmem>>) target_semaphore(%run_scoped3A : memref<!tpu.dma_semaphore, #tpu.memory_space<semaphore_mem>>)
      %dma_wait3A = tpu.memref_slice %arg2[%mul3A_4] : memref<131072xf32, #tpu.memory_space<hbm>> -> memref<4096xf32, #tpu.memory_space<hbm>>
      %dma_wait3A_2343 = tpu.memref_slice %arg2[%mul3A_4] : memref<131072xf32, #tpu.memory_space<hbm>> -> memref<4096xf32, #tpu.memory_space<hbm>>
      tpu.wait_dma2 semaphore(%run_scoped3A : memref<!tpu.dma_semaphore, #tpu.memory_space<semaphore_mem>>) src(%dma_wait3A_2343 : memref<4096xf32, #tpu.memory_space<hbm>>) dst(%arg5 : memref<4096xf32, #tpu.memory_space<vmem>>)
      tpu.yield
    }) : () -> ()
    %mul3A_5 = arith.constant 16 : i32
    %mul3A_6 = arith.muli %mul3A_2, %mul3A_5 : i32
    "tpu.region"() ({
      %run_scoped3A = tpu.sem_alloc : memref<!tpu.dma_semaphore, #tpu.memory_space<semaphore_mem>>
      %dma_start3A = tpu.memref_slice %arg3[%mul3A_6] : memref<16384xf32, #tpu.memory_space<hbm>> -> memref<512xf32, #tpu.memory_space<hbm>>
      %dma_start3A_2342 = tpu.memref_slice %arg3[%mul3A_6] : memref<16384xf32, #tpu.memory_space<hbm>> -> memref<512xf32, #tpu.memory_space<hbm>>
      tpu.enqueue_dma source(%dma_start3A_2342 : memref<512xf32, #tpu.memory_space<hbm>>) target(%arg6 : memref<512xf32, #tpu.memory_space<vmem>>) target_semaphore(%run_scoped3A : memref<!tpu.dma_semaphore, #tpu.memory_space<semaphore_mem>>)
      %dma_wait3A = tpu.memref_slice %arg3[%mul3A_6] : memref<16384xf32, #tpu.memory_space<hbm>> -> memref<512xf32, #tpu.memory_space<hbm>>
      %dma_wait3A_2343 = tpu.memref_slice %arg3[%mul3A_6] : memref<16384xf32, #tpu.memory_space<hbm>> -> memref<512xf32, #tpu.memory_space<hbm>>
      tpu.wait_dma2 semaphore(%run_scoped3A : memref<!tpu.dma_semaphore, #tpu.memory_space<semaphore_mem>>) src(%dma_wait3A_2343 : memref<512xf32, #tpu.memory_space<hbm>>) dst(%arg6 : memref<512xf32, #tpu.memory_space<vmem>>)
      tpu.yield
    }) : () -> ()
    %get3A = arith.constant 0 : index
    %get3A_7 = tpu.vector_load %arg6[%get3A] {strides = array<i32>} : memref<512xf32, #tpu.memory_space<vmem>>, vector<16xf32>,
    %get3A_8 = vector.shape_cast %get3A_7 : vector<16xf32> to vector<16xf32>
    %add3A_9 = arith.constant 1.000000e-16 : f32
    %add3A_10 = vector.broadcast %add3A_9 : f32 to vector<16xf32>
    %add3A_11 = arith.addf %get3A_8, %add3A_10 : vector<16xf32>
    %div3A = arith.constant 1.000000e+00 : f32
    %div3A_12 = vector.broadcast %div3A : f32 to vector<16xf32>
    %div3A_13 = arith.divf %div3A_12, %add3A_11 : vector<16xf32>
    %get3A_14 = arith.constant 0 : index
    %get3A_15 = tpu.vector_load %arg5[%get3A_14] {strides = array<i32>} : memref<4096xf32, #tpu.memory_space<vmem>>, vector<16xf32>,
    %get3A_16 = vector.shape_cast %get3A_15 : vector<16xf32> to vector<16xf32>
    %mul3A_17 = arith.mulf %get3A_16, %div3A_13 : vector<16xf32>
    %swap3A = arith.constant 0 : index
    %swap3A_18 = tpu.vector_load %arg5[%swap3A] {strides = array<i32>} : memref<4096xf32, #tpu.memory_space<vmem>>, vector<16xf32>,
    %swap3A_19 = vector.shape_cast %swap3A_18 : vector<16xf32> to vector<16xf32>
    %swap3A_20 = vector.shape_cast %mul3A_17 : vector<16xf32> to vector<16xf32>
    tpu.vector_store %arg5[%swap3A], %swap3A_20 {strides = array<i32>} : memref<4096xf32, #tpu.memory_space<vmem>>, vector<16xf32>,
    %get3A_21 = arith.constant 16 : index
    %get3A_22 = tpu.vector_load %arg5[%get3A_21] {strides = array<i32>} : memref<4096xf32, #tpu.memory_space<vmem>>, vector<16xf32>,
    %get3A_23 = vector.shape_cast %get3A_22 : vector<16xf32> to vector<16xf32>
    %mul3A_24 = arith.mulf %get3A_23, %div3A_13 : vector<16xf32>
    %swap3A_25 = arith.constant 16 : index
    %swap3A_26 = tpu.vector_load %arg5[%swap3A_25] {strides = array<i32>} : memref<4096xf32, #tpu.memory_space<vmem>>, vector<16xf32>,
    %swap3A_27 = vector.shape_cast %swap3A_26 : vector<16xf32> to vector<16xf32>
    %swap3A_28 = vector.shape_cast %mul3A_24 : vector<16xf32> to vector<16xf32>
    tpu.vector_store %arg5[%swap3A_25], %swap3A_28 {strides = array<i32>} : memref<4096xf32, #tpu.memory_space<vmem>>, vector<16xf32>,
    %get3A_29 = arith.constant 32 : index
    %get3A_30 = tpu.vector_load %arg5[%get3A_29] {strides = array<i32>} : memref<4096xf32, #tpu.memory_space<vmem>>, vector<16xf32>,
    %get3A_31 = vector.shape_cast %get3A_30 : vector<16xf32> to vector<16xf32>
    %mul3A_32 = arith.mulf %get3A_31, %div3A_13 : vector<16xf32>
    %swap3A_33 = arith.constant 32 : index
    %swap3A_34 = tpu.vector_load %arg5[%swap3A_33] {strides = array<i32>} : memref<4096xf32, #tpu.memory_space<vmem>>, vector<16xf32>,
    %swap3A_35 = vector.shape_cast %swap3A_34 : vector<16xf32> to vector<16xf32>
    %swap3A_36 = vector.shape_cast %mul3A_32 : vector<16xf32> to vector<16xf32>
    tpu.vector_store %arg5[%swap3A_33], %swap3A_36 {strides = array<i32>} : memref<4096xf32, #tpu.memory_space<vmem>>, vector<16xf32>,
    %get3A_37 = arith.constant 48 : index
    %get3A_38 = tpu.vector_load %arg5[%get3A_37] {strides = array<i32>} : memref<4096xf32, #tpu.memory_space<vmem>>, vector<16xf32>,
    %get3A_39 = vector.shape_cast %get3A_38 : vector<16xf32> to vector<16xf32>
    %mul3A_40 = arith.mulf %get3A_39, %div3A_13 : vector<16xf32>
    %swap3A_41 = arith.constant 48 : index
    %swap3A_42 = tpu.vector_load %arg5[%swap3A_41] {strides = array<i32>} : memref<4096xf32, #tpu.memory_space<vmem>>, vector<16xf32>,
    %swap3A_43 = vector.shape_cast %swap3A_42 : vector<16xf32> to vector<16xf32>
    %swap3A_44 = vector.shape_cast %mul3A_40 : vector<16xf32> to vector<16xf32>
    tpu.vector_store %arg5[%swap3A_41], %swap3A_44 {strides = array<i32>} : memref<4096xf32, #tpu.memory_space<vmem>>, vector<16xf32>,
    %get3A_45 = arith.constant 64 : index
    %get3A_46 = tpu.vector_load %arg5[%get3A_45] {strides = array<i32>} : memref<4096xf32, #tpu.memory_space<vmem>>, vector<16xf32>,
    %get3A_47 = vector.shape_cast %get3A_46 : vector<16xf32> to vector<16xf32>
    %mul3A_48 = arith.mulf %get3A_47, %div3A_13 : vector<16xf32>
    %swap3A_49 = arith.constant 64 : index
    %swap3A_50 = tpu.vector_load %arg5[%swap3A_49] {strides = array<i32>} : memref<4096xf32, #tpu.memory_space<vmem>>, vector<16xf32>,
    %swap3A_51 = vector.shape_cast %swap3A_50 : vector<16xf32> to vector<16xf32>
    %swap3A_52 = vector.shape_cast %mul3A_48 : vector<16xf32> to vector<16xf32>
    tpu.vector_store %arg5[%swap3A_49], %swap3A_52 {strides = array<i32>} : memref<4096xf32, #tpu.memory_space<vmem>>, vector<16xf32>,
    %get3A_53 = arith.constant 80 : index
    %get3A_54 = tpu.vector_load %arg5[%get3A_53] {strides = array<i32>} : memref<4096xf32, #tpu.memory_space<vmem>>, vector<16xf32>,
    %get3A_55 = vector.shape_cast %get3A_54 : vector<16xf32> to vector<16xf32>
    %mul3A_56 = arith.mulf %get3A_55, %div3A_13 : vector<16xf32>
    %swap3A_57 = arith.constant 80 : index
    %swap3A_58 = tpu.vector_load %arg5[%swap3A_57] {strides = array<i32>} : memref<4096xf32, #tpu.memory_space<vmem>>, vector<16xf32>,
    %swap3A_59 = vector.shape_cast %swap3A_58 : vector<16xf32> to vector<16xf32>
    %swap3A_60 = vector.shape_cast %mul3A_56 : vector<16xf32> to vector<16xf32>
    tpu.vector_store %arg5[%swap3A_57], %swap3A_60 {strides = array<i32>} : memref<4096xf32, #tpu.memory_space<vmem>>, vector<16xf32>,
    %get3A_61 = arith.constant 96 : index
    %get3A_62 = tpu.vector_load %arg5[%get3A_61] {strides = array<i32>} : memref<4096xf32, #tpu.memory_space<vmem>>, vector<16xf32>,
    %get3A_63 = vector.shape_cast %get3A_62 : vector<16xf32> to vector<16xf32>
    %mul3A_64 = arith.mulf %get3A_63, %div3A_13 : vector<16xf32>
    %swap3A_65 = arith.constant 96 : index
    %swap3A_66 = tpu.vector_load %arg5[%swap3A_65] {strides = array<i32>} : memref<4096xf32, #tpu.memory_space<vmem>>, vector<16xf32>,
    %swap3A_67 = vector.shape_cast %swap3A_66 : vector<16xf32> to vector<16xf32>
    %swap3A_68 = vector.shape_cast %mul3A_64 : vector<16xf32> to vector<16xf32>
    tpu.vector_store %arg5[%swap3A_65], %swap3A_68 {strides = array<i32>} : memref<4096xf32, #tpu.memory_space<vmem>>, vector<16xf32>,
    %get3A_69 = arith.constant 112 : index
    %get3A_70 = tpu.vector_load %arg5[%get3A_69] {strides = array<i32>} : memref<4096xf32, #tpu.memory_space<vmem>>, vector<16xf32>,
    %get3A_71 = vector.shape_cast %get3A_70 : vector<16xf32> to vector<16xf32>
    %mul3A_72 = arith.mulf %get3A_71, %div3A_13 : vector<16xf32>
    %swap3A_73 = arith.constant 112 : index
    %swap3A_74 = tpu.vector_load %arg5[%swap3A_73] {strides = array<i32>} : memref<4096xf32, #tpu.memory_space<vmem>>, vector<16xf32>,
    %swap3A_75 = vector.shape_cast %swap3A_74 : vector<16xf32> to vector<16xf32>
    %swap3A_76 = vector.shape_cast %mul3A_72 : vector<16xf32> to vector<16xf32>
    tpu.vector_store %arg5[%swap3A_73], %swap3A_76 {strides = array<i32>} : memref<4096xf32, #tpu.memory_space<vmem>>, vector<16xf32>,
    %get3A_77 = arith.constant 16 : index
    %get3A_78 = tpu.vector_load %arg6[%get3A_77] {strides = array<i32>} : memref<512xf32, #tpu.memory_space<vmem>>, vector<16xf32>,
    %get3A_79 = vector.shape_cast %get3A_78 : vector<16xf32> to vector<16xf32>
    %add3A_80 = arith.constant 1.000000e-16 : f32
    %add3A_81 = vector.broadcast %add3A_80 : f32 to vector<16xf32>
    %add3A_82 = arith.addf %get3A_79, %add3A_81 : vector<16xf32>
    %div3A_83 = arith.constant 1.000000e+00 : f32
    %div3A_84 = vector.broadcast %div3A_83 : f32 to vector<16xf32>
    %div3A_85 = arith.divf %div3A_84, %add3A_82 : vector<16xf32>
    %get3A_86 = arith.constant 128 : index
    %get3A_87 = tpu.vector_load %arg5[%get3A_86] {strides = array<i32>} : memref<4096xf32, #tpu.memory_space<vmem>>, vector<16xf32>,
    %get3A_88 = vector.shape_cast %get3A_87 : vector<16xf32> to vector<16xf32>
    %mul3A_89 = arith.mulf %get3A_88, %div3A_85 : vector<16xf32>
    %swap3A_90 = arith.constant 128 : index
    %swap3A_91 = tpu.vector_load %arg5[%swap3A_90] {strides = array<i32>} : memref<4096xf32, #tpu.memory_space<vmem>>, vector<16xf32>,
    %swap3A_92 = vector.shape_cast %swap3A_91 : vector<16xf32> to vector<16xf32>
    %swap3A_93 = vector.shape_cast %mul3A_89 : vector<16xf32> to vector<16xf32>
    tpu.vector_store %arg5[%swap3A_90], %swap3A_93 {strides = array<i32>} : memref<4096xf32, #tpu.memory_space<vmem>>, vector<16xf32>,
    %get3A_94 = arith.constant 144 : index
    %get3A_95 = tpu.vector_load %arg5[%get3A_94] {strides = array<i32>} : memref<4096xf32, #tpu.memory_space<vmem>>, vector<16xf32>,
    %get3A_96 = vector.shape_cast %get3A_95 : vector<16xf32> to vector<16xf32>
    %mul3A_97 = arith.mulf %get3A_96, %div3A_85 : vector<16xf32>
    %swap3A_98 = arith.constant 144 : index
    %swap3A_99 = tpu.vector_load %arg5[%swap3A_98] {strides = array<i32>} : memref<4096xf32, #tpu.memory_space<vmem>>, vector<16xf32>,
    %swap3A_100 = vector.shape_cast %swap3A_99 : vector<16xf32> to vector<16xf32>
    %swap3A_101 = vector.shape_cast %mul3A_97 : vector<16xf32> to vector<16xf32>
    tpu.vector_store %arg5[%swap3A_98], %swap3A_101 {strides = array<i32>} : memref<4096xf32, #tpu.memory_space<vmem>>, vector<16xf32>,
    %get3A_102 = arith.constant 160 : index
    %get3A_103 = tpu.vector_load %arg5[%get3A_102] {strides = array<i32>} : memref<4096xf32, #tpu.memory_space<vmem>>, vector<16xf32>,
    %get3A_104 = vector.shape_cast %get3A_103 : vector<16xf32> to vector<16xf32>
    %mul3A_105 = arith.mulf %get3A_104, %div3A_85 : vector<16xf32>
    %swap3A_106 = arith.constant 160 : index
    %swap3A_107 = tpu.vector_load %arg5[%swap3A_106] {strides = array<i32>} : memref<4096xf32, #tpu.memory_space<vmem>>, vector<16xf32>,
    %swap3A_108 = vector.shape_cast %swap3A_107 : vector<16xf32> to vector<16xf32>
    %swap3A_109 = vector.shape_cast %mul3A_105 : vector<16xf32> to vector<16xf32>
    tpu.vector_store %arg5[%swap3A_106], %swap3A_109 {strides = array<i32>} : memref<4096xf32, #tpu.memory_space<vmem>>, vector<16xf32>,
    %get3A_110 = arith.constant 176 : index
    %get3A_111 = tpu.vector_load %arg5[%get3A_110] {strides = array<i32>} : memref<4096xf32, #tpu.memory_space<vmem>>, vector<16xf32>,
    %get3A_112 = vector.shape_cast %get3A_111 : vector<16xf32> to vector<16xf32>
    %mul3A_113 = arith.mulf %get3A_112, %div3A_85 : vector<16xf32>
    %swap3A_114 = arith.constant 176 : index
    %swap3A_115 = tpu.vector_load %arg5[%swap3A_114] {strides = array<i32>} : memref<4096xf32, #tpu.memory_space<vmem>>, vector<16xf32>,
    %swap3A_116 = vector.shape_cast %swap3A_115 : vector<16xf32> to vector<16xf32>
    %swap3A_117 = vector.shape_cast %mul3A_113 : vector<16xf32> to vector<16xf32>
    tpu.vector_store %arg5[%swap3A_114], %swap3A_117 {strides = array<i32>} : memref<4096xf32, #tpu.memory_space<vmem>>, vector<16xf32>,
    %get3A_118 = arith.constant 192 : index
    %get3A_119 = tpu.vector_load %arg5[%get3A_118] {strides = array<i32>} : memref<4096xf32, #tpu.memory_space<vmem>>, vector<16xf32>,
    %get3A_120 = vector.shape_cast %get3A_119 : vector<16xf32> to vector<16xf32>
    %mul3A_121 = arith.mulf %get3A_120, %div3A_85 : vector<16xf32>
    %swap3A_122 = arith.constant 192 : index
    %swap3A_123 = tpu.vector_load %arg5[%swap3A_122] {strides = array<i32>} : memref<4096xf32, #tpu.memory_space<vmem>>, vector<16xf32>,
    %swap3A_124 = vector.shape_cast %swap3A_123 : vector<16xf32> to vector<16xf32>
    %swap3A_125 = vector.shape_cast %mul3A_121 : vector<16xf32> to vector<16xf32>
    tpu.vector_store %arg5[%swap3A_122], %swap3A_125 {strides = array<i32>} : memref<4096xf32, #tpu.memory_space<vmem>>, vector<16xf32>,
    %get3A_126 = arith.constant 208 : index
    %get3A_127 = tpu.vector_load %arg5[%get3A_126] {strides = array<i32>} : memref<4096xf32, #tpu.memory_space<vmem>>, vector<16xf32>,
    %get3A_128 = vector.shape_cast %get3A_127 : vector<16xf32> to vector<16xf32>
    %mul3A_129 = arith.mulf %get3A_128, %div3A_85 : vector<16xf32>
    %swap3A_130 = arith.constant 208 : index
    %swap3A_131 = tpu.vector_load %arg5[%swap3A_130] {strides = array<i32>} : memref<4096xf32, #tpu.memory_space<vmem>>, vector<16xf32>,
    %swap3A_132 = vector.shape_cast %swap3A_131 : vector<16xf32> to vector<16xf32>
    %swap3A_133 = vector.shape_cast %mul3A_129 : vector<16xf32> to vector<16xf32>
    tpu.vector_store %arg5[%swap3A_130], %swap3A_133 {strides = array<i32>} : memref<4096xf32, #tpu.memory_space<vmem>>, vector<16xf32>,
    %get3A_134 = arith.constant 224 : index
    %get3A_135 = tpu.vector_load %arg5[%get3A_134] {strides = array<i32>} : memref<4096xf32, #tpu.memory_space<vmem>>, vector<16xf32>,
    %get3A_136 = vector.shape_cast %get3A_135 : vector<16xf32> to vector<16xf32>
    %mul3A_137 = arith.mulf %get3A_136, %div3A_85 : vector<16xf32>
    %swap3A_138 = arith.constant 224 : index
    %swap3A_139 = tpu.vector_load %arg5[%swap3A_138] {strides = array<i32>} : memref<4096xf32, #tpu.memory_space<vmem>>, vector<16xf32>,
    %swap3A_140 = vector.shape_cast %swap3A_139 : vector<16xf32> to vector<16xf32>
    %swap3A_141 = vector.shape_cast %mul3A_137 : vector<16xf32> to vector<16xf32>
    tpu.vector_store %arg5[%swap3A_138], %swap3A_141 {strides = array<i32>} : memref<4096xf32, #tpu.memory_space<vmem>>, vector<16xf32>,
    %get3A_142 = arith.constant 240 : index
    %get3A_143 = tpu.vector_load %arg5[%get3A_142] {strides = array<i32>} : memref<4096xf32, #tpu.memory_space<vmem>>, vector<16xf32>,
    %get3A_144 = vector.shape_cast %get3A_143 : vector<16xf32> to vector<16xf32>
    %mul3A_145 = arith.mulf %get3A_144, %div3A_85 : vector<16xf32>
    %swap3A_146 = arith.constant 240 : index
    %swap3A_147 = tpu.vector_load %arg5[%swap3A_146] {strides = array<i32>} : memref<4096xf32, #tpu.memory_space<vmem>>, vector<16xf32>,
    %swap3A_148 = vector.shape_cast %swap3A_147 : vector<16xf32> to vector<16xf32>
    %swap3A_149 = vector.shape_cast %mul3A_145 : vector<16xf32> to vector<16xf32>
    tpu.vector_store %arg5[%swap3A_146], %swap3A_149 {strides = array<i32>} : memref<4096xf32, #tpu.memory_space<vmem>>, vector<16xf32>,
    %get3A_150 = arith.constant 32 : index
    %get3A_151 = tpu.vector_load %arg6[%get3A_150] {strides = array<i32>} : memref<512xf32, #tpu.memory_space<vmem>>, vector<16xf32>,
    %get3A_152 = vector.shape_cast %get3A_151 : vector<16xf32> to vector<16xf32>
    %add3A_153 = arith.constant 1.000000e-16 : f32
    %add3A_154 = vector.broadcast %add3A_153 : f32 to vector<16xf32>
    %add3A_155 = arith.addf %get3A_152, %add3A_154 : vector<16xf32>
    %div3A_156 = arith.constant 1.000000e+00 : f32
    %div3A_157 = vector.broadcast %div3A_156 : f32 to vector<16xf32>
    %div3A_158 = arith.divf %div3A_157, %add3A_155 : vector<16xf32>
    %get3A_159 = arith.constant 256 : index
    %get3A_160 = tpu.vector_load %arg5[%get3A_159] {strides = array<i32>} : memref<4096xf32, #tpu.memory_space<vmem>>, vector<16xf32>,
    %get3A_161 = vector.shape_cast %get3A_160 : vector<16xf32> to vector<16xf32>
    %mul3A_162 = arith.mulf %get3A_161, %div3A_158 : vector<16xf32>
    %swap3A_163 = arith.constant 256 : index
    %swap3A_164 = tpu.vector_load %arg5[%swap3A_163] {strides = array<i32>} : memref<4096xf32, #tpu.memory_space<vmem>>, vector<16xf32>,
    %swap3A_165 = vector.shape_cast %swap3A_164 : vector<16xf32> to vector<16xf32>
    %swap3A_166 = vector.shape_cast %mul3A_162 : vector<16xf32> to vector<16xf32>
    tpu.vector_store %arg5[%swap3A_163], %swap3A_166 {strides = array<i32>} : memref<4096xf32, #tpu.memory_space<vmem>>, vector<16xf32>,
    %get3A_167 = arith.constant 272 : index
    %get3A_168 = tpu.vector_load %arg5[%get3A_167] {strides = array<i32>} : memref<4096xf32, #tpu.memory_space<vmem>>, vector<16xf32>,
    %get3A_169 = vector.shape_cast %get3A_168 : vector<16xf32> to vector<16xf32>
    %mul3A_170 = arith.mulf %get3A_169, %div3A_158 : vector<16xf32>
    %swap3A_171 = arith.constant 272 : index
    %swap3A_172 = tpu.vector_load %arg5[%swap3A_171] {strides = array<i32>} : memref<4096xf32, #tpu.memory_space<vmem>>, vector<16xf32>,
    %swap3A_173 = vector.shape_cast %swap3A_172 : vector<16xf32> to vector<16xf32>
    %swap3A_174 = vector.shape_cast %mul3A_170 : vector<16xf32> to vector<16xf32>
    tpu.vector_store %arg5[%swap3A_171], %swap3A_174 {strides = array<i32>} : memref<4096xf32, #tpu.memory_space<vmem>>, vector<16xf32>,
    %get3A_175 = arith.constant 288 : index
    %get3A_176 = tpu.vector_load %arg5[%get3A_175] {strides = array<i32>} : memref<4096xf32, #tpu.memory_space<vmem>>, vector<16xf32>,
    %get3A_177 = vector.shape_cast %get3A_176 : vector<16xf32> to vector<16xf32>
    %mul3A_178 = arith.mulf %get3A_177, %div3A_158 : vector<16xf32>
    %swap3A_179 = arith.constant 288 : index
    %swap3A_180 = tpu.vector_load %arg5[%swap3A_179] {strides = array<i32>} : memref<4096xf32, #tpu.memory_space<vmem>>, vector<16xf32>,
    %swap3A_181 = vector.shape_cast %swap3A_180 : vector<16xf32> to vector<16xf32>
    %swap3A_182 = vector.shape_cast %mul3A_178 : vector<16xf32> to vector<16xf32>
    tpu.vector_store %arg5[%swap3A_179], %swap3A_182 {strides = array<i32>} : memref<4096xf32, #tpu.memory_space<vmem>>, vector<16xf32>,
    %get3A_183 = arith.constant 304 : index
    %get3A_184 = tpu.vector_load %arg5[%get3A_183] {strides = array<i32>} : memref<4096xf32, #tpu.memory_space<vmem>>, vector<16xf32>,
    %get3A_185 = vector.shape_cast %get3A_184 : vector<16xf32> to vector<16xf32>
    %mul3A_186 = arith.mulf %get3A_185, %div3A_158 : vector<16xf32>
    %swap3A_187 = arith.constant 304 : index
    %swap3A_188 = tpu.vector_load %arg5[%swap3A_187] {strides = array<i32>} : memref<4096xf32, #tpu.memory_space<vmem>>, vector<16xf32>,
    %swap3A_189 = vector.shape_cast %swap3A_188 : vector<16xf32> to vector<16xf32>
    %swap3A_190 = vector.shape_cast %mul3A_186 : vector<16xf32> to vector<16xf32>
    tpu.vector_store %arg5[%swap3A_187], %swap3A_190 {strides = array<i32>} : memref<4096xf32, #tpu.memory_space<vmem>>, vector<16xf32>,
    %get3A_191 = arith.constant 320 : index
    %get3A_192 = tpu.vector_load %arg5[%get3A_191] {strides = array<i32>} : memref<4096xf32, #tpu.memory_space<vmem>>, vector<16xf32>,
    %get3A_193 = vector.shape_cast %get3A_192 : vector<16xf32> to vector<16xf32>
    %mul3A_194 = arith.mulf %get3A_193, %div3A_158 : vector<16xf32>
    %swap3A_195 = arith.constant 320 : index
    %swap3A_196 = tpu.vector_load %arg5[%swap3A_195] {strides = array<i32>} : memref<4096xf32, #tpu.memory_space<vmem>>, vector<16xf32>,
    %swap3A_197 = vector.shape_cast %swap3A_196 : vector<16xf32> to vector<16xf32>
    %swap3A_198 = vector.shape_cast %mul3A_194 : vector<16xf32> to vector<16xf32>
    tpu.vector_store %arg5[%swap3A_195], %swap3A_198 {strides = array<i32>} : memref<4096xf32, #tpu.memory_space<vmem>>, vector<16xf32>,
    %get3A_199 = arith.constant 336 : index
    %get3A_200 = tpu.vector_load %arg5[%get3A_199] {strides = array<i32>} : memref<4096xf32, #tpu.memory_space<vmem>>, vector<16xf32>,
    %get3A_201 = vector.shape_cast %get3A_200 : vector<16xf32> to vector<16xf32>
    %mul3A_202 = arith.mulf %get3A_201, %div3A_158 : vector<16xf32>
    %swap3A_203 = arith.constant 336 : index
    %swap3A_204 = tpu.vector_load %arg5[%swap3A_203] {strides = array<i32>} : memref<4096xf32, #tpu.memory_space<vmem>>, vector<16xf32>,
    %swap3A_205 = vector.shape_cast %swap3A_204 : vector<16xf32> to vector<16xf32>
    %swap3A_206 = vector.shape_cast %mul3A_202 : vector<16xf32> to vector<16xf32>
    tpu.vector_store %arg5[%swap3A_203], %swap3A_206 {strides = array<i32>} : memref<4096xf32, #tpu.memory_space<vmem>>, vector<16xf32>,
    %get3A_207 = arith.constant 352 : index
    %get3A_208 = tpu.vector_load %arg5[%get3A_207] {strides = array<i32>} : memref<4096xf32, #tpu.memory_space<vmem>>, vector<16xf32>,
    %get3A_209 = vector.shape_cast %get3A_208 : vector<16xf32> to vector<16xf32>
    %mul3A_210 = arith.mulf %get3A_209, %div3A_158 : vector<16xf32>
    %swap3A_211 = arith.constant 352 : index
    %swap3A_212 = tpu.vector_load %arg5[%swap3A_211] {strides = array<i32>} : memref<4096xf32, #tpu.memory_space<vmem>>, vector<16xf32>,
    %swap3A_213 = vector.shape_cast %swap3A_212 : vector<16xf32> to vector<16xf32>
    %swap3A_214 = vector.shape_cast %mul3A_210 : vector<16xf32> to vector<16xf32>
    tpu.vector_store %arg5[%swap3A_211], %swap3A_214 {strides = array<i32>} : memref<4096xf32, #tpu.memory_space<vmem>>, vector<16xf32>,
    %get3A_215 = arith.constant 368 : index
    %get3A_216 = tpu.vector_load %arg5[%get3A_215] {strides = array<i32>} : memref<4096xf32, #tpu.memory_space<vmem>>, vector<16xf32>,
    %get3A_217 = vector.shape_cast %get3A_216 : vector<16xf32> to vector<16xf32>
    %mul3A_218 = arith.mulf %get3A_217, %div3A_158 : vector<16xf32>
    %swap3A_219 = arith.constant 368 : index
    %swap3A_220 = tpu.vector_load %arg5[%swap3A_219] {strides = array<i32>} : memref<4096xf32, #tpu.memory_space<vmem>>, vector<16xf32>,
    %swap3A_221 = vector.shape_cast %swap3A_220 : vector<16xf32> to vector<16xf32>
    %swap3A_222 = vector.shape_cast %mul3A_218 : vector<16xf32> to vector<16xf32>
    tpu.vector_store %arg5[%swap3A_219], %swap3A_222 {strides = array<i32>} : memref<4096xf32, #tpu.memory_space<vmem>>, vector<16xf32>,
    %get3A_223 = arith.constant 48 : index
    %get3A_224 = tpu.vector_load %arg6[%get3A_223] {strides = array<i32>} : memref<512xf32, #tpu.memory_space<vmem>>, vector<16xf32>,
    %get3A_225 = vector.shape_cast %get3A_224 : vector<16xf32> to vector<16xf32>
    %add3A_226 = arith.constant 1.000000e-16 : f32
    %add3A_227 = vector.broadcast %add3A_226 : f32 to vector<16xf32>
    %add3A_228 = arith.addf %get3A_225, %add3A_227 : vector<16xf32>
    %div3A_229 = arith.constant 1.000000e+00 : f32
    %div3A_230 = vector.broadcast %div3A_229 : f32 to vector<16xf32>
    %div3A_231 = arith.divf %div3A_230, %add3A_228 : vector<16xf32>
    %get3A_232 = arith.constant 384 : index
    %get3A_233 = tpu.vector_load %arg5[%get3A_232] {strides = array<i32>} : memref<4096xf32, #tpu.memory_space<vmem>>, vector<16xf32>,
    %get3A_234 = vector.shape_cast %get3A_233 : vector<16xf32> to vector<16xf32>
    %mul3A_235 = arith.mulf %get3A_234, %div3A_231 : vector<16xf32>
    %swap3A_236 = arith.constant 384 : index
    %swap3A_237 = tpu.vector_load %arg5[%swap3A_236] {strides = array<i32>} : memref<4096xf32, #tpu.memory_space<vmem>>, vector<16xf32>,
    %swap3A_238 = vector.shape_cast %swap3A_237 : vector<16xf32> to vector<16xf32>
    %swap3A_239 = vector.shape_cast %mul3A_235 : vector<16xf32> to vector<16xf32>
    tpu.vector_store %arg5[%swap3A_236], %swap3A_239 {strides = array<i32>} : memref<4096xf32, #tpu.memory_space<vmem>>, vector<16xf32>,
    %get3A_240 = arith.constant 400 : index
    %get3A_241 = tpu.vector_load %arg5[%get3A_240] {strides = array<i32>} : memref<4096xf32, #tpu.memory_space<vmem>>, vector<16xf32>,
    %get3A_242 = vector.shape_cast %get3A_241 : vector<16xf32> to vector<16xf32>
    %mul3A_243 = arith.mulf %get3A_242, %div3A_231 : vector<16xf32>
    %swap3A_244 = arith.constant 400 : index
    %swap3A_245 = tpu.vector_load %arg5[%swap3A_244] {strides = array<i32>} : memref<4096xf32, #tpu.memory_space<vmem>>, vector<16xf32>,
    %swap3A_246 = vector.shape_cast %swap3A_245 : vector<16xf32> to vector<16xf32>
    %swap3A_247 = vector.shape_cast %mul3A_243 : vector<16xf32> to vector<16xf32>
    tpu.vector_store %arg5[%swap3A_244], %swap3A_247 {strides = array<i32>} : memref<4096xf32, #tpu.memory_space<vmem>>, vector<16xf32>,
    %get3A_248 = arith.constant 416 : index
    %get3A_249 = tpu.vector_load %arg5[%get3A_248] {strides = array<i32>} : memref<4096xf32, #tpu.memory_space<vmem>>, vector<16xf32>,
    %get3A_250 = vector.shape_cast %get3A_249 : vector<16xf32> to vector<16xf32>
    %mul3A_251 = arith.mulf %get3A_250, %div3A_231 : vector<16xf32>
    %swap3A_252 = arith.constant 416 : index
    %swap3A_253 = tpu.vector_load %arg5[%swap3A_252] {strides = array<i32>} : memref<4096xf32, #tpu.memory_space<vmem>>, vector<16xf32>,
    %swap3A_254 = vector.shape_cast %swap3A_253 : vector<16xf32> to vector<16xf32>
    %swap3A_255 = vector.shape_cast %mul3A_251 : vector<16xf32> to vector<16xf32>
    tpu.vector_store %arg5[%swap3A_252], %swap3A_255 {strides = array<i32>} : memref<4096xf32, #tpu.memory_space<vmem>>, vector<16xf32>,
    %get3A_256 = arith.constant 432 : index
    %get3A_257 = tpu.vector_load %arg5[%get3A_256] {strides = array<i32>} : memref<4096xf32, #tpu.memory_space<vmem>>, vector<16xf32>,
    %get3A_258 = vector.shape_cast %get3A_257 : vector<16xf32> to vector<16xf32>
    %mul3A_259 = arith.mulf %get3A_258, %div3A_231 : vector<16xf32>
    %swap3A_260 = arith.constant 432 : index
    %swap3A_261 = tpu.vector_load %arg5[%swap3A_260] {strides = array<i32>} : memref<4096xf32, #tpu.memory_space<vmem>>, vector<16xf32>,
    %swap3A_262 = vector.shape_cast %swap3A_261 : vector<16xf32> to vector<16xf32>
    %swap3A_263 = vector.shape_cast %mul3A_259 : vector<16xf32> to vector<16xf32>
    tpu.vector_store %arg5[%swap3A_260], %swap3A_263 {strides = array<i32>} : memref<4096xf32, #tpu.memory_space<vmem>>, vector<16xf32>,
    %get3A_264 = arith.constant 448 : index
    %get3A_265 = tpu.vector_load %arg5[%get3A_264] {strides = array<i32>} : memref<4096xf32, #tpu.memory_space<vmem>>, vector<16xf32>,
    %get3A_266 = vector.shape_cast %get3A_265 : vector<16xf32> to vector<16xf32>
    %mul3A_267 = arith.mulf %get3A_266, %div3A_231 : vector<16xf32>
    %swap3A_268 = arith.constant 448 : index
    %swap3A_269 = tpu.vector_load %arg5[%swap3A_268] {strides = array<i32>} : memref<4096xf32, #tpu.memory_space<vmem>>, vector<16xf32>,
    %swap3A_270 = vector.shape_cast %swap3A_269 : vector<16xf32> to vector<16xf32>
    %swap3A_271 = vector.shape_cast %mul3A_267 : vector<16xf32> to vector<16xf32>
    tpu.vector_store %arg5[%swap3A_268], %swap3A_271 {strides = array<i32>} : memref<4096xf32, #tpu.memory_space<vmem>>, vector<16xf32>,
    %get3A_272 = arith.constant 464 : index
    %get3A_273 = tpu.vector_load %arg5[%get3A_272] {strides = array<i32>} : memref<4096xf32, #tpu.memory_space<vmem>>, vector<16xf32>,
    %get3A_274 = vector.shape_cast %get3A_273 : vector<16xf32> to vector<16xf32>
    %mul3A_275 = arith.mulf %get3A_274, %div3A_231 : vector<16xf32>
    %swap3A_276 = arith.constant 464 : index
    %swap3A_277 = tpu.vector_load %arg5[%swap3A_276] {strides = array<i32>} : memref<4096xf32, #tpu.memory_space<vmem>>, vector<16xf32>,
    %swap3A_278 = vector.shape_cast %swap3A_277 : vector<16xf32> to vector<16xf32>
    %swap3A_279 = vector.shape_cast %mul3A_275 : vector<16xf32> to vector<16xf32>
    tpu.vector_store %arg5[%swap3A_276], %swap3A_279 {strides = array<i32>} : memref<4096xf32, #tpu.memory_space<vmem>>, vector<16xf32>,
    %get3A_280 = arith.constant 480 : index
    %get3A_281 = tpu.vector_load %arg5[%get3A_280] {strides = array<i32>} : memref<4096xf32, #tpu.memory_space<vmem>>, vector<16xf32>,
    %get3A_282 = vector.shape_cast %get3A_281 : vector<16xf32> to vector<16xf32>
    %mul3A_283 = arith.mulf %get3A_282, %div3A_231 : vector<16xf32>
    %swap3A_284 = arith.constant 480 : index
    %swap3A_285 = tpu.vector_load %arg5[%swap3A_284] {strides = array<i32>} : memref<4096xf32, #tpu.memory_space<vmem>>, vector<16xf32>,
    %swap3A_286 = vector.shape_cast %swap3A_285 : vector<16xf32> to vector<16xf32>
    %swap3A_287 = vector.shape_cast %mul3A_283 : vector<16xf32> to vector<16xf32>
    tpu.vector_store %arg5[%swap3A_284], %swap3A_287 {strides = array<i32>} : memref<4096xf32, #tpu.memory_space<vmem>>, vector<16xf32>,
    %get3A_288 = arith.constant 496 : index
    %get3A_289 = tpu.vector_load %arg5[%get3A_288] {strides = array<i32>} : memref<4096xf32, #tpu.memory_space<vmem>>, vector<16xf32>,
    %get3A_290 = vector.shape_cast %get3A_289 : vector<16xf32> to vector<16xf32>
    %mul3A_291 = arith.mulf %get3A_290, %div3A_231 : vector<16xf32>
    %swap3A_292 = arith.constant 496 : index
    %swap3A_293 = tpu.vector_load %arg5[%swap3A_292] {strides = array<i32>} : memref<4096xf32, #tpu.memory_space<vmem>>, vector<16xf32>,
    %swap3A_294 = vector.shape_cast %swap3A_293 : vector<16xf32> to vector<16xf32>
    %swap3A_295 = vector.shape_cast %mul3A_291 : vector<16xf32> to vector<16xf32>
    tpu.vector_store %arg5[%swap3A_292], %swap3A_295 {strides = array<i32>} : memref<4096xf32, #tpu.memory_space<vmem>>, vector<16xf32>,
    %get3A_296 = arith.constant 64 : index
    %get3A_297 = tpu.vector_load %arg6[%get3A_296] {strides = array<i32>} : memref<512xf32, #tpu.memory_space<vmem>>, vector<16xf32>,
    %get3A_298 = vector.shape_cast %get3A_297 : vector<16xf32> to vector<16xf32>
    %add3A_299 = arith.constant 1.000000e-16 : f32
    %add3A_300 = vector.broadcast %add3A_299 : f32 to vector<16xf32>
    %add3A_301 = arith.addf %get3A_298, %add3A_300 : vector<16xf32>
    %div3A_302 = arith.constant 1.000000e+00 : f32
    %div3A_303 = vector.broadcast %div3A_302 : f32 to vector<16xf32>
    %div3A_304 = arith.divf %div3A_303, %add3A_301 : vector<16xf32>
    %get3A_305 = arith.constant 512 : index
    %get3A_306 = tpu.vector_load %arg5[%get3A_305] {strides = array<i32>} : memref<4096xf32, #tpu.memory_space<vmem>>, vector<16xf32>,
    %get3A_307 = vector.shape_cast %get3A_306 : vector<16xf32> to vector<16xf32>
    %mul3A_308 = arith.mulf %get3A_307, %div3A_304 : vector<16xf32>
    %swap3A_309 = arith.constant 512 : index
    %swap3A_310 = tpu.vector_load %arg5[%swap3A_309] {strides = array<i32>} : memref<4096xf32, #tpu.memory_space<vmem>>, vector<16xf32>,
    %swap3A_311 = vector.shape_cast %swap3A_310 : vector<16xf32> to vector<16xf32>
    %swap3A_312 = vector.shape_cast %mul3A_308 : vector<16xf32> to vector<16xf32>
    tpu.vector_store %arg5[%swap3A_309], %swap3A_312 {strides = array<i32>} : memref<4096xf32, #tpu.memory_space<vmem>>, vector<16xf32>,
    %get3A_313 = arith.constant 528 : index
    %get3A_314 = tpu.vector_load %arg5[%get3A_313] {strides = array<i32>} : memref<4096xf32, #tpu.memory_space<vmem>>, vector<16xf32>,
    %get3A_315 = vector.shape_cast %get3A_314 : vector<16xf32> to vector<16xf32>
    %mul3A_316 = arith.mulf %get3A_315, %div3A_304 : vector<16xf32>
    %swap3A_317 = arith.constant 528 : index
    %swap3A_318 = tpu.vector_load %arg5[%swap3A_317] {strides = array<i32>} : memref<4096xf32, #tpu.memory_space<vmem>>, vector<16xf32>,
    %swap3A_319 = vector.shape_cast %swap3A_318 : vector<16xf32> to vector<16xf32>
    %swap3A_320 = vector.shape_cast %mul3A_316 : vector<16xf32> to vector<16xf32>
    tpu.vector_store %arg5[%swap3A_317], %swap3A_320 {strides = array<i32>} : memref<4096xf32, #tpu.memory_space<vmem>>, vector<16xf32>,
    %get3A_321 = arith.constant 544 : index
    %get3A_322 = tpu.vector_load %arg5[%get3A_321] {strides = array<i32>} : memref<4096xf32, #tpu.memory_space<vmem>>, vector<16xf32>,
    %get3A_323 = vector.shape_cast %get3A_322 : vector<16xf32> to vector<16xf32>
    %mul3A_324 = arith.mulf %get3A_323, %div3A_304 : vector<16xf32>
    %swap3A_325 = arith.constant 544 : index
    %swap3A_326 = tpu.vector_load %arg5[%swap3A_325] {strides = array<i32>} : memref<4096xf32, #tpu.memory_space<vmem>>, vector<16xf32>,
    %swap3A_327 = vector.shape_cast %swap3A_326 : vector<16xf32> to vector<16xf32>
    %swap3A_328 = vector.shape_cast %mul3A_324 : vector<16xf32> to vector<16xf32>
    tpu.vector_store %arg5[%swap3A_325], %swap3A_328 {strides = array<i32>} : memref<4096xf32, #tpu.memory_space<vmem>>, vector<16xf32>,
    %get3A_329 = arith.constant 560 : index
    %get3A_330 = tpu.vector_load %arg5[%get3A_329] {strides = array<i32>} : memref<4096xf32, #tpu.memory_space<vmem>>, vector<16xf32>,
    %get3A_331 = vector.shape_cast %get3A_330 : vector<16xf32> to vector<16xf32>
    %mul3A_332 = arith.mulf %get3A_331, %div3A_304 : vector<16xf32>
    %swap3A_333 = arith.constant 560 : index
    %swap3A_334 = tpu.vector_load %arg5[%swap3A_333] {strides = array<i32>} : memref<4096xf32, #tpu.memory_space<vmem>>, vector<16xf32>,
    %swap3A_335 = vector.shape_cast %swap3A_334 : vector<16xf32> to vector<16xf32>
    %swap3A_336 = vector.shape_cast %mul3A_332 : vector<16xf32> to vector<16xf32>
    tpu.vector_store %arg5[%swap3A_333], %swap3A_336 {strides = array<i32>} : memref<4096xf32, #tpu.memory_space<vmem>>, vector<16xf32>,
    %get3A_337 = arith.constant 576 : index
    %get3A_338 = tpu.vector_load %arg5[%get3A_337] {strides = array<i32>} : memref<4096xf32, #tpu.memory_space<vmem>>, vector<16xf32>,
    %get3A_339 = vector.shape_cast %get3A_338 : vector<16xf32> to vector<16xf32>
    %mul3A_340 = arith.mulf %get3A_339, %div3A_304 : vector<16xf32>
    %swap3A_341 = arith.constant 576 : index
    %swap3A_342 = tpu.vector_load %arg5[%swap3A_341] {strides = array<i32>} : memref<4096xf32, #tpu.memory_space<vmem>>, vector<16xf32>,
    %swap3A_343 = vector.shape_cast %swap3A_342 : vector<16xf32> to vector<16xf32>
    %swap3A_344 = vector.shape_cast %mul3A_340 : vector<16xf32> to vector<16xf32>
    tpu.vector_store %arg5[%swap3A_341], %swap3A_344 {strides = array<i32>} : memref<4096xf32, #tpu.memory_space<vmem>>, vector<16xf32>,
    %get3A_345 = arith.constant 592 : index
    %get3A_346 = tpu.vector_load %arg5[%get3A_345] {strides = array<i32>} : memref<4096xf32, #tpu.memory_space<vmem>>, vector<16xf32>,
    %get3A_347 = vector.shape_cast %get3A_346 : vector<16xf32> to vector<16xf32>
    %mul3A_348 = arith.mulf %get3A_347, %div3A_304 : vector<16xf32>
    %swap3A_349 = arith.constant 592 : index
    %swap3A_350 = tpu.vector_load %arg5[%swap3A_349] {strides = array<i32>} : memref<4096xf32, #tpu.memory_space<vmem>>, vector<16xf32>,
    %swap3A_351 = vector.shape_cast %swap3A_350 : vector<16xf32> to vector<16xf32>
    %swap3A_352 = vector.shape_cast %mul3A_348 : vector<16xf32> to vector<16xf32>
    tpu.vector_store %arg5[%swap3A_349], %swap3A_352 {strides = array<i32>} : memref<4096xf32, #tpu.memory_space<vmem>>, vector<16xf32>,
    %get3A_353 = arith.constant 608 : index
    %get3A_354 = tpu.vector_load %arg5[%get3A_353] {strides = array<i32>} : memref<4096xf32, #tpu.memory_space<vmem>>, vector<16xf32>,
    %get3A_355 = vector.shape_cast %get3A_354 : vector<16xf32> to vector<16xf32>
    %mul3A_356 = arith.mulf %get3A_355, %div3A_304 : vector<16xf32>
    %swap3A_357 = arith.constant 608 : index
    %swap3A_358 = tpu.vector_load %arg5[%swap3A_357] {strides = array<i32>} : memref<4096xf32, #tpu.memory_space<vmem>>, vector<16xf32>,
    %swap3A_359 = vector.shape_cast %swap3A_358 : vector<16xf32> to vector<16xf32>
    %swap3A_360 = vector.shape_cast %mul3A_356 : vector<16xf32> to vector<16xf32>
    tpu.vector_store %arg5[%swap3A_357], %swap3A_360 {strides = array<i32>} : memref<4096xf32, #tpu.memory_space<vmem>>, vector<16xf32>,
    %get3A_361 = arith.constant 624 : index
    %get3A_362 = tpu.vector_load %arg5[%get3A_361] {strides = array<i32>} : memref<4096xf32, #tpu.memory_space<vmem>>, vector<16xf32>,
    %get3A_363 = vector.shape_cast %get3A_362 : vector<16xf32> to vector<16xf32>
    %mul3A_364 = arith.mulf %get3A_363, %div3A_304 : vector<16xf32>
    %swap3A_365 = arith.constant 624 : index
    %swap3A_366 = tpu.vector_load %arg5[%swap3A_365] {strides = array<i32>} : memref<4096xf32, #tpu.memory_space<vmem>>, vector<16xf32>,
    %swap3A_367 = vector.shape_cast %swap3A_366 : vector<16xf32> to vector<16xf32>
    %swap3A_368 = vector.shape_cast %mul3A_364 : vector<16xf32> to vector<16xf32>
    tpu.vector_store %arg5[%swap3A_365], %swap3A_368 {strides = array<i32>} : memref<4096xf32, #tpu.memory_space<vmem>>, vector<16xf32>,
    %get3A_369 = arith.constant 80 : index
    %get3A_370 = tpu.vector_load %arg6[%get3A_369] {strides = array<i32>} : memref<512xf32, #tpu.memory_space<vmem>>, vector<16xf32>,
    %get3A_371 = vector.shape_cast %get3A_370 : vector<16xf32> to vector<16xf32>
    %add3A_372 = arith.constant 1.000000e-16 : f32
    %add3A_373 = vector.broadcast %add3A_372 : f32 to vector<16xf32>
    %add3A_374 = arith.addf %get3A_371, %add3A_373 : vector<16xf32>
    %div3A_375 = arith.constant 1.000000e+00 : f32
    %div3A_376 = vector.broadcast %div3A_375 : f32 to vector<16xf32>
    %div3A_377 = arith.divf %div3A_376, %add3A_374 : vector<16xf32>
    %get3A_378 = arith.constant 640 : index
    %get3A_379 = tpu.vector_load %arg5[%get3A_378] {strides = array<i32>} : memref<4096xf32, #tpu.memory_space<vmem>>, vector<16xf32>,
    %get3A_380 = vector.shape_cast %get3A_379 : vector<16xf32> to vector<16xf32>
    %mul3A_381 = arith.mulf %get3A_380, %div3A_377 : vector<16xf32>
    %swap3A_382 = arith.constant 640 : index
    %swap3A_383 = tpu.vector_load %arg5[%swap3A_382] {strides = array<i32>} : memref<4096xf32, #tpu.memory_space<vmem>>, vector<16xf32>,
    %swap3A_384 = vector.shape_cast %swap3A_383 : vector<16xf32> to vector<16xf32>
    %swap3A_385 = vector.shape_cast %mul3A_381 : vector<16xf32> to vector<16xf32>
    tpu.vector_store %arg5[%swap3A_382], %swap3A_385 {strides = array<i32>} : memref<4096xf32, #tpu.memory_space<vmem>>, vector<16xf32>,
    %get3A_386 = arith.constant 656 : index
    %get3A_387 = tpu.vector_load %arg5[%get3A_386] {strides = array<i32>} : memref<4096xf32, #tpu.memory_space<vmem>>, vector<16xf32>,
    %get3A_388 = vector.shape_cast %get3A_387 : vector<16xf32> to vector<16xf32>
    %mul3A_389 = arith.mulf %get3A_388, %div3A_377 : vector<16xf32>
    %swap3A_390 = arith.constant 656 : index
    %swap3A_391 = tpu.vector_load %arg5[%swap3A_390] {strides = array<i32>} : memref<4096xf32, #tpu.memory_space<vmem>>, vector<16xf32>,
    %swap3A_392 = vector.shape_cast %swap3A_391 : vector<16xf32> to vector<16xf32>
    %swap3A_393 = vector.shape_cast %mul3A_389 : vector<16xf32> to vector<16xf32>
    tpu.vector_store %arg5[%swap3A_390], %swap3A_393 {strides = array<i32>} : memref<4096xf32, #tpu.memory_space<vmem>>, vector<16xf32>,
    %get3A_394 = arith.constant 672 : index
    %get3A_395 = tpu.vector_load %arg5[%get3A_394] {strides = array<i32>} : memref<4096xf32, #tpu.memory_space<vmem>>, vector<16xf32>,
    %get3A_396 = vector.shape_cast %get3A_395 : vector<16xf32> to vector<16xf32>
    %mul3A_397 = arith.mulf %get3A_396, %div3A_377 : vector<16xf32>
    %swap3A_398 = arith.constant 672 : index
    %swap3A_399 = tpu.vector_load %arg5[%swap3A_398] {strides = array<i32>} : memref<4096xf32, #tpu.memory_space<vmem>>, vector<16xf32>,
    %swap3A_400 = vector.shape_cast %swap3A_399 : vector<16xf32> to vector<16xf32>
    %swap3A_401 = vector.shape_cast %mul3A_397 : vector<16xf32> to vector<16xf32>
    tpu.vector_store %arg5[%swap3A_398], %swap3A_401 {strides = array<i32>} : memref<4096xf32, #tpu.memory_space<vmem>>, vector<16xf32>,
    %get3A_402 = arith.constant 688 : index
    %get3A_403 = tpu.vector_load %arg5[%get3A_402] {strides = array<i32>} : memref<4096xf32, #tpu.memory_space<vmem>>, vector<16xf32>,
    %get3A_404 = vector.shape_cast %get3A_403 : vector<16xf32> to vector<16xf32>
    %mul3A_405 = arith.mulf %get3A_404, %div3A_377 : vector<16xf32>
    %swap3A_406 = arith.constant 688 : index
    %swap3A_407 = tpu.vector_load %arg5[%swap3A_406] {strides = array<i32>} : memref<4096xf32, #tpu.memory_space<vmem>>, vector<16xf32>,
    %swap3A_408 = vector.shape_cast %swap3A_407 : vector<16xf32> to vector<16xf32>
    %swap3A_409 = vector.shape_cast %mul3A_405 : vector<16xf32> to vector<16xf32>
    tpu.vector_store %arg5[%swap3A_406], %swap3A_409 {strides = array<i32>} : memref<4096xf32, #tpu.memory_space<vmem>>, vector<16xf32>,
    %get3A_410 = arith.constant 704 : index
    %get3A_411 = tpu.vector_load %arg5[%get3A_410] {strides = array<i32>} : memref<4096xf32, #tpu.memory_space<vmem>>, vector<16xf32>,
    %get3A_412 = vector.shape_cast %get3A_411 : vector<16xf32> to vector<16xf32>
    %mul3A_413 = arith.mulf %get3A_412, %div3A_377 : vector<16xf32>
    %swap3A_414 = arith.constant 704 : index
    %swap3A_415 = tpu.vector_load %arg5[%swap3A_414] {strides = array<i32>} : memref<4096xf32, #tpu.memory_space<vmem>>, vector<16xf32>,
    %swap3A_416 = vector.shape_cast %swap3A_415 : vector<16xf32> to vector<16xf32>
    %swap3A_417 = vector.shape_cast %mul3A_413 : vector<16xf32> to vector<16xf32>
    tpu.vector_store %arg5[%swap3A_414], %swap3A_417 {strides = array<i32>} : memref<4096xf32, #tpu.memory_space<vmem>>, vector<16xf32>,
    %get3A_418 = arith.constant 720 : index
    %get3A_419 = tpu.vector_load %arg5[%get3A_418] {strides = array<i32>} : memref<4096xf32, #tpu.memory_space<vmem>>, vector<16xf32>,
    %get3A_420 = vector.shape_cast %get3A_419 : vector<16xf32> to vector<16xf32>
    %mul3A_421 = arith.mulf %get3A_420, %div3A_377 : vector<16xf32>
    %swap3A_422 = arith.constant 720 : index
    %swap3A_423 = tpu.vector_load %arg5[%swap3A_422] {strides = array<i32>} : memref<4096xf32, #tpu.memory_space<vmem>>, vector<16xf32>,
    %swap3A_424 = vector.shape_cast %swap3A_423 : vector<16xf32> to vector<16xf32>
    %swap3A_425 = vector.shape_cast %mul3A_421 : vector<16xf32> to vector<16xf32>
    tpu.vector_store %arg5[%swap3A_422], %swap3A_425 {strides = array<i32>} : memref<4096xf32, #tpu.memory_space<vmem>>, vector<16xf32>,
    %get3A_426 = arith.constant 736 : index
    %get3A_427 = tpu.vector_load %arg5[%get3A_426] {strides = array<i32>} : memref<4096xf32, #tpu.memory_space<vmem>>, vector<16xf32>,
    %get3A_428 = vector.shape_cast %get3A_427 : vector<16xf32> to vector<16xf32>
    %mul3A_429 = arith.mulf %get3A_428, %div3A_377 : vector<16xf32>
    %swap3A_430 = arith.constant 736 : index
    %swap3A_431 = tpu.vector_load %arg5[%swap3A_430] {strides = array<i32>} : memref<4096xf32, #tpu.memory_space<vmem>>, vector<16xf32>,
    %swap3A_432 = vector.shape_cast %swap3A_431 : vector<16xf32> to vector<16xf32>
    %swap3A_433 = vector.shape_cast %mul3A_429 : vector<16xf32> to vector<16xf32>
    tpu.vector_store %arg5[%swap3A_430], %swap3A_433 {strides = array<i32>} : memref<4096xf32, #tpu.memory_space<vmem>>, vector<16xf32>,
    %get3A_434 = arith.constant 752 : index
    %get3A_435 = tpu.vector_load %arg5[%get3A_434] {strides = array<i32>} : memref<4096xf32, #tpu.memory_space<vmem>>, vector<16xf32>,
    %get3A_436 = vector.shape_cast %get3A_435 : vector<16xf32> to vector<16xf32>
    %mul3A_437 = arith.mulf %get3A_436, %div3A_377 : vector<16xf32>
    %swap3A_438 = arith.constant 752 : index
    %swap3A_439 = tpu.vector_load %arg5[%swap3A_438] {strides = array<i32>} : memref<4096xf32, #tpu.memory_space<vmem>>, vector<16xf32>,
    %swap3A_440 = vector.shape_cast %swap3A_439 : vector<16xf32> to vector<16xf32>
    %swap3A_441 = vector.shape_cast %mul3A_437 : vector<16xf32> to vector<16xf32>
    tpu.vector_store %arg5[%swap3A_438], %swap3A_441 {strides = array<i32>} : memref<4096xf32, #tpu.memory_space<vmem>>, vector<16xf32>,
    %get3A_442 = arith.constant 96 : index
    %get3A_443 = tpu.vector_load %arg6[%get3A_442] {strides = array<i32>} : memref<512xf32, #tpu.memory_space<vmem>>, vector<16xf32>,
    %get3A_444 = vector.shape_cast %get3A_443 : vector<16xf32> to vector<16xf32>
    %add3A_445 = arith.constant 1.000000e-16 : f32
    %add3A_446 = vector.broadcast %add3A_445 : f32 to vector<16xf32>
    %add3A_447 = arith.addf %get3A_444, %add3A_446 : vector<16xf32>
    %div3A_448 = arith.constant 1.000000e+00 : f32
    %div3A_449 = vector.broadcast %div3A_448 : f32 to vector<16xf32>
    %div3A_450 = arith.divf %div3A_449, %add3A_447 : vector<16xf32>
    %get3A_451 = arith.constant 768 : index
    %get3A_452 = tpu.vector_load %arg5[%get3A_451] {strides = array<i32>} : memref<4096xf32, #tpu.memory_space<vmem>>, vector<16xf32>,
    %get3A_453 = vector.shape_cast %get3A_452 : vector<16xf32> to vector<16xf32>
    %mul3A_454 = arith.mulf %get3A_453, %div3A_450 : vector<16xf32>
    %swap3A_455 = arith.constant 768 : index
    %swap3A_456 = tpu.vector_load %arg5[%swap3A_455] {strides = array<i32>} : memref<4096xf32, #tpu.memory_space<vmem>>, vector<16xf32>,
    %swap3A_457 = vector.shape_cast %swap3A_456 : vector<16xf32> to vector<16xf32>
    %swap3A_458 = vector.shape_cast %mul3A_454 : vector<16xf32> to vector<16xf32>
    tpu.vector_store %arg5[%swap3A_455], %swap3A_458 {strides = array<i32>} : memref<4096xf32, #tpu.memory_space<vmem>>, vector<16xf32>,
    %get3A_459 = arith.constant 784 : index
    %get3A_460 = tpu.vector_load %arg5[%get3A_459] {strides = array<i32>} : memref<4096xf32, #tpu.memory_space<vmem>>, vector<16xf32>,
    %get3A_461 = vector.shape_cast %get3A_460 : vector<16xf32> to vector<16xf32>
    %mul3A_462 = arith.mulf %get3A_461, %div3A_450 : vector<16xf32>
    %swap3A_463 = arith.constant 784 : index
    %swap3A_464 = tpu.vector_load %arg5[%swap3A_463] {strides = array<i32>} : memref<4096xf32, #tpu.memory_space<vmem>>, vector<16xf32>,
    %swap3A_465 = vector.shape_cast %swap3A_464 : vector<16xf32> to vector<16xf32>
    %swap3A_466 = vector.shape_cast %mul3A_462 : vector<16xf32> to vector<16xf32>
    tpu.vector_store %arg5[%swap3A_463], %swap3A_466 {strides = array<i32>} : memref<4096xf32, #tpu.memory_space<vmem>>, vector<16xf32>,
    %get3A_467 = arith.constant 800 : index
    %get3A_468 = tpu.vector_load %arg5[%get3A_467] {strides = array<i32>} : memref<4096xf32, #tpu.memory_space<vmem>>, vector<16xf32>,
    %get3A_469 = vector.shape_cast %get3A_468 : vector<16xf32> to vector<16xf32>
    %mul3A_470 = arith.mulf %get3A_469, %div3A_450 : vector<16xf32>
    %swap3A_471 = arith.constant 800 : index
    %swap3A_472 = tpu.vector_load %arg5[%swap3A_471] {strides = array<i32>} : memref<4096xf32, #tpu.memory_space<vmem>>, vector<16xf32>,
    %swap3A_473 = vector.shape_cast %swap3A_472 : vector<16xf32> to vector<16xf32>
    %swap3A_474 = vector.shape_cast %mul3A_470 : vector<16xf32> to vector<16xf32>
    tpu.vector_store %arg5[%swap3A_471], %swap3A_474 {strides = array<i32>} : memref<4096xf32, #tpu.memory_space<vmem>>, vector<16xf32>,
    %get3A_475 = arith.constant 816 : index
    %get3A_476 = tpu.vector_load %arg5[%get3A_475] {strides = array<i32>} : memref<4096xf32, #tpu.memory_space<vmem>>, vector<16xf32>,
    %get3A_477 = vector.shape_cast %get3A_476 : vector<16xf32> to vector<16xf32>
    %mul3A_478 = arith.mulf %get3A_477, %div3A_450 : vector<16xf32>
    %swap3A_479 = arith.constant 816 : index
    %swap3A_480 = tpu.vector_load %arg5[%swap3A_479] {strides = array<i32>} : memref<4096xf32, #tpu.memory_space<vmem>>, vector<16xf32>,
    %swap3A_481 = vector.shape_cast %swap3A_480 : vector<16xf32> to vector<16xf32>
    %swap3A_482 = vector.shape_cast %mul3A_478 : vector<16xf32> to vector<16xf32>
    tpu.vector_store %arg5[%swap3A_479], %swap3A_482 {strides = array<i32>} : memref<4096xf32, #tpu.memory_space<vmem>>, vector<16xf32>,
    %get3A_483 = arith.constant 832 : index
    %get3A_484 = tpu.vector_load %arg5[%get3A_483] {strides = array<i32>} : memref<4096xf32, #tpu.memory_space<vmem>>, vector<16xf32>,
    %get3A_485 = vector.shape_cast %get3A_484 : vector<16xf32> to vector<16xf32>
    %mul3A_486 = arith.mulf %get3A_485, %div3A_450 : vector<16xf32>
    %swap3A_487 = arith.constant 832 : index
    %swap3A_488 = tpu.vector_load %arg5[%swap3A_487] {strides = array<i32>} : memref<4096xf32, #tpu.memory_space<vmem>>, vector<16xf32>,
    %swap3A_489 = vector.shape_cast %swap3A_488 : vector<16xf32> to vector<16xf32>
    %swap3A_490 = vector.shape_cast %mul3A_486 : vector<16xf32> to vector<16xf32>
    tpu.vector_store %arg5[%swap3A_487], %swap3A_490 {strides = array<i32>} : memref<4096xf32, #tpu.memory_space<vmem>>, vector<16xf32>,
    %get3A_491 = arith.constant 848 : index
    %get3A_492 = tpu.vector_load %arg5[%get3A_491] {strides = array<i32>} : memref<4096xf32, #tpu.memory_space<vmem>>, vector<16xf32>,
    %get3A_493 = vector.shape_cast %get3A_492 : vector<16xf32> to vector<16xf32>
    %mul3A_494 = arith.mulf %get3A_493, %div3A_450 : vector<16xf32>
    %swap3A_495 = arith.constant 848 : index
    %swap3A_496 = tpu.vector_load %arg5[%swap3A_495] {strides = array<i32>} : memref<4096xf32, #tpu.memory_space<vmem>>, vector<16xf32>,
    %swap3A_497 = vector.shape_cast %swap3A_496 : vector<16xf32> to vector<16xf32>
    %swap3A_498 = vector.shape_cast %mul3A_494 : vector<16xf32> to vector<16xf32>
    tpu.vector_store %arg5[%swap3A_495], %swap3A_498 {strides = array<i32>} : memref<4096xf32, #tpu.memory_space<vmem>>, vector<16xf32>,
    %get3A_499 = arith.constant 864 : index
    %get3A_500 = tpu.vector_load %arg5[%get3A_499] {strides = array<i32>} : memref<4096xf32, #tpu.memory_space<vmem>>, vector<16xf32>,
    %get3A_501 = vector.shape_cast %get3A_500 : vector<16xf32> to vector<16xf32>
    %mul3A_502 = arith.mulf %get3A_501, %div3A_450 : vector<16xf32>
    %swap3A_503 = arith.constant 864 : index
    %swap3A_504 = tpu.vector_load %arg5[%swap3A_503] {strides = array<i32>} : memref<4096xf32, #tpu.memory_space<vmem>>, vector<16xf32>,
    %swap3A_505 = vector.shape_cast %swap3A_504 : vector<16xf32> to vector<16xf32>
    %swap3A_506 = vector.shape_cast %mul3A_502 : vector<16xf32> to vector<16xf32>
    tpu.vector_store %arg5[%swap3A_503], %swap3A_506 {strides = array<i32>} : memref<4096xf32, #tpu.memory_space<vmem>>, vector<16xf32>,
    %get3A_507 = arith.constant 880 : index
    %get3A_508 = tpu.vector_load %arg5[%get3A_507] {strides = array<i32>} : memref<4096xf32, #tpu.memory_space<vmem>>, vector<16xf32>,
    %get3A_509 = vector.shape_cast %get3A_508 : vector<16xf32> to vector<16xf32>
    %mul3A_510 = arith.mulf %get3A_509, %div3A_450 : vector<16xf32>
    %swap3A_511 = arith.constant 880 : index
    %swap3A_512 = tpu.vector_load %arg5[%swap3A_511] {strides = array<i32>} : memref<4096xf32, #tpu.memory_space<vmem>>, vector<16xf32>,
    %swap3A_513 = vector.shape_cast %swap3A_512 : vector<16xf32> to vector<16xf32>
    %swap3A_514 = vector.shape_cast %mul3A_510 : vector<16xf32> to vector<16xf32>
    tpu.vector_store %arg5[%swap3A_511], %swap3A_514 {strides = array<i32>} : memref<4096xf32, #tpu.memory_space<vmem>>, vector<16xf32>,
    %get3A_515 = arith.constant 112 : index
    %get3A_516 = tpu.vector_load %arg6[%get3A_515] {strides = array<i32>} : memref<512xf32, #tpu.memory_space<vmem>>, vector<16xf32>,
    %get3A_517 = vector.shape_cast %get3A_516 : vector<16xf32> to vector<16xf32>
    %add3A_518 = arith.constant 1.000000e-16 : f32
    %add3A_519 = vector.broadcast %add3A_518 : f32 to vector<16xf32>
    %add3A_520 = arith.addf %get3A_517, %add3A_519 : vector<16xf32>
    %div3A_521 = arith.constant 1.000000e+00 : f32
    %div3A_522 = vector.broadcast %div3A_521 : f32 to vector<16xf32>
    %div3A_523 = arith.divf %div3A_522, %add3A_520 : vector<16xf32>
    %get3A_524 = arith.constant 896 : index
    %get3A_525 = tpu.vector_load %arg5[%get3A_524] {strides = array<i32>} : memref<4096xf32, #tpu.memory_space<vmem>>, vector<16xf32>,
    %get3A_526 = vector.shape_cast %get3A_525 : vector<16xf32> to vector<16xf32>
    %mul3A_527 = arith.mulf %get3A_526, %div3A_523 : vector<16xf32>
    %swap3A_528 = arith.constant 896 : index
    %swap3A_529 = tpu.vector_load %arg5[%swap3A_528] {strides = array<i32>} : memref<4096xf32, #tpu.memory_space<vmem>>, vector<16xf32>,
    %swap3A_530 = vector.shape_cast %swap3A_529 : vector<16xf32> to vector<16xf32>
    %swap3A_531 = vector.shape_cast %mul3A_527 : vector<16xf32> to vector<16xf32>
    tpu.vector_store %arg5[%swap3A_528], %swap3A_531 {strides = array<i32>} : memref<4096xf32, #tpu.memory_space<vmem>>, vector<16xf32>,
    %get3A_532 = arith.constant 912 : index
    %get3A_533 = tpu.vector_load %arg5[%get3A_532] {strides = array<i32>} : memref<4096xf32, #tpu.memory_space<vmem>>, vector<16xf32>,
    %get3A_534 = vector.shape_cast %get3A_533 : vector<16xf32> to vector<16xf32>
    %mul3A_535 = arith.mulf %get3A_534, %div3A_523 : vector<16xf32>
    %swap3A_536 = arith.constant 912 : index
    %swap3A_537 = tpu.vector_load %arg5[%swap3A_536] {strides = array<i32>} : memref<4096xf32, #tpu.memory_space<vmem>>, vector<16xf32>,
    %swap3A_538 = vector.shape_cast %swap3A_537 : vector<16xf32> to vector<16xf32>
    %swap3A_539 = vector.shape_cast %mul3A_535 : vector<16xf32> to vector<16xf32>
    tpu.vector_store %arg5[%swap3A_536], %swap3A_539 {strides = array<i32>} : memref<4096xf32, #tpu.memory_space<vmem>>, vector<16xf32>,
    %get3A_540 = arith.constant 928 : index
    %get3A_541 = tpu.vector_load %arg5[%get3A_540] {strides = array<i32>} : memref<4096xf32, #tpu.memory_space<vmem>>, vector<16xf32>,
    %get3A_542 = vector.shape_cast %get3A_541 : vector<16xf32> to vector<16xf32>
    %mul3A_543 = arith.mulf %get3A_542, %div3A_523 : vector<16xf32>
    %swap3A_544 = arith.constant 928 : index
    %swap3A_545 = tpu.vector_load %arg5[%swap3A_544] {strides = array<i32>} : memref<4096xf32, #tpu.memory_space<vmem>>, vector<16xf32>,
    %swap3A_546 = vector.shape_cast %swap3A_545 : vector<16xf32> to vector<16xf32>
    %swap3A_547 = vector.shape_cast %mul3A_543 : vector<16xf32> to vector<16xf32>
    tpu.vector_store %arg5[%swap3A_544], %swap3A_547 {strides = array<i32>} : memref<4096xf32, #tpu.memory_space<vmem>>, vector<16xf32>,
    %get3A_548 = arith.constant 944 : index
    %get3A_549 = tpu.vector_load %arg5[%get3A_548] {strides = array<i32>} : memref<4096xf32, #tpu.memory_space<vmem>>, vector<16xf32>,
    %get3A_550 = vector.shape_cast %get3A_549 : vector<16xf32> to vector<16xf32>
    %mul3A_551 = arith.mulf %get3A_550, %div3A_523 : vector<16xf32>
    %swap3A_552 = arith.constant 944 : index
    %swap3A_553 = tpu.vector_load %arg5[%swap3A_552] {strides = array<i32>} : memref<4096xf32, #tpu.memory_space<vmem>>, vector<16xf32>,
    %swap3A_554 = vector.shape_cast %swap3A_553 : vector<16xf32> to vector<16xf32>
    %swap3A_555 = vector.shape_cast %mul3A_551 : vector<16xf32> to vector<16xf32>
    tpu.vector_store %arg5[%swap3A_552], %swap3A_555 {strides = array<i32>} : memref<4096xf32, #tpu.memory_space<vmem>>, vector<16xf32>,
    %get3A_556 = arith.constant 960 : index
    %get3A_557 = tpu.vector_load %arg5[%get3A_556] {strides = array<i32>} : memref<4096xf32, #tpu.memory_space<vmem>>, vector<16xf32>,
    %get3A_558 = vector.shape_cast %get3A_557 : vector<16xf32> to vector<16xf32>
    %mul3A_559 = arith.mulf %get3A_558, %div3A_523 : vector<16xf32>
    %swap3A_560 = arith.constant 960 : index
    %swap3A_561 = tpu.vector_load %arg5[%swap3A_560] {strides = array<i32>} : memref<4096xf32, #tpu.memory_space<vmem>>, vector<16xf32>,
    %swap3A_562 = vector.shape_cast %swap3A_561 : vector<16xf32> to vector<16xf32>
    %swap3A_563 = vector.shape_cast %mul3A_559 : vector<16xf32> to vector<16xf32>
    tpu.vector_store %arg5[%swap3A_560], %swap3A_563 {strides = array<i32>} : memref<4096xf32, #tpu.memory_space<vmem>>, vector<16xf32>,
    %get3A_564 = arith.constant 976 : index
    %get3A_565 = tpu.vector_load %arg5[%get3A_564] {strides = array<i32>} : memref<4096xf32, #tpu.memory_space<vmem>>, vector<16xf32>,
    %get3A_566 = vector.shape_cast %get3A_565 : vector<16xf32> to vector<16xf32>
    %mul3A_567 = arith.mulf %get3A_566, %div3A_523 : vector<16xf32>
    %swap3A_568 = arith.constant 976 : index
    %swap3A_569 = tpu.vector_load %arg5[%swap3A_568] {strides = array<i32>} : memref<4096xf32, #tpu.memory_space<vmem>>, vector<16xf32>,
    %swap3A_570 = vector.shape_cast %swap3A_569 : vector<16xf32> to vector<16xf32>
    %swap3A_571 = vector.shape_cast %mul3A_567 : vector<16xf32> to vector<16xf32>
    tpu.vector_store %arg5[%swap3A_568], %swap3A_571 {strides = array<i32>} : memref<4096xf32, #tpu.memory_space<vmem>>, vector<16xf32>,
    %get3A_572 = arith.constant 992 : index
    %get3A_573 = tpu.vector_load %arg5[%get3A_572] {strides = array<i32>} : memref<4096xf32, #tpu.memory_space<vmem>>, vector<16xf32>,
    %get3A_574 = vector.shape_cast %get3A_573 : vector<16xf32> to vector<16xf32>
    %mul3A_575 = arith.mulf %get3A_574, %div3A_523 : vector<16xf32>
    %swap3A_576 = arith.constant 992 : index
    %swap3A_577 = tpu.vector_load %arg5[%swap3A_576] {strides = array<i32>} : memref<4096xf32, #tpu.memory_space<vmem>>, vector<16xf32>,
    %swap3A_578 = vector.shape_cast %swap3A_577 : vector<16xf32> to vector<16xf32>
    %swap3A_579 = vector.shape_cast %mul3A_575 : vector<16xf32> to vector<16xf32>
    tpu.vector_store %arg5[%swap3A_576], %swap3A_579 {strides = array<i32>} : memref<4096xf32, #tpu.memory_space<vmem>>, vector<16xf32>,
    %get3A_580 = arith.constant 1008 : index
    %get3A_581 = tpu.vector_load %arg5[%get3A_580] {strides = array<i32>} : memref<4096xf32, #tpu.memory_space<vmem>>, vector<16xf32>,
    %get3A_582 = vector.shape_cast %get3A_581 : vector<16xf32> to vector<16xf32>
    %mul3A_583 = arith.mulf %get3A_582, %div3A_523 : vector<16xf32>
    %swap3A_584 = arith.constant 1008 : index
    %swap3A_585 = tpu.vector_load %arg5[%swap3A_584] {strides = array<i32>} : memref<4096xf32, #tpu.memory_space<vmem>>, vector<16xf32>,
    %swap3A_586 = vector.shape_cast %swap3A_585 : vector<16xf32> to vector<16xf32>
    %swap3A_587 = vector.shape_cast %mul3A_583 : vector<16xf32> to vector<16xf32>
    tpu.vector_store %arg5[%swap3A_584], %swap3A_587 {strides = array<i32>} : memref<4096xf32, #tpu.memory_space<vmem>>, vector<16xf32>,
    %get3A_588 = arith.constant 128 : index
    %get3A_589 = tpu.vector_load %arg6[%get3A_588] {strides = array<i32>} : memref<512xf32, #tpu.memory_space<vmem>>, vector<16xf32>,
    %get3A_590 = vector.shape_cast %get3A_589 : vector<16xf32> to vector<16xf32>
    %add3A_591 = arith.constant 1.000000e-16 : f32
    %add3A_592 = vector.broadcast %add3A_591 : f32 to vector<16xf32>
    %add3A_593 = arith.addf %get3A_590, %add3A_592 : vector<16xf32>
    %div3A_594 = arith.constant 1.000000e+00 : f32
    %div3A_595 = vector.broadcast %div3A_594 : f32 to vector<16xf32>
    %div3A_596 = arith.divf %div3A_595, %add3A_593 : vector<16xf32>
    %get3A_597 = arith.constant 1024 : index
    %get3A_598 = tpu.vector_load %arg5[%get3A_597] {strides = array<i32>} : memref<4096xf32, #tpu.memory_space<vmem>>, vector<16xf32>,
    %get3A_599 = vector.shape_cast %get3A_598 : vector<16xf32> to vector<16xf32>
    %mul3A_600 = arith.mulf %get3A_599, %div3A_596 : vector<16xf32>
    %swap3A_601 = arith.constant 1024 : index
    %swap3A_602 = tpu.vector_load %arg5[%swap3A_601] {strides = array<i32>} : memref<4096xf32, #tpu.memory_space<vmem>>, vector<16xf32>,
    %swap3A_603 = vector.shape_cast %swap3A_602 : vector<16xf32> to vector<16xf32>
    %swap3A_604 = vector.shape_cast %mul3A_600 : vector<16xf32> to vector<16xf32>
    tpu.vector_store %arg5[%swap3A_601], %swap3A_604 {strides = array<i32>} : memref<4096xf32, #tpu.memory_space<vmem>>, vector<16xf32>,
    %get3A_605 = arith.constant 1040 : index
    %get3A_606 = tpu.vector_load %arg5[%get3A_605] {strides = array<i32>} : memref<4096xf32, #tpu.memory_space<vmem>>, vector<16xf32>,
    %get3A_607 = vector.shape_cast %get3A_606 : vector<16xf32> to vector<16xf32>
    %mul3A_608 = arith.mulf %get3A_607, %div3A_596 : vector<16xf32>
    %swap3A_609 = arith.constant 1040 : index
    %swap3A_610 = tpu.vector_load %arg5[%swap3A_609] {strides = array<i32>} : memref<4096xf32, #tpu.memory_space<vmem>>, vector<16xf32>,
    %swap3A_611 = vector.shape_cast %swap3A_610 : vector<16xf32> to vector<16xf32>
    %swap3A_612 = vector.shape_cast %mul3A_608 : vector<16xf32> to vector<16xf32>
    tpu.vector_store %arg5[%swap3A_609], %swap3A_612 {strides = array<i32>} : memref<4096xf32, #tpu.memory_space<vmem>>, vector<16xf32>,
    %get3A_613 = arith.constant 1056 : index
    %get3A_614 = tpu.vector_load %arg5[%get3A_613] {strides = array<i32>} : memref<4096xf32, #tpu.memory_space<vmem>>, vector<16xf32>,
    %get3A_615 = vector.shape_cast %get3A_614 : vector<16xf32> to vector<16xf32>
    %mul3A_616 = arith.mulf %get3A_615, %div3A_596 : vector<16xf32>
    %swap3A_617 = arith.constant 1056 : index
    %swap3A_618 = tpu.vector_load %arg5[%swap3A_617] {strides = array<i32>} : memref<4096xf32, #tpu.memory_space<vmem>>, vector<16xf32>,
    %swap3A_619 = vector.shape_cast %swap3A_618 : vector<16xf32> to vector<16xf32>
    %swap3A_620 = vector.shape_cast %mul3A_616 : vector<16xf32> to vector<16xf32>
    tpu.vector_store %arg5[%swap3A_617], %swap3A_620 {strides = array<i32>} : memref<4096xf32, #tpu.memory_space<vmem>>, vector<16xf32>,
    %get3A_621 = arith.constant 1072 : index
    %get3A_622 = tpu.vector_load %arg5[%get3A_621] {strides = array<i32>} : memref<4096xf32, #tpu.memory_space<vmem>>, vector<16xf32>,
    %get3A_623 = vector.shape_cast %get3A_622 : vector<16xf32> to vector<16xf32>
    %mul3A_624 = arith.mulf %get3A_623, %div3A_596 : vector<16xf32>
    %swap3A_625 = arith.constant 1072 : index
    %swap3A_626 = tpu.vector_load %arg5[%swap3A_625] {strides = array<i32>} : memref<4096xf32, #tpu.memory_space<vmem>>, vector<16xf32>,
    %swap3A_627 = vector.shape_cast %swap3A_626 : vector<16xf32> to vector<16xf32>
    %swap3A_628 = vector.shape_cast %mul3A_624 : vector<16xf32> to vector<16xf32>
    tpu.vector_store %arg5[%swap3A_625], %swap3A_628 {strides = array<i32>} : memref<4096xf32, #tpu.memory_space<vmem>>, vector<16xf32>,
    %get3A_629 = arith.constant 1088 : index
    %get3A_630 = tpu.vector_load %arg5[%get3A_629] {strides = array<i32>} : memref<4096xf32, #tpu.memory_space<vmem>>, vector<16xf32>,
    %get3A_631 = vector.shape_cast %get3A_630 : vector<16xf32> to vector<16xf32>
    %mul3A_632 = arith.mulf %get3A_631, %div3A_596 : vector<16xf32>
    %swap3A_633 = arith.constant 1088 : index
    %swap3A_634 = tpu.vector_load %arg5[%swap3A_633] {strides = array<i32>} : memref<4096xf32, #tpu.memory_space<vmem>>, vector<16xf32>,
    %swap3A_635 = vector.shape_cast %swap3A_634 : vector<16xf32> to vector<16xf32>
    %swap3A_636 = vector.shape_cast %mul3A_632 : vector<16xf32> to vector<16xf32>
    tpu.vector_store %arg5[%swap3A_633], %swap3A_636 {strides = array<i32>} : memref<4096xf32, #tpu.memory_space<vmem>>, vector<16xf32>,
    %get3A_637 = arith.constant 1104 : index
    %get3A_638 = tpu.vector_load %arg5[%get3A_637] {strides = array<i32>} : memref<4096xf32, #tpu.memory_space<vmem>>, vector<16xf32>,
    %get3A_639 = vector.shape_cast %get3A_638 : vector<16xf32> to vector<16xf32>
    %mul3A_640 = arith.mulf %get3A_639, %div3A_596 : vector<16xf32>
    %swap3A_641 = arith.constant 1104 : index
    %swap3A_642 = tpu.vector_load %arg5[%swap3A_641] {strides = array<i32>} : memref<4096xf32, #tpu.memory_space<vmem>>, vector<16xf32>,
    %swap3A_643 = vector.shape_cast %swap3A_642 : vector<16xf32> to vector<16xf32>
    %swap3A_644 = vector.shape_cast %mul3A_640 : vector<16xf32> to vector<16xf32>
    tpu.vector_store %arg5[%swap3A_641], %swap3A_644 {strides = array<i32>} : memref<4096xf32, #tpu.memory_space<vmem>>, vector<16xf32>,
    %get3A_645 = arith.constant 1120 : index
    %get3A_646 = tpu.vector_load %arg5[%get3A_645] {strides = array<i32>} : memref<4096xf32, #tpu.memory_space<vmem>>, vector<16xf32>,
    %get3A_647 = vector.shape_cast %get3A_646 : vector<16xf32> to vector<16xf32>
    %mul3A_648 = arith.mulf %get3A_647, %div3A_596 : vector<16xf32>
    %swap3A_649 = arith.constant 1120 : index
    %swap3A_650 = tpu.vector_load %arg5[%swap3A_649] {strides = array<i32>} : memref<4096xf32, #tpu.memory_space<vmem>>, vector<16xf32>,
    %swap3A_651 = vector.shape_cast %swap3A_650 : vector<16xf32> to vector<16xf32>
    %swap3A_652 = vector.shape_cast %mul3A_648 : vector<16xf32> to vector<16xf32>
    tpu.vector_store %arg5[%swap3A_649], %swap3A_652 {strides = array<i32>} : memref<4096xf32, #tpu.memory_space<vmem>>, vector<16xf32>,
    %get3A_653 = arith.constant 1136 : index
    %get3A_654 = tpu.vector_load %arg5[%get3A_653] {strides = array<i32>} : memref<4096xf32, #tpu.memory_space<vmem>>, vector<16xf32>,
    %get3A_655 = vector.shape_cast %get3A_654 : vector<16xf32> to vector<16xf32>
    %mul3A_656 = arith.mulf %get3A_655, %div3A_596 : vector<16xf32>
    %swap3A_657 = arith.constant 1136 : index
    %swap3A_658 = tpu.vector_load %arg5[%swap3A_657] {strides = array<i32>} : memref<4096xf32, #tpu.memory_space<vmem>>, vector<16xf32>,
    %swap3A_659 = vector.shape_cast %swap3A_658 : vector<16xf32> to vector<16xf32>
    %swap3A_660 = vector.shape_cast %mul3A_656 : vector<16xf32> to vector<16xf32>
    tpu.vector_store %arg5[%swap3A_657], %swap3A_660 {strides = array<i32>} : memref<4096xf32, #tpu.memory_space<vmem>>, vector<16xf32>,
    %get3A_661 = arith.constant 144 : index
    %get3A_662 = tpu.vector_load %arg6[%get3A_661] {strides = array<i32>} : memref<512xf32, #tpu.memory_space<vmem>>, vector<16xf32>,
    %get3A_663 = vector.shape_cast %get3A_662 : vector<16xf32> to vector<16xf32>
    %add3A_664 = arith.constant 1.000000e-16 : f32
    %add3A_665 = vector.broadcast %add3A_664 : f32 to vector<16xf32>
    %add3A_666 = arith.addf %get3A_663, %add3A_665 : vector<16xf32>
    %div3A_667 = arith.constant 1.000000e+00 : f32
    %div3A_668 = vector.broadcast %div3A_667 : f32 to vector<16xf32>
    %div3A_669 = arith.divf %div3A_668, %add3A_666 : vector<16xf32>
    %get3A_670 = arith.constant 1152 : index
    %get3A_671 = tpu.vector_load %arg5[%get3A_670] {strides = array<i32>} : memref<4096xf32, #tpu.memory_space<vmem>>, vector<16xf32>,
    %get3A_672 = vector.shape_cast %get3A_671 : vector<16xf32> to vector<16xf32>
    %mul3A_673 = arith.mulf %get3A_672, %div3A_669 : vector<16xf32>
    %swap3A_674 = arith.constant 1152 : index
    %swap3A_675 = tpu.vector_load %arg5[%swap3A_674] {strides = array<i32>} : memref<4096xf32, #tpu.memory_space<vmem>>, vector<16xf32>,
    %swap3A_676 = vector.shape_cast %swap3A_675 : vector<16xf32> to vector<16xf32>
    %swap3A_677 = vector.shape_cast %mul3A_673 : vector<16xf32> to vector<16xf32>
    tpu.vector_store %arg5[%swap3A_674], %swap3A_677 {strides = array<i32>} : memref<4096xf32, #tpu.memory_space<vmem>>, vector<16xf32>,
    %get3A_678 = arith.constant 1168 : index
    %get3A_679 = tpu.vector_load %arg5[%get3A_678] {strides = array<i32>} : memref<4096xf32, #tpu.memory_space<vmem>>, vector<16xf32>,
    %get3A_680 = vector.shape_cast %get3A_679 : vector<16xf32> to vector<16xf32>
    %mul3A_681 = arith.mulf %get3A_680, %div3A_669 : vector<16xf32>
    %swap3A_682 = arith.constant 1168 : index
    %swap3A_683 = tpu.vector_load %arg5[%swap3A_682] {strides = array<i32>} : memref<4096xf32, #tpu.memory_space<vmem>>, vector<16xf32>,
    %swap3A_684 = vector.shape_cast %swap3A_683 : vector<16xf32> to vector<16xf32>
    %swap3A_685 = vector.shape_cast %mul3A_681 : vector<16xf32> to vector<16xf32>
    tpu.vector_store %arg5[%swap3A_682], %swap3A_685 {strides = array<i32>} : memref<4096xf32, #tpu.memory_space<vmem>>, vector<16xf32>,
    %get3A_686 = arith.constant 1184 : index
    %get3A_687 = tpu.vector_load %arg5[%get3A_686] {strides = array<i32>} : memref<4096xf32, #tpu.memory_space<vmem>>, vector<16xf32>,
    %get3A_688 = vector.shape_cast %get3A_687 : vector<16xf32> to vector<16xf32>
    %mul3A_689 = arith.mulf %get3A_688, %div3A_669 : vector<16xf32>
    %swap3A_690 = arith.constant 1184 : index
    %swap3A_691 = tpu.vector_load %arg5[%swap3A_690] {strides = array<i32>} : memref<4096xf32, #tpu.memory_space<vmem>>, vector<16xf32>,
    %swap3A_692 = vector.shape_cast %swap3A_691 : vector<16xf32> to vector<16xf32>
    %swap3A_693 = vector.shape_cast %mul3A_689 : vector<16xf32> to vector<16xf32>
    tpu.vector_store %arg5[%swap3A_690], %swap3A_693 {strides = array<i32>} : memref<4096xf32, #tpu.memory_space<vmem>>, vector<16xf32>,
    %get3A_694 = arith.constant 1200 : index
    %get3A_695 = tpu.vector_load %arg5[%get3A_694] {strides = array<i32>} : memref<4096xf32, #tpu.memory_space<vmem>>, vector<16xf32>,
    %get3A_696 = vector.shape_cast %get3A_695 : vector<16xf32> to vector<16xf32>
    %mul3A_697 = arith.mulf %get3A_696, %div3A_669 : vector<16xf32>
    %swap3A_698 = arith.constant 1200 : index
    %swap3A_699 = tpu.vector_load %arg5[%swap3A_698] {strides = array<i32>} : memref<4096xf32, #tpu.memory_space<vmem>>, vector<16xf32>,
    %swap3A_700 = vector.shape_cast %swap3A_699 : vector<16xf32> to vector<16xf32>
    %swap3A_701 = vector.shape_cast %mul3A_697 : vector<16xf32> to vector<16xf32>
    tpu.vector_store %arg5[%swap3A_698], %swap3A_701 {strides = array<i32>} : memref<4096xf32, #tpu.memory_space<vmem>>, vector<16xf32>,
    %get3A_702 = arith.constant 1216 : index
    %get3A_703 = tpu.vector_load %arg5[%get3A_702] {strides = array<i32>} : memref<4096xf32, #tpu.memory_space<vmem>>, vector<16xf32>,
    %get3A_704 = vector.shape_cast %get3A_703 : vector<16xf32> to vector<16xf32>
    %mul3A_705 = arith.mulf %get3A_704, %div3A_669 : vector<16xf32>
    %swap3A_706 = arith.constant 1216 : index
    %swap3A_707 = tpu.vector_load %arg5[%swap3A_706] {strides = array<i32>} : memref<4096xf32, #tpu.memory_space<vmem>>, vector<16xf32>,
    %swap3A_708 = vector.shape_cast %swap3A_707 : vector<16xf32> to vector<16xf32>
    %swap3A_709 = vector.shape_cast %mul3A_705 : vector<16xf32> to vector<16xf32>
    tpu.vector_store %arg5[%swap3A_706], %swap3A_709 {strides = array<i32>} : memref<4096xf32, #tpu.memory_space<vmem>>, vector<16xf32>,
    %get3A_710 = arith.constant 1232 : index
    %get3A_711 = tpu.vector_load %arg5[%get3A_710] {strides = array<i32>} : memref<4096xf32, #tpu.memory_space<vmem>>, vector<16xf32>,
    %get3A_712 = vector.shape_cast %get3A_711 : vector<16xf32> to vector<16xf32>
    %mul3A_713 = arith.mulf %get3A_712, %div3A_669 : vector<16xf32>
    %swap3A_714 = arith.constant 1232 : index
    %swap3A_715 = tpu.vector_load %arg5[%swap3A_714] {strides = array<i32>} : memref<4096xf32, #tpu.memory_space<vmem>>, vector<16xf32>,
    %swap3A_716 = vector.shape_cast %swap3A_715 : vector<16xf32> to vector<16xf32>
    %swap3A_717 = vector.shape_cast %mul3A_713 : vector<16xf32> to vector<16xf32>
    tpu.vector_store %arg5[%swap3A_714], %swap3A_717 {strides = array<i32>} : memref<4096xf32, #tpu.memory_space<vmem>>, vector<16xf32>,
    %get3A_718 = arith.constant 1248 : index
    %get3A_719 = tpu.vector_load %arg5[%get3A_718] {strides = array<i32>} : memref<4096xf32, #tpu.memory_space<vmem>>, vector<16xf32>,
    %get3A_720 = vector.shape_cast %get3A_719 : vector<16xf32> to vector<16xf32>
    %mul3A_721 = arith.mulf %get3A_720, %div3A_669 : vector<16xf32>
    %swap3A_722 = arith.constant 1248 : index
    %swap3A_723 = tpu.vector_load %arg5[%swap3A_722] {strides = array<i32>} : memref<4096xf32, #tpu.memory_space<vmem>>, vector<16xf32>,
    %swap3A_724 = vector.shape_cast %swap3A_723 : vector<16xf32> to vector<16xf32>
    %swap3A_725 = vector.shape_cast %mul3A_721 : vector<16xf32> to vector<16xf32>
    tpu.vector_store %arg5[%swap3A_722], %swap3A_725 {strides = array<i32>} : memref<4096xf32, #tpu.memory_space<vmem>>, vector<16xf32>,
    %get3A_726 = arith.constant 1264 : index
    %get3A_727 = tpu.vector_load %arg5[%get3A_726] {strides = array<i32>} : memref<4096xf32, #tpu.memory_space<vmem>>, vector<16xf32>,
    %get3A_728 = vector.shape_cast %get3A_727 : vector<16xf32> to vector<16xf32>
    %mul3A_729 = arith.mulf %get3A_728, %div3A_669 : vector<16xf32>
    %swap3A_730 = arith.constant 1264 : index
    %swap3A_731 = tpu.vector_load %arg5[%swap3A_730] {strides = array<i32>} : memref<4096xf32, #tpu.memory_space<vmem>>, vector<16xf32>,
    %swap3A_732 = vector.shape_cast %swap3A_731 : vector<16xf32> to vector<16xf32>
    %swap3A_733 = vector.shape_cast %mul3A_729 : vector<16xf32> to vector<16xf32>
    tpu.vector_store %arg5[%swap3A_730], %swap3A_733 {strides = array<i32>} : memref<4096xf32, #tpu.memory_space<vmem>>, vector<16xf32>,
    %get3A_734 = arith.constant 160 : index
    %get3A_735 = tpu.vector_load %arg6[%get3A_734] {strides = array<i32>} : memref<512xf32, #tpu.memory_space<vmem>>, vector<16xf32>,
    %get3A_736 = vector.shape_cast %get3A_735 : vector<16xf32> to vector<16xf32>
    %add3A_737 = arith.constant 1.000000e-16 : f32
    %add3A_738 = vector.broadcast %add3A_737 : f32 to vector<16xf32>
    %add3A_739 = arith.addf %get3A_736, %add3A_738 : vector<16xf32>
    %div3A_740 = arith.constant 1.000000e+00 : f32
    %div3A_741 = vector.broadcast %div3A_740 : f32 to vector<16xf32>
    %div3A_742 = arith.divf %div3A_741, %add3A_739 : vector<16xf32>
    %get3A_743 = arith.constant 1280 : index
    %get3A_744 = tpu.vector_load %arg5[%get3A_743] {strides = array<i32>} : memref<4096xf32, #tpu.memory_space<vmem>>, vector<16xf32>,
    %get3A_745 = vector.shape_cast %get3A_744 : vector<16xf32> to vector<16xf32>
    %mul3A_746 = arith.mulf %get3A_745, %div3A_742 : vector<16xf32>
    %swap3A_747 = arith.constant 1280 : index
    %swap3A_748 = tpu.vector_load %arg5[%swap3A_747] {strides = array<i32>} : memref<4096xf32, #tpu.memory_space<vmem>>, vector<16xf32>,
    %swap3A_749 = vector.shape_cast %swap3A_748 : vector<16xf32> to vector<16xf32>
    %swap3A_750 = vector.shape_cast %mul3A_746 : vector<16xf32> to vector<16xf32>
    tpu.vector_store %arg5[%swap3A_747], %swap3A_750 {strides = array<i32>} : memref<4096xf32, #tpu.memory_space<vmem>>, vector<16xf32>,
    %get3A_751 = arith.constant 1296 : index
    %get3A_752 = tpu.vector_load %arg5[%get3A_751] {strides = array<i32>} : memref<4096xf32, #tpu.memory_space<vmem>>, vector<16xf32>,
    %get3A_753 = vector.shape_cast %get3A_752 : vector<16xf32> to vector<16xf32>
    %mul3A_754 = arith.mulf %get3A_753, %div3A_742 : vector<16xf32>
    %swap3A_755 = arith.constant 1296 : index
    %swap3A_756 = tpu.vector_load %arg5[%swap3A_755] {strides = array<i32>} : memref<4096xf32, #tpu.memory_space<vmem>>, vector<16xf32>,
    %swap3A_757 = vector.shape_cast %swap3A_756 : vector<16xf32> to vector<16xf32>
    %swap3A_758 = vector.shape_cast %mul3A_754 : vector<16xf32> to vector<16xf32>
    tpu.vector_store %arg5[%swap3A_755], %swap3A_758 {strides = array<i32>} : memref<4096xf32, #tpu.memory_space<vmem>>, vector<16xf32>,
    %get3A_759 = arith.constant 1312 : index
    %get3A_760 = tpu.vector_load %arg5[%get3A_759] {strides = array<i32>} : memref<4096xf32, #tpu.memory_space<vmem>>, vector<16xf32>,
    %get3A_761 = vector.shape_cast %get3A_760 : vector<16xf32> to vector<16xf32>
    %mul3A_762 = arith.mulf %get3A_761, %div3A_742 : vector<16xf32>
    %swap3A_763 = arith.constant 1312 : index
    %swap3A_764 = tpu.vector_load %arg5[%swap3A_763] {strides = array<i32>} : memref<4096xf32, #tpu.memory_space<vmem>>, vector<16xf32>,
    %swap3A_765 = vector.shape_cast %swap3A_764 : vector<16xf32> to vector<16xf32>
    %swap3A_766 = vector.shape_cast %mul3A_762 : vector<16xf32> to vector<16xf32>
    tpu.vector_store %arg5[%swap3A_763], %swap3A_766 {strides = array<i32>} : memref<4096xf32, #tpu.memory_space<vmem>>, vector<16xf32>,
    %get3A_767 = arith.constant 1328 : index
    %get3A_768 = tpu.vector_load %arg5[%get3A_767] {strides = array<i32>} : memref<4096xf32, #tpu.memory_space<vmem>>, vector<16xf32>,
    %get3A_769 = vector.shape_cast %get3A_768 : vector<16xf32> to vector<16xf32>
    %mul3A_770 = arith.mulf %get3A_769, %div3A_742 : vector<16xf32>
    %swap3A_771 = arith.constant 1328 : index
    %swap3A_772 = tpu.vector_load %arg5[%swap3A_771] {strides = array<i32>} : memref<4096xf32, #tpu.memory_space<vmem>>, vector<16xf32>,
    %swap3A_773 = vector.shape_cast %swap3A_772 : vector<16xf32> to vector<16xf32>
    %swap3A_774 = vector.shape_cast %mul3A_770 : vector<16xf32> to vector<16xf32>
    tpu.vector_store %arg5[%swap3A_771], %swap3A_774 {strides = array<i32>} : memref<4096xf32, #tpu.memory_space<vmem>>, vector<16xf32>,
    %get3A_775 = arith.constant 1344 : index
    %get3A_776 = tpu.vector_load %arg5[%get3A_775] {strides = array<i32>} : memref<4096xf32, #tpu.memory_space<vmem>>, vector<16xf32>,
    %get3A_777 = vector.shape_cast %get3A_776 : vector<16xf32> to vector<16xf32>
    %mul3A_778 = arith.mulf %get3A_777, %div3A_742 : vector<16xf32>
    %swap3A_779 = arith.constant 1344 : index
    %swap3A_780 = tpu.vector_load %arg5[%swap3A_779] {strides = array<i32>} : memref<4096xf32, #tpu.memory_space<vmem>>, vector<16xf32>,
    %swap3A_781 = vector.shape_cast %swap3A_780 : vector<16xf32> to vector<16xf32>
    %swap3A_782 = vector.shape_cast %mul3A_778 : vector<16xf32> to vector<16xf32>
    tpu.vector_store %arg5[%swap3A_779], %swap3A_782 {strides = array<i32>} : memref<4096xf32, #tpu.memory_space<vmem>>, vector<16xf32>,
    %get3A_783 = arith.constant 1360 : index
    %get3A_784 = tpu.vector_load %arg5[%get3A_783] {strides = array<i32>} : memref<4096xf32, #tpu.memory_space<vmem>>, vector<16xf32>,
    %get3A_785 = vector.shape_cast %get3A_784 : vector<16xf32> to vector<16xf32>
    %mul3A_786 = arith.mulf %get3A_785, %div3A_742 : vector<16xf32>
    %swap3A_787 = arith.constant 1360 : index
    %swap3A_788 = tpu.vector_load %arg5[%swap3A_787] {strides = array<i32>} : memref<4096xf32, #tpu.memory_space<vmem>>, vector<16xf32>,
    %swap3A_789 = vector.shape_cast %swap3A_788 : vector<16xf32> to vector<16xf32>
    %swap3A_790 = vector.shape_cast %mul3A_786 : vector<16xf32> to vector<16xf32>
    tpu.vector_store %arg5[%swap3A_787], %swap3A_790 {strides = array<i32>} : memref<4096xf32, #tpu.memory_space<vmem>>, vector<16xf32>,
    %get3A_791 = arith.constant 1376 : index
    %get3A_792 = tpu.vector_load %arg5[%get3A_791] {strides = array<i32>} : memref<4096xf32, #tpu.memory_space<vmem>>, vector<16xf32>,
    %get3A_793 = vector.shape_cast %get3A_792 : vector<16xf32> to vector<16xf32>
    %mul3A_794 = arith.mulf %get3A_793, %div3A_742 : vector<16xf32>
    %swap3A_795 = arith.constant 1376 : index
    %swap3A_796 = tpu.vector_load %arg5[%swap3A_795] {strides = array<i32>} : memref<4096xf32, #tpu.memory_space<vmem>>, vector<16xf32>,
    %swap3A_797 = vector.shape_cast %swap3A_796 : vector<16xf32> to vector<16xf32>
    %swap3A_798 = vector.shape_cast %mul3A_794 : vector<16xf32> to vector<16xf32>
    tpu.vector_store %arg5[%swap3A_795], %swap3A_798 {strides = array<i32>} : memref<4096xf32, #tpu.memory_space<vmem>>, vector<16xf32>,
    %get3A_799 = arith.constant 1392 : index
    %get3A_800 = tpu.vector_load %arg5[%get3A_799] {strides = array<i32>} : memref<4096xf32, #tpu.memory_space<vmem>>, vector<16xf32>,
    %get3A_801 = vector.shape_cast %get3A_800 : vector<16xf32> to vector<16xf32>
    %mul3A_802 = arith.mulf %get3A_801, %div3A_742 : vector<16xf32>
    %swap3A_803 = arith.constant 1392 : index
    %swap3A_804 = tpu.vector_load %arg5[%swap3A_803] {strides = array<i32>} : memref<4096xf32, #tpu.memory_space<vmem>>, vector<16xf32>,
    %swap3A_805 = vector.shape_cast %swap3A_804 : vector<16xf32> to vector<16xf32>
    %swap3A_806 = vector.shape_cast %mul3A_802 : vector<16xf32> to vector<16xf32>
    tpu.vector_store %arg5[%swap3A_803], %swap3A_806 {strides = array<i32>} : memref<4096xf32, #tpu.memory_space<vmem>>, vector<16xf32>,
    %get3A_807 = arith.constant 176 : index
    %get3A_808 = tpu.vector_load %arg6[%get3A_807] {strides = array<i32>} : memref<512xf32, #tpu.memory_space<vmem>>, vector<16xf32>,
    %get3A_809 = vector.shape_cast %get3A_808 : vector<16xf32> to vector<16xf32>
    %add3A_810 = arith.constant 1.000000e-16 : f32
    %add3A_811 = vector.broadcast %add3A_810 : f32 to vector<16xf32>
    %add3A_812 = arith.addf %get3A_809, %add3A_811 : vector<16xf32>
    %div3A_813 = arith.constant 1.000000e+00 : f32
    %div3A_814 = vector.broadcast %div3A_813 : f32 to vector<16xf32>
    %div3A_815 = arith.divf %div3A_814, %add3A_812 : vector<16xf32>
    %get3A_816 = arith.constant 1408 : index
    %get3A_817 = tpu.vector_load %arg5[%get3A_816] {strides = array<i32>} : memref<4096xf32, #tpu.memory_space<vmem>>, vector<16xf32>,
    %get3A_818 = vector.shape_cast %get3A_817 : vector<16xf32> to vector<16xf32>
    %mul3A_819 = arith.mulf %get3A_818, %div3A_815 : vector<16xf32>
    %swap3A_820 = arith.constant 1408 : index
    %swap3A_821 = tpu.vector_load %arg5[%swap3A_820] {strides = array<i32>} : memref<4096xf32, #tpu.memory_space<vmem>>, vector<16xf32>,
    %swap3A_822 = vector.shape_cast %swap3A_821 : vector<16xf32> to vector<16xf32>
    %swap3A_823 = vector.shape_cast %mul3A_819 : vector<16xf32> to vector<16xf32>
    tpu.vector_store %arg5[%swap3A_820], %swap3A_823 {strides = array<i32>} : memref<4096xf32, #tpu.memory_space<vmem>>, vector<16xf32>,
    %get3A_824 = arith.constant 1424 : index
    %get3A_825 = tpu.vector_load %arg5[%get3A_824] {strides = array<i32>} : memref<4096xf32, #tpu.memory_space<vmem>>, vector<16xf32>,
    %get3A_826 = vector.shape_cast %get3A_825 : vector<16xf32> to vector<16xf32>
    %mul3A_827 = arith.mulf %get3A_826, %div3A_815 : vector<16xf32>
    %swap3A_828 = arith.constant 1424 : index
    %swap3A_829 = tpu.vector_load %arg5[%swap3A_828] {strides = array<i32>} : memref<4096xf32, #tpu.memory_space<vmem>>, vector<16xf32>,
    %swap3A_830 = vector.shape_cast %swap3A_829 : vector<16xf32> to vector<16xf32>
    %swap3A_831 = vector.shape_cast %mul3A_827 : vector<16xf32> to vector<16xf32>
    tpu.vector_store %arg5[%swap3A_828], %swap3A_831 {strides = array<i32>} : memref<4096xf32, #tpu.memory_space<vmem>>, vector<16xf32>,
    %get3A_832 = arith.constant 1440 : index
    %get3A_833 = tpu.vector_load %arg5[%get3A_832] {strides = array<i32>} : memref<4096xf32, #tpu.memory_space<vmem>>, vector<16xf32>,
    %get3A_834 = vector.shape_cast %get3A_833 : vector<16xf32> to vector<16xf32>
    %mul3A_835 = arith.mulf %get3A_834, %div3A_815 : vector<16xf32>
    %swap3A_836 = arith.constant 1440 : index
    %swap3A_837 = tpu.vector_load %arg5[%swap3A_836] {strides = array<i32>} : memref<4096xf32, #tpu.memory_space<vmem>>, vector<16xf32>,
    %swap3A_838 = vector.shape_cast %swap3A_837 : vector<16xf32> to vector<16xf32>
    %swap3A_839 = vector.shape_cast %mul3A_835 : vector<16xf32> to vector<16xf32>
    tpu.vector_store %arg5[%swap3A_836], %swap3A_839 {strides = array<i32>} : memref<4096xf32, #tpu.memory_space<vmem>>, vector<16xf32>,
    %get3A_840 = arith.constant 1456 : index
    %get3A_841 = tpu.vector_load %arg5[%get3A_840] {strides = array<i32>} : memref<4096xf32, #tpu.memory_space<vmem>>, vector<16xf32>,
    %get3A_842 = vector.shape_cast %get3A_841 : vector<16xf32> to vector<16xf32>
    %mul3A_843 = arith.mulf %get3A_842, %div3A_815 : vector<16xf32>
    %swap3A_844 = arith.constant 1456 : index
    %swap3A_845 = tpu.vector_load %arg5[%swap3A_844] {strides = array<i32>} : memref<4096xf32, #tpu.memory_space<vmem>>, vector<16xf32>,
    %swap3A_846 = vector.shape_cast %swap3A_845 : vector<16xf32> to vector<16xf32>
    %swap3A_847 = vector.shape_cast %mul3A_843 : vector<16xf32> to vector<16xf32>
    tpu.vector_store %arg5[%swap3A_844], %swap3A_847 {strides = array<i32>} : memref<4096xf32, #tpu.memory_space<vmem>>, vector<16xf32>,
    %get3A_848 = arith.constant 1472 : index
    %get3A_849 = tpu.vector_load %arg5[%get3A_848] {strides = array<i32>} : memref<4096xf32, #tpu.memory_space<vmem>>, vector<16xf32>,
    %get3A_850 = vector.shape_cast %get3A_849 : vector<16xf32> to vector<16xf32>
    %mul3A_851 = arith.mulf %get3A_850, %div3A_815 : vector<16xf32>
    %swap3A_852 = arith.constant 1472 : index
    %swap3A_853 = tpu.vector_load %arg5[%swap3A_852] {strides = array<i32>} : memref<4096xf32, #tpu.memory_space<vmem>>, vector<16xf32>,
    %swap3A_854 = vector.shape_cast %swap3A_853 : vector<16xf32> to vector<16xf32>
    %swap3A_855 = vector.shape_cast %mul3A_851 : vector<16xf32> to vector<16xf32>
    tpu.vector_store %arg5[%swap3A_852], %swap3A_855 {strides = array<i32>} : memref<4096xf32, #tpu.memory_space<vmem>>, vector<16xf32>,
    %get3A_856 = arith.constant 1488 : index
    %get3A_857 = tpu.vector_load %arg5[%get3A_856] {strides = array<i32>} : memref<4096xf32, #tpu.memory_space<vmem>>, vector<16xf32>,
    %get3A_858 = vector.shape_cast %get3A_857 : vector<16xf32> to vector<16xf32>
    %mul3A_859 = arith.mulf %get3A_858, %div3A_815 : vector<16xf32>
    %swap3A_860 = arith.constant 1488 : index
    %swap3A_861 = tpu.vector_load %arg5[%swap3A_860] {strides = array<i32>} : memref<4096xf32, #tpu.memory_space<vmem>>, vector<16xf32>,
    %swap3A_862 = vector.shape_cast %swap3A_861 : vector<16xf32> to vector<16xf32>
    %swap3A_863 = vector.shape_cast %mul3A_859 : vector<16xf32> to vector<16xf32>
    tpu.vector_store %arg5[%swap3A_860], %swap3A_863 {strides = array<i32>} : memref<4096xf32, #tpu.memory_space<vmem>>, vector<16xf32>,
    %get3A_864 = arith.constant 1504 : index
    %get3A_865 = tpu.vector_load %arg5[%get3A_864] {strides = array<i32>} : memref<4096xf32, #tpu.memory_space<vmem>>, vector<16xf32>,
    %get3A_866 = vector.shape_cast %get3A_865 : vector<16xf32> to vector<16xf32>
    %mul3A_867 = arith.mulf %get3A_866, %div3A_815 : vector<16xf32>
    %swap3A_868 = arith.constant 1504 : index
    %swap3A_869 = tpu.vector_load %arg5[%swap3A_868] {strides = array<i32>} : memref<4096xf32, #tpu.memory_space<vmem>>, vector<16xf32>,
    %swap3A_870 = vector.shape_cast %swap3A_869 : vector<16xf32> to vector<16xf32>
    %swap3A_871 = vector.shape_cast %mul3A_867 : vector<16xf32> to vector<16xf32>
    tpu.vector_store %arg5[%swap3A_868], %swap3A_871 {strides = array<i32>} : memref<4096xf32, #tpu.memory_space<vmem>>, vector<16xf32>,
    %get3A_872 = arith.constant 1520 : index
    %get3A_873 = tpu.vector_load %arg5[%get3A_872] {strides = array<i32>} : memref<4096xf32, #tpu.memory_space<vmem>>, vector<16xf32>,
    %get3A_874 = vector.shape_cast %get3A_873 : vector<16xf32> to vector<16xf32>
    %mul3A_875 = arith.mulf %get3A_874, %div3A_815 : vector<16xf32>
    %swap3A_876 = arith.constant 1520 : index
    %swap3A_877 = tpu.vector_load %arg5[%swap3A_876] {strides = array<i32>} : memref<4096xf32, #tpu.memory_space<vmem>>, vector<16xf32>,
    %swap3A_878 = vector.shape_cast %swap3A_877 : vector<16xf32> to vector<16xf32>
    %swap3A_879 = vector.shape_cast %mul3A_875 : vector<16xf32> to vector<16xf32>
    tpu.vector_store %arg5[%swap3A_876], %swap3A_879 {strides = array<i32>} : memref<4096xf32, #tpu.memory_space<vmem>>, vector<16xf32>,
    %get3A_880 = arith.constant 192 : index
    %get3A_881 = tpu.vector_load %arg6[%get3A_880] {strides = array<i32>} : memref<512xf32, #tpu.memory_space<vmem>>, vector<16xf32>,
    %get3A_882 = vector.shape_cast %get3A_881 : vector<16xf32> to vector<16xf32>
    %add3A_883 = arith.constant 1.000000e-16 : f32
    %add3A_884 = vector.broadcast %add3A_883 : f32 to vector<16xf32>
    %add3A_885 = arith.addf %get3A_882, %add3A_884 : vector<16xf32>
    %div3A_886 = arith.constant 1.000000e+00 : f32
    %div3A_887 = vector.broadcast %div3A_886 : f32 to vector<16xf32>
    %div3A_888 = arith.divf %div3A_887, %add3A_885 : vector<16xf32>
    %get3A_889 = arith.constant 1536 : index
    %get3A_890 = tpu.vector_load %arg5[%get3A_889] {strides = array<i32>} : memref<4096xf32, #tpu.memory_space<vmem>>, vector<16xf32>,
    %get3A_891 = vector.shape_cast %get3A_890 : vector<16xf32> to vector<16xf32>
    %mul3A_892 = arith.mulf %get3A_891, %div3A_888 : vector<16xf32>
    %swap3A_893 = arith.constant 1536 : index
    %swap3A_894 = tpu.vector_load %arg5[%swap3A_893] {strides = array<i32>} : memref<4096xf32, #tpu.memory_space<vmem>>, vector<16xf32>,
    %swap3A_895 = vector.shape_cast %swap3A_894 : vector<16xf32> to vector<16xf32>
    %swap3A_896 = vector.shape_cast %mul3A_892 : vector<16xf32> to vector<16xf32>
    tpu.vector_store %arg5[%swap3A_893], %swap3A_896 {strides = array<i32>} : memref<4096xf32, #tpu.memory_space<vmem>>, vector<16xf32>,
    %get3A_897 = arith.constant 1552 : index
    %get3A_898 = tpu.vector_load %arg5[%get3A_897] {strides = array<i32>} : memref<4096xf32, #tpu.memory_space<vmem>>, vector<16xf32>,
    %get3A_899 = vector.shape_cast %get3A_898 : vector<16xf32> to vector<16xf32>
    %mul3A_900 = arith.mulf %get3A_899, %div3A_888 : vector<16xf32>
    %swap3A_901 = arith.constant 1552 : index
    %swap3A_902 = tpu.vector_load %arg5[%swap3A_901] {strides = array<i32>} : memref<4096xf32, #tpu.memory_space<vmem>>, vector<16xf32>,
    %swap3A_903 = vector.shape_cast %swap3A_902 : vector<16xf32> to vector<16xf32>
    %swap3A_904 = vector.shape_cast %mul3A_900 : vector<16xf32> to vector<16xf32>
    tpu.vector_store %arg5[%swap3A_901], %swap3A_904 {strides = array<i32>} : memref<4096xf32, #tpu.memory_space<vmem>>, vector<16xf32>,
    %get3A_905 = arith.constant 1568 : index
    %get3A_906 = tpu.vector_load %arg5[%get3A_905] {strides = array<i32>} : memref<4096xf32, #tpu.memory_space<vmem>>, vector<16xf32>,
    %get3A_907 = vector.shape_cast %get3A_906 : vector<16xf32> to vector<16xf32>
    %mul3A_908 = arith.mulf %get3A_907, %div3A_888 : vector<16xf32>
    %swap3A_909 = arith.constant 1568 : index
    %swap3A_910 = tpu.vector_load %arg5[%swap3A_909] {strides = array<i32>} : memref<4096xf32, #tpu.memory_space<vmem>>, vector<16xf32>,
    %swap3A_911 = vector.shape_cast %swap3A_910 : vector<16xf32> to vector<16xf32>
    %swap3A_912 = vector.shape_cast %mul3A_908 : vector<16xf32> to vector<16xf32>
    tpu.vector_store %arg5[%swap3A_909], %swap3A_912 {strides = array<i32>} : memref<4096xf32, #tpu.memory_space<vmem>>, vector<16xf32>,
    %get3A_913 = arith.constant 1584 : index
    %get3A_914 = tpu.vector_load %arg5[%get3A_913] {strides = array<i32>} : memref<4096xf32, #tpu.memory_space<vmem>>, vector<16xf32>,
    %get3A_915 = vector.shape_cast %get3A_914 : vector<16xf32> to vector<16xf32>
    %mul3A_916 = arith.mulf %get3A_915, %div3A_888 : vector<16xf32>
    %swap3A_917 = arith.constant 1584 : index
    %swap3A_918 = tpu.vector_load %arg5[%swap3A_917] {strides = array<i32>} : memref<4096xf32, #tpu.memory_space<vmem>>, vector<16xf32>,
    %swap3A_919 = vector.shape_cast %swap3A_918 : vector<16xf32> to vector<16xf32>
    %swap3A_920 = vector.shape_cast %mul3A_916 : vector<16xf32> to vector<16xf32>
    tpu.vector_store %arg5[%swap3A_917], %swap3A_920 {strides = array<i32>} : memref<4096xf32, #tpu.memory_space<vmem>>, vector<16xf32>,
    %get3A_921 = arith.constant 1600 : index
    %get3A_922 = tpu.vector_load %arg5[%get3A_921] {strides = array<i32>} : memref<4096xf32, #tpu.memory_space<vmem>>, vector<16xf32>,
    %get3A_923 = vector.shape_cast %get3A_922 : vector<16xf32> to vector<16xf32>
    %mul3A_924 = arith.mulf %get3A_923, %div3A_888 : vector<16xf32>
    %swap3A_925 = arith.constant 1600 : index
    %swap3A_926 = tpu.vector_load %arg5[%swap3A_925] {strides = array<i32>} : memref<4096xf32, #tpu.memory_space<vmem>>, vector<16xf32>,
    %swap3A_927 = vector.shape_cast %swap3A_926 : vector<16xf32> to vector<16xf32>
    %swap3A_928 = vector.shape_cast %mul3A_924 : vector<16xf32> to vector<16xf32>
    tpu.vector_store %arg5[%swap3A_925], %swap3A_928 {strides = array<i32>} : memref<4096xf32, #tpu.memory_space<vmem>>, vector<16xf32>,
    %get3A_929 = arith.constant 1616 : index
    %get3A_930 = tpu.vector_load %arg5[%get3A_929] {strides = array<i32>} : memref<4096xf32, #tpu.memory_space<vmem>>, vector<16xf32>,
    %get3A_931 = vector.shape_cast %get3A_930 : vector<16xf32> to vector<16xf32>
    %mul3A_932 = arith.mulf %get3A_931, %div3A_888 : vector<16xf32>
    %swap3A_933 = arith.constant 1616 : index
    %swap3A_934 = tpu.vector_load %arg5[%swap3A_933] {strides = array<i32>} : memref<4096xf32, #tpu.memory_space<vmem>>, vector<16xf32>,
    %swap3A_935 = vector.shape_cast %swap3A_934 : vector<16xf32> to vector<16xf32>
    %swap3A_936 = vector.shape_cast %mul3A_932 : vector<16xf32> to vector<16xf32>
    tpu.vector_store %arg5[%swap3A_933], %swap3A_936 {strides = array<i32>} : memref<4096xf32, #tpu.memory_space<vmem>>, vector<16xf32>,
    %get3A_937 = arith.constant 1632 : index
    %get3A_938 = tpu.vector_load %arg5[%get3A_937] {strides = array<i32>} : memref<4096xf32, #tpu.memory_space<vmem>>, vector<16xf32>,
    %get3A_939 = vector.shape_cast %get3A_938 : vector<16xf32> to vector<16xf32>
    %mul3A_940 = arith.mulf %get3A_939, %div3A_888 : vector<16xf32>
    %swap3A_941 = arith.constant 1632 : index
    %swap3A_942 = tpu.vector_load %arg5[%swap3A_941] {strides = array<i32>} : memref<4096xf32, #tpu.memory_space<vmem>>, vector<16xf32>,
    %swap3A_943 = vector.shape_cast %swap3A_942 : vector<16xf32> to vector<16xf32>
    %swap3A_944 = vector.shape_cast %mul3A_940 : vector<16xf32> to vector<16xf32>
    tpu.vector_store %arg5[%swap3A_941], %swap3A_944 {strides = array<i32>} : memref<4096xf32, #tpu.memory_space<vmem>>, vector<16xf32>,
    %get3A_945 = arith.constant 1648 : index
    %get3A_946 = tpu.vector_load %arg5[%get3A_945] {strides = array<i32>} : memref<4096xf32, #tpu.memory_space<vmem>>, vector<16xf32>,
    %get3A_947 = vector.shape_cast %get3A_946 : vector<16xf32> to vector<16xf32>
    %mul3A_948 = arith.mulf %get3A_947, %div3A_888 : vector<16xf32>
    %swap3A_949 = arith.constant 1648 : index
    %swap3A_950 = tpu.vector_load %arg5[%swap3A_949] {strides = array<i32>} : memref<4096xf32, #tpu.memory_space<vmem>>, vector<16xf32>,
    %swap3A_951 = vector.shape_cast %swap3A_950 : vector<16xf32> to vector<16xf32>
    %swap3A_952 = vector.shape_cast %mul3A_948 : vector<16xf32> to vector<16xf32>
    tpu.vector_store %arg5[%swap3A_949], %swap3A_952 {strides = array<i32>} : memref<4096xf32, #tpu.memory_space<vmem>>, vector<16xf32>,
    %get3A_953 = arith.constant 208 : index
    %get3A_954 = tpu.vector_load %arg6[%get3A_953] {strides = array<i32>} : memref<512xf32, #tpu.memory_space<vmem>>, vector<16xf32>,
    %get3A_955 = vector.shape_cast %get3A_954 : vector<16xf32> to vector<16xf32>
    %add3A_956 = arith.constant 1.000000e-16 : f32
    %add3A_957 = vector.broadcast %add3A_956 : f32 to vector<16xf32>
    %add3A_958 = arith.addf %get3A_955, %add3A_957 : vector<16xf32>
    %div3A_959 = arith.constant 1.000000e+00 : f32
    %div3A_960 = vector.broadcast %div3A_959 : f32 to vector<16xf32>
    %div3A_961 = arith.divf %div3A_960, %add3A_958 : vector<16xf32>
    %get3A_962 = arith.constant 1664 : index
    %get3A_963 = tpu.vector_load %arg5[%get3A_962] {strides = array<i32>} : memref<4096xf32, #tpu.memory_space<vmem>>, vector<16xf32>,
    %get3A_964 = vector.shape_cast %get3A_963 : vector<16xf32> to vector<16xf32>
    %mul3A_965 = arith.mulf %get3A_964, %div3A_961 : vector<16xf32>
    %swap3A_966 = arith.constant 1664 : index
    %swap3A_967 = tpu.vector_load %arg5[%swap3A_966] {strides = array<i32>} : memref<4096xf32, #tpu.memory_space<vmem>>, vector<16xf32>,
    %swap3A_968 = vector.shape_cast %swap3A_967 : vector<16xf32> to vector<16xf32>
    %swap3A_969 = vector.shape_cast %mul3A_965 : vector<16xf32> to vector<16xf32>
    tpu.vector_store %arg5[%swap3A_966], %swap3A_969 {strides = array<i32>} : memref<4096xf32, #tpu.memory_space<vmem>>, vector<16xf32>,
    %get3A_970 = arith.constant 1680 : index
    %get3A_971 = tpu.vector_load %arg5[%get3A_970] {strides = array<i32>} : memref<4096xf32, #tpu.memory_space<vmem>>, vector<16xf32>,
    %get3A_972 = vector.shape_cast %get3A_971 : vector<16xf32> to vector<16xf32>
    %mul3A_973 = arith.mulf %get3A_972, %div3A_961 : vector<16xf32>
    %swap3A_974 = arith.constant 1680 : index
    %swap3A_975 = tpu.vector_load %arg5[%swap3A_974] {strides = array<i32>} : memref<4096xf32, #tpu.memory_space<vmem>>, vector<16xf32>,
    %swap3A_976 = vector.shape_cast %swap3A_975 : vector<16xf32> to vector<16xf32>
    %swap3A_977 = vector.shape_cast %mul3A_973 : vector<16xf32> to vector<16xf32>
    tpu.vector_store %arg5[%swap3A_974], %swap3A_977 {strides = array<i32>} : memref<4096xf32, #tpu.memory_space<vmem>>, vector<16xf32>,
    %get3A_978 = arith.constant 1696 : index
    %get3A_979 = tpu.vector_load %arg5[%get3A_978] {strides = array<i32>} : memref<4096xf32, #tpu.memory_space<vmem>>, vector<16xf32>,
    %get3A_980 = vector.shape_cast %get3A_979 : vector<16xf32> to vector<16xf32>
    %mul3A_981 = arith.mulf %get3A_980, %div3A_961 : vector<16xf32>
    %swap3A_982 = arith.constant 1696 : index
    %swap3A_983 = tpu.vector_load %arg5[%swap3A_982] {strides = array<i32>} : memref<4096xf32, #tpu.memory_space<vmem>>, vector<16xf32>,
    %swap3A_984 = vector.shape_cast %swap3A_983 : vector<16xf32> to vector<16xf32>
    %swap3A_985 = vector.shape_cast %mul3A_981 : vector<16xf32> to vector<16xf32>
    tpu.vector_store %arg5[%swap3A_982], %swap3A_985 {strides = array<i32>} : memref<4096xf32, #tpu.memory_space<vmem>>, vector<16xf32>,
    %get3A_986 = arith.constant 1712 : index
    %get3A_987 = tpu.vector_load %arg5[%get3A_986] {strides = array<i32>} : memref<4096xf32, #tpu.memory_space<vmem>>, vector<16xf32>,
    %get3A_988 = vector.shape_cast %get3A_987 : vector<16xf32> to vector<16xf32>
    %mul3A_989 = arith.mulf %get3A_988, %div3A_961 : vector<16xf32>
    %swap3A_990 = arith.constant 1712 : index
    %swap3A_991 = tpu.vector_load %arg5[%swap3A_990] {strides = array<i32>} : memref<4096xf32, #tpu.memory_space<vmem>>, vector<16xf32>,
    %swap3A_992 = vector.shape_cast %swap3A_991 : vector<16xf32> to vector<16xf32>
    %swap3A_993 = vector.shape_cast %mul3A_989 : vector<16xf32> to vector<16xf32>
    tpu.vector_store %arg5[%swap3A_990], %swap3A_993 {strides = array<i32>} : memref<4096xf32, #tpu.memory_space<vmem>>, vector<16xf32>,
    %get3A_994 = arith.constant 1728 : index
    %get3A_995 = tpu.vector_load %arg5[%get3A_994] {strides = array<i32>} : memref<4096xf32, #tpu.memory_space<vmem>>, vector<16xf32>,
    %get3A_996 = vector.shape_cast %get3A_995 : vector<16xf32> to vector<16xf32>
    %mul3A_997 = arith.mulf %get3A_996, %div3A_961 : vector<16xf32>
    %swap3A_998 = arith.constant 1728 : index
    %swap3A_999 = tpu.vector_load %arg5[%swap3A_998] {strides = array<i32>} : memref<4096xf32, #tpu.memory_space<vmem>>, vector<16xf32>,
    %swap3A_1000 = vector.shape_cast %swap3A_999 : vector<16xf32> to vector<16xf32>
    %swap3A_1001 = vector.shape_cast %mul3A_997 : vector<16xf32> to vector<16xf32>
    tpu.vector_store %arg5[%swap3A_998], %swap3A_1001 {strides = array<i32>} : memref<4096xf32, #tpu.memory_space<vmem>>, vector<16xf32>,
    %get3A_1002 = arith.constant 1744 : index
    %get3A_1003 = tpu.vector_load %arg5[%get3A_1002] {strides = array<i32>} : memref<4096xf32, #tpu.memory_space<vmem>>, vector<16xf32>,
    %get3A_1004 = vector.shape_cast %get3A_1003 : vector<16xf32> to vector<16xf32>
    %mul3A_1005 = arith.mulf %get3A_1004, %div3A_961 : vector<16xf32>
    %swap3A_1006 = arith.constant 1744 : index
    %swap3A_1007 = tpu.vector_load %arg5[%swap3A_1006] {strides = array<i32>} : memref<4096xf32, #tpu.memory_space<vmem>>, vector<16xf32>,
    %swap3A_1008 = vector.shape_cast %swap3A_1007 : vector<16xf32> to vector<16xf32>
    %swap3A_1009 = vector.shape_cast %mul3A_1005 : vector<16xf32> to vector<16xf32>
    tpu.vector_store %arg5[%swap3A_1006], %swap3A_1009 {strides = array<i32>} : memref<4096xf32, #tpu.memory_space<vmem>>, vector<16xf32>,
    %get3A_1010 = arith.constant 1760 : index
    %get3A_1011 = tpu.vector_load %arg5[%get3A_1010] {strides = array<i32>} : memref<4096xf32, #tpu.memory_space<vmem>>, vector<16xf32>,
    %get3A_1012 = vector.shape_cast %get3A_1011 : vector<16xf32> to vector<16xf32>
    %mul3A_1013 = arith.mulf %get3A_1012, %div3A_961 : vector<16xf32>
    %swap3A_1014 = arith.constant 1760 : index
    %swap3A_1015 = tpu.vector_load %arg5[%swap3A_1014] {strides = array<i32>} : memref<4096xf32, #tpu.memory_space<vmem>>, vector<16xf32>,
    %swap3A_1016 = vector.shape_cast %swap3A_1015 : vector<16xf32> to vector<16xf32>
    %swap3A_1017 = vector.shape_cast %mul3A_1013 : vector<16xf32> to vector<16xf32>
    tpu.vector_store %arg5[%swap3A_1014], %swap3A_1017 {strides = array<i32>} : memref<4096xf32, #tpu.memory_space<vmem>>, vector<16xf32>,
    %get3A_1018 = arith.constant 1776 : index
    %get3A_1019 = tpu.vector_load %arg5[%get3A_1018] {strides = array<i32>} : memref<4096xf32, #tpu.memory_space<vmem>>, vector<16xf32>,
    %get3A_1020 = vector.shape_cast %get3A_1019 : vector<16xf32> to vector<16xf32>
    %mul3A_1021 = arith.mulf %get3A_1020, %div3A_961 : vector<16xf32>
    %swap3A_1022 = arith.constant 1776 : index
    %swap3A_1023 = tpu.vector_load %arg5[%swap3A_1022] {strides = array<i32>} : memref<4096xf32, #tpu.memory_space<vmem>>, vector<16xf32>,
    %swap3A_1024 = vector.shape_cast %swap3A_1023 : vector<16xf32> to vector<16xf32>
    %swap3A_1025 = vector.shape_cast %mul3A_1021 : vector<16xf32> to vector<16xf32>
    tpu.vector_store %arg5[%swap3A_1022], %swap3A_1025 {strides = array<i32>} : memref<4096xf32, #tpu.memory_space<vmem>>, vector<16xf32>,
    %get3A_1026 = arith.constant 224 : index
    %get3A_1027 = tpu.vector_load %arg6[%get3A_1026] {strides = array<i32>} : memref<512xf32, #tpu.memory_space<vmem>>, vector<16xf32>,
    %get3A_1028 = vector.shape_cast %get3A_1027 : vector<16xf32> to vector<16xf32>
    %add3A_1029 = arith.constant 1.000000e-16 : f32
    %add3A_1030 = vector.broadcast %add3A_1029 : f32 to vector<16xf32>
    %add3A_1031 = arith.addf %get3A_1028, %add3A_1030 : vector<16xf32>
    %div3A_1032 = arith.constant 1.000000e+00 : f32
    %div3A_1033 = vector.broadcast %div3A_1032 : f32 to vector<16xf32>
    %div3A_1034 = arith.divf %div3A_1033, %add3A_1031 : vector<16xf32>
    %get3A_1035 = arith.constant 1792 : index
    %get3A_1036 = tpu.vector_load %arg5[%get3A_1035] {strides = array<i32>} : memref<4096xf32, #tpu.memory_space<vmem>>, vector<16xf32>,
    %get3A_1037 = vector.shape_cast %get3A_1036 : vector<16xf32> to vector<16xf32>
    %mul3A_1038 = arith.mulf %get3A_1037, %div3A_1034 : vector<16xf32>
    %swap3A_1039 = arith.constant 1792 : index
    %swap3A_1040 = tpu.vector_load %arg5[%swap3A_1039] {strides = array<i32>} : memref<4096xf32, #tpu.memory_space<vmem>>, vector<16xf32>,
    %swap3A_1041 = vector.shape_cast %swap3A_1040 : vector<16xf32> to vector<16xf32>
    %swap3A_1042 = vector.shape_cast %mul3A_1038 : vector<16xf32> to vector<16xf32>
    tpu.vector_store %arg5[%swap3A_1039], %swap3A_1042 {strides = array<i32>} : memref<4096xf32, #tpu.memory_space<vmem>>, vector<16xf32>,
    %get3A_1043 = arith.constant 1808 : index
    %get3A_1044 = tpu.vector_load %arg5[%get3A_1043] {strides = array<i32>} : memref<4096xf32, #tpu.memory_space<vmem>>, vector<16xf32>,
    %get3A_1045 = vector.shape_cast %get3A_1044 : vector<16xf32> to vector<16xf32>
    %mul3A_1046 = arith.mulf %get3A_1045, %div3A_1034 : vector<16xf32>
    %swap3A_1047 = arith.constant 1808 : index
    %swap3A_1048 = tpu.vector_load %arg5[%swap3A_1047] {strides = array<i32>} : memref<4096xf32, #tpu.memory_space<vmem>>, vector<16xf32>,
    %swap3A_1049 = vector.shape_cast %swap3A_1048 : vector<16xf32> to vector<16xf32>
    %swap3A_1050 = vector.shape_cast %mul3A_1046 : vector<16xf32> to vector<16xf32>
    tpu.vector_store %arg5[%swap3A_1047], %swap3A_1050 {strides = array<i32>} : memref<4096xf32, #tpu.memory_space<vmem>>, vector<16xf32>,
    %get3A_1051 = arith.constant 1824 : index
    %get3A_1052 = tpu.vector_load %arg5[%get3A_1051] {strides = array<i32>} : memref<4096xf32, #tpu.memory_space<vmem>>, vector<16xf32>,
    %get3A_1053 = vector.shape_cast %get3A_1052 : vector<16xf32> to vector<16xf32>
    %mul3A_1054 = arith.mulf %get3A_1053, %div3A_1034 : vector<16xf32>
    %swap3A_1055 = arith.constant 1824 : index
    %swap3A_1056 = tpu.vector_load %arg5[%swap3A_1055] {strides = array<i32>} : memref<4096xf32, #tpu.memory_space<vmem>>, vector<16xf32>,
    %swap3A_1057 = vector.shape_cast %swap3A_1056 : vector<16xf32> to vector<16xf32>
    %swap3A_1058 = vector.shape_cast %mul3A_1054 : vector<16xf32> to vector<16xf32>
    tpu.vector_store %arg5[%swap3A_1055], %swap3A_1058 {strides = array<i32>} : memref<4096xf32, #tpu.memory_space<vmem>>, vector<16xf32>,
    %get3A_1059 = arith.constant 1840 : index
    %get3A_1060 = tpu.vector_load %arg5[%get3A_1059] {strides = array<i32>} : memref<4096xf32, #tpu.memory_space<vmem>>, vector<16xf32>,
    %get3A_1061 = vector.shape_cast %get3A_1060 : vector<16xf32> to vector<16xf32>
    %mul3A_1062 = arith.mulf %get3A_1061, %div3A_1034 : vector<16xf32>
    %swap3A_1063 = arith.constant 1840 : index
    %swap3A_1064 = tpu.vector_load %arg5[%swap3A_1063] {strides = array<i32>} : memref<4096xf32, #tpu.memory_space<vmem>>, vector<16xf32>,
    %swap3A_1065 = vector.shape_cast %swap3A_1064 : vector<16xf32> to vector<16xf32>
    %swap3A_1066 = vector.shape_cast %mul3A_1062 : vector<16xf32> to vector<16xf32>
    tpu.vector_store %arg5[%swap3A_1063], %swap3A_1066 {strides = array<i32>} : memref<4096xf32, #tpu.memory_space<vmem>>, vector<16xf32>,
    %get3A_1067 = arith.constant 1856 : index
    %get3A_1068 = tpu.vector_load %arg5[%get3A_1067] {strides = array<i32>} : memref<4096xf32, #tpu.memory_space<vmem>>, vector<16xf32>,
    %get3A_1069 = vector.shape_cast %get3A_1068 : vector<16xf32> to vector<16xf32>
    %mul3A_1070 = arith.mulf %get3A_1069, %div3A_1034 : vector<16xf32>
    %swap3A_1071 = arith.constant 1856 : index
    %swap3A_1072 = tpu.vector_load %arg5[%swap3A_1071] {strides = array<i32>} : memref<4096xf32, #tpu.memory_space<vmem>>, vector<16xf32>,
    %swap3A_1073 = vector.shape_cast %swap3A_1072 : vector<16xf32> to vector<16xf32>
    %swap3A_1074 = vector.shape_cast %mul3A_1070 : vector<16xf32> to vector<16xf32>
    tpu.vector_store %arg5[%swap3A_1071], %swap3A_1074 {strides = array<i32>} : memref<4096xf32, #tpu.memory_space<vmem>>, vector<16xf32>,
    %get3A_1075 = arith.constant 1872 : index
    %get3A_1076 = tpu.vector_load %arg5[%get3A_1075] {strides = array<i32>} : memref<4096xf32, #tpu.memory_space<vmem>>, vector<16xf32>,
    %get3A_1077 = vector.shape_cast %get3A_1076 : vector<16xf32> to vector<16xf32>
    %mul3A_1078 = arith.mulf %get3A_1077, %div3A_1034 : vector<16xf32>
    %swap3A_1079 = arith.constant 1872 : index
    %swap3A_1080 = tpu.vector_load %arg5[%swap3A_1079] {strides = array<i32>} : memref<4096xf32, #tpu.memory_space<vmem>>, vector<16xf32>,
    %swap3A_1081 = vector.shape_cast %swap3A_1080 : vector<16xf32> to vector<16xf32>
    %swap3A_1082 = vector.shape_cast %mul3A_1078 : vector<16xf32> to vector<16xf32>
    tpu.vector_store %arg5[%swap3A_1079], %swap3A_1082 {strides = array<i32>} : memref<4096xf32, #tpu.memory_space<vmem>>, vector<16xf32>,
    %get3A_1083 = arith.constant 1888 : index
    %get3A_1084 = tpu.vector_load %arg5[%get3A_1083] {strides = array<i32>} : memref<4096xf32, #tpu.memory_space<vmem>>, vector<16xf32>,
    %get3A_1085 = vector.shape_cast %get3A_1084 : vector<16xf32> to vector<16xf32>
    %mul3A_1086 = arith.mulf %get3A_1085, %div3A_1034 : vector<16xf32>
    %swap3A_1087 = arith.constant 1888 : index
    %swap3A_1088 = tpu.vector_load %arg5[%swap3A_1087] {strides = array<i32>} : memref<4096xf32, #tpu.memory_space<vmem>>, vector<16xf32>,
    %swap3A_1089 = vector.shape_cast %swap3A_1088 : vector<16xf32> to vector<16xf32>
    %swap3A_1090 = vector.shape_cast %mul3A_1086 : vector<16xf32> to vector<16xf32>
    tpu.vector_store %arg5[%swap3A_1087], %swap3A_1090 {strides = array<i32>} : memref<4096xf32, #tpu.memory_space<vmem>>, vector<16xf32>,
    %get3A_1091 = arith.constant 1904 : index
    %get3A_1092 = tpu.vector_load %arg5[%get3A_1091] {strides = array<i32>} : memref<4096xf32, #tpu.memory_space<vmem>>, vector<16xf32>,
    %get3A_1093 = vector.shape_cast %get3A_1092 : vector<16xf32> to vector<16xf32>
    %mul3A_1094 = arith.mulf %get3A_1093, %div3A_1034 : vector<16xf32>
    %swap3A_1095 = arith.constant 1904 : index
    %swap3A_1096 = tpu.vector_load %arg5[%swap3A_1095] {strides = array<i32>} : memref<4096xf32, #tpu.memory_space<vmem>>, vector<16xf32>,
    %swap3A_1097 = vector.shape_cast %swap3A_1096 : vector<16xf32> to vector<16xf32>
    %swap3A_1098 = vector.shape_cast %mul3A_1094 : vector<16xf32> to vector<16xf32>
    tpu.vector_store %arg5[%swap3A_1095], %swap3A_1098 {strides = array<i32>} : memref<4096xf32, #tpu.memory_space<vmem>>, vector<16xf32>,
    %get3A_1099 = arith.constant 240 : index
    %get3A_1100 = tpu.vector_load %arg6[%get3A_1099] {strides = array<i32>} : memref<512xf32, #tpu.memory_space<vmem>>, vector<16xf32>,
    %get3A_1101 = vector.shape_cast %get3A_1100 : vector<16xf32> to vector<16xf32>
    %add3A_1102 = arith.constant 1.000000e-16 : f32
    %add3A_1103 = vector.broadcast %add3A_1102 : f32 to vector<16xf32>
    %add3A_1104 = arith.addf %get3A_1101, %add3A_1103 : vector<16xf32>
    %div3A_1105 = arith.constant 1.000000e+00 : f32
    %div3A_1106 = vector.broadcast %div3A_1105 : f32 to vector<16xf32>
    %div3A_1107 = arith.divf %div3A_1106, %add3A_1104 : vector<16xf32>
    %get3A_1108 = arith.constant 1920 : index
    %get3A_1109 = tpu.vector_load %arg5[%get3A_1108] {strides = array<i32>} : memref<4096xf32, #tpu.memory_space<vmem>>, vector<16xf32>,
    %get3A_1110 = vector.shape_cast %get3A_1109 : vector<16xf32> to vector<16xf32>
    %mul3A_1111 = arith.mulf %get3A_1110, %div3A_1107 : vector<16xf32>
    %swap3A_1112 = arith.constant 1920 : index
    %swap3A_1113 = tpu.vector_load %arg5[%swap3A_1112] {strides = array<i32>} : memref<4096xf32, #tpu.memory_space<vmem>>, vector<16xf32>,
    %swap3A_1114 = vector.shape_cast %swap3A_1113 : vector<16xf32> to vector<16xf32>
    %swap3A_1115 = vector.shape_cast %mul3A_1111 : vector<16xf32> to vector<16xf32>
    tpu.vector_store %arg5[%swap3A_1112], %swap3A_1115 {strides = array<i32>} : memref<4096xf32, #tpu.memory_space<vmem>>, vector<16xf32>,
    %get3A_1116 = arith.constant 1936 : index
    %get3A_1117 = tpu.vector_load %arg5[%get3A_1116] {strides = array<i32>} : memref<4096xf32, #tpu.memory_space<vmem>>, vector<16xf32>,
    %get3A_1118 = vector.shape_cast %get3A_1117 : vector<16xf32> to vector<16xf32>
    %mul3A_1119 = arith.mulf %get3A_1118, %div3A_1107 : vector<16xf32>
    %swap3A_1120 = arith.constant 1936 : index
    %swap3A_1121 = tpu.vector_load %arg5[%swap3A_1120] {strides = array<i32>} : memref<4096xf32, #tpu.memory_space<vmem>>, vector<16xf32>,
    %swap3A_1122 = vector.shape_cast %swap3A_1121 : vector<16xf32> to vector<16xf32>
    %swap3A_1123 = vector.shape_cast %mul3A_1119 : vector<16xf32> to vector<16xf32>
    tpu.vector_store %arg5[%swap3A_1120], %swap3A_1123 {strides = array<i32>} : memref<4096xf32, #tpu.memory_space<vmem>>, vector<16xf32>,
    %get3A_1124 = arith.constant 1952 : index
    %get3A_1125 = tpu.vector_load %arg5[%get3A_1124] {strides = array<i32>} : memref<4096xf32, #tpu.memory_space<vmem>>, vector<16xf32>,
    %get3A_1126 = vector.shape_cast %get3A_1125 : vector<16xf32> to vector<16xf32>
    %mul3A_1127 = arith.mulf %get3A_1126, %div3A_1107 : vector<16xf32>
    %swap3A_1128 = arith.constant 1952 : index
    %swap3A_1129 = tpu.vector_load %arg5[%swap3A_1128] {strides = array<i32>} : memref<4096xf32, #tpu.memory_space<vmem>>, vector<16xf32>,
    %swap3A_1130 = vector.shape_cast %swap3A_1129 : vector<16xf32> to vector<16xf32>
    %swap3A_1131 = vector.shape_cast %mul3A_1127 : vector<16xf32> to vector<16xf32>
    tpu.vector_store %arg5[%swap3A_1128], %swap3A_1131 {strides = array<i32>} : memref<4096xf32, #tpu.memory_space<vmem>>, vector<16xf32>,
    %get3A_1132 = arith.constant 1968 : index
    %get3A_1133 = tpu.vector_load %arg5[%get3A_1132] {strides = array<i32>} : memref<4096xf32, #tpu.memory_space<vmem>>, vector<16xf32>,
    %get3A_1134 = vector.shape_cast %get3A_1133 : vector<16xf32> to vector<16xf32>
    %mul3A_1135 = arith.mulf %get3A_1134, %div3A_1107 : vector<16xf32>
    %swap3A_1136 = arith.constant 1968 : index
    %swap3A_1137 = tpu.vector_load %arg5[%swap3A_1136] {strides = array<i32>} : memref<4096xf32, #tpu.memory_space<vmem>>, vector<16xf32>,
    %swap3A_1138 = vector.shape_cast %swap3A_1137 : vector<16xf32> to vector<16xf32>
    %swap3A_1139 = vector.shape_cast %mul3A_1135 : vector<16xf32> to vector<16xf32>
    tpu.vector_store %arg5[%swap3A_1136], %swap3A_1139 {strides = array<i32>} : memref<4096xf32, #tpu.memory_space<vmem>>, vector<16xf32>,
    %get3A_1140 = arith.constant 1984 : index
    %get3A_1141 = tpu.vector_load %arg5[%get3A_1140] {strides = array<i32>} : memref<4096xf32, #tpu.memory_space<vmem>>, vector<16xf32>,
    %get3A_1142 = vector.shape_cast %get3A_1141 : vector<16xf32> to vector<16xf32>
    %mul3A_1143 = arith.mulf %get3A_1142, %div3A_1107 : vector<16xf32>
    %swap3A_1144 = arith.constant 1984 : index
    %swap3A_1145 = tpu.vector_load %arg5[%swap3A_1144] {strides = array<i32>} : memref<4096xf32, #tpu.memory_space<vmem>>, vector<16xf32>,
    %swap3A_1146 = vector.shape_cast %swap3A_1145 : vector<16xf32> to vector<16xf32>
    %swap3A_1147 = vector.shape_cast %mul3A_1143 : vector<16xf32> to vector<16xf32>
    tpu.vector_store %arg5[%swap3A_1144], %swap3A_1147 {strides = array<i32>} : memref<4096xf32, #tpu.memory_space<vmem>>, vector<16xf32>,
    %get3A_1148 = arith.constant 2000 : index
    %get3A_1149 = tpu.vector_load %arg5[%get3A_1148] {strides = array<i32>} : memref<4096xf32, #tpu.memory_space<vmem>>, vector<16xf32>,
    %get3A_1150 = vector.shape_cast %get3A_1149 : vector<16xf32> to vector<16xf32>
    %mul3A_1151 = arith.mulf %get3A_1150, %div3A_1107 : vector<16xf32>
    %swap3A_1152 = arith.constant 2000 : index
    %swap3A_1153 = tpu.vector_load %arg5[%swap3A_1152] {strides = array<i32>} : memref<4096xf32, #tpu.memory_space<vmem>>, vector<16xf32>,
    %swap3A_1154 = vector.shape_cast %swap3A_1153 : vector<16xf32> to vector<16xf32>
    %swap3A_1155 = vector.shape_cast %mul3A_1151 : vector<16xf32> to vector<16xf32>
    tpu.vector_store %arg5[%swap3A_1152], %swap3A_1155 {strides = array<i32>} : memref<4096xf32, #tpu.memory_space<vmem>>, vector<16xf32>,
    %get3A_1156 = arith.constant 2016 : index
    %get3A_1157 = tpu.vector_load %arg5[%get3A_1156] {strides = array<i32>} : memref<4096xf32, #tpu.memory_space<vmem>>, vector<16xf32>,
    %get3A_1158 = vector.shape_cast %get3A_1157 : vector<16xf32> to vector<16xf32>
    %mul3A_1159 = arith.mulf %get3A_1158, %div3A_1107 : vector<16xf32>
    %swap3A_1160 = arith.constant 2016 : index
    %swap3A_1161 = tpu.vector_load %arg5[%swap3A_1160] {strides = array<i32>} : memref<4096xf32, #tpu.memory_space<vmem>>, vector<16xf32>,
    %swap3A_1162 = vector.shape_cast %swap3A_1161 : vector<16xf32> to vector<16xf32>
    %swap3A_1163 = vector.shape_cast %mul3A_1159 : vector<16xf32> to vector<16xf32>
    tpu.vector_store %arg5[%swap3A_1160], %swap3A_1163 {strides = array<i32>} : memref<4096xf32, #tpu.memory_space<vmem>>, vector<16xf32>,
    %get3A_1164 = arith.constant 2032 : index
    %get3A_1165 = tpu.vector_load %arg5[%get3A_1164] {strides = array<i32>} : memref<4096xf32, #tpu.memory_space<vmem>>, vector<16xf32>,
    %get3A_1166 = vector.shape_cast %get3A_1165 : vector<16xf32> to vector<16xf32>
    %mul3A_1167 = arith.mulf %get3A_1166, %div3A_1107 : vector<16xf32>
    %swap3A_1168 = arith.constant 2032 : index
    %swap3A_1169 = tpu.vector_load %arg5[%swap3A_1168] {strides = array<i32>} : memref<4096xf32, #tpu.memory_space<vmem>>, vector<16xf32>,
    %swap3A_1170 = vector.shape_cast %swap3A_1169 : vector<16xf32> to vector<16xf32>
    %swap3A_1171 = vector.shape_cast %mul3A_1167 : vector<16xf32> to vector<16xf32>
    tpu.vector_store %arg5[%swap3A_1168], %swap3A_1171 {strides = array<i32>} : memref<4096xf32, #tpu.memory_space<vmem>>, vector<16xf32>,
    %get3A_1172 = arith.constant 256 : index
    %get3A_1173 = tpu.vector_load %arg6[%get3A_1172] {strides = array<i32>} : memref<512xf32, #tpu.memory_space<vmem>>, vector<16xf32>,
    %get3A_1174 = vector.shape_cast %get3A_1173 : vector<16xf32> to vector<16xf32>
    %add3A_1175 = arith.constant 1.000000e-16 : f32
    %add3A_1176 = vector.broadcast %add3A_1175 : f32 to vector<16xf32>
    %add3A_1177 = arith.addf %get3A_1174, %add3A_1176 : vector<16xf32>
    %div3A_1178 = arith.constant 1.000000e+00 : f32
    %div3A_1179 = vector.broadcast %div3A_1178 : f32 to vector<16xf32>
    %div3A_1180 = arith.divf %div3A_1179, %add3A_1177 : vector<16xf32>
    %get3A_1181 = arith.constant 2048 : index
    %get3A_1182 = tpu.vector_load %arg5[%get3A_1181] {strides = array<i32>} : memref<4096xf32, #tpu.memory_space<vmem>>, vector<16xf32>,
    %get3A_1183 = vector.shape_cast %get3A_1182 : vector<16xf32> to vector<16xf32>
    %mul3A_1184 = arith.mulf %get3A_1183, %div3A_1180 : vector<16xf32>
    %swap3A_1185 = arith.constant 2048 : index
    %swap3A_1186 = tpu.vector_load %arg5[%swap3A_1185] {strides = array<i32>} : memref<4096xf32, #tpu.memory_space<vmem>>, vector<16xf32>,
    %swap3A_1187 = vector.shape_cast %swap3A_1186 : vector<16xf32> to vector<16xf32>
    %swap3A_1188 = vector.shape_cast %mul3A_1184 : vector<16xf32> to vector<16xf32>
    tpu.vector_store %arg5[%swap3A_1185], %swap3A_1188 {strides = array<i32>} : memref<4096xf32, #tpu.memory_space<vmem>>, vector<16xf32>,
    %get3A_1189 = arith.constant 2064 : index
    %get3A_1190 = tpu.vector_load %arg5[%get3A_1189] {strides = array<i32>} : memref<4096xf32, #tpu.memory_space<vmem>>, vector<16xf32>,
    %get3A_1191 = vector.shape_cast %get3A_1190 : vector<16xf32> to vector<16xf32>
    %mul3A_1192 = arith.mulf %get3A_1191, %div3A_1180 : vector<16xf32>
    %swap3A_1193 = arith.constant 2064 : index
    %swap3A_1194 = tpu.vector_load %arg5[%swap3A_1193] {strides = array<i32>} : memref<4096xf32, #tpu.memory_space<vmem>>, vector<16xf32>,
    %swap3A_1195 = vector.shape_cast %swap3A_1194 : vector<16xf32> to vector<16xf32>
    %swap3A_1196 = vector.shape_cast %mul3A_1192 : vector<16xf32> to vector<16xf32>
    tpu.vector_store %arg5[%swap3A_1193], %swap3A_1196 {strides = array<i32>} : memref<4096xf32, #tpu.memory_space<vmem>>, vector<16xf32>,
    %get3A_1197 = arith.constant 2080 : index
    %get3A_1198 = tpu.vector_load %arg5[%get3A_1197] {strides = array<i32>} : memref<4096xf32, #tpu.memory_space<vmem>>, vector<16xf32>,
    %get3A_1199 = vector.shape_cast %get3A_1198 : vector<16xf32> to vector<16xf32>
    %mul3A_1200 = arith.mulf %get3A_1199, %div3A_1180 : vector<16xf32>
    %swap3A_1201 = arith.constant 2080 : index
    %swap3A_1202 = tpu.vector_load %arg5[%swap3A_1201] {strides = array<i32>} : memref<4096xf32, #tpu.memory_space<vmem>>, vector<16xf32>,
    %swap3A_1203 = vector.shape_cast %swap3A_1202 : vector<16xf32> to vector<16xf32>
    %swap3A_1204 = vector.shape_cast %mul3A_1200 : vector<16xf32> to vector<16xf32>
    tpu.vector_store %arg5[%swap3A_1201], %swap3A_1204 {strides = array<i32>} : memref<4096xf32, #tpu.memory_space<vmem>>, vector<16xf32>,
    %get3A_1205 = arith.constant 2096 : index
    %get3A_1206 = tpu.vector_load %arg5[%get3A_1205] {strides = array<i32>} : memref<4096xf32, #tpu.memory_space<vmem>>, vector<16xf32>,
    %get3A_1207 = vector.shape_cast %get3A_1206 : vector<16xf32> to vector<16xf32>
    %mul3A_1208 = arith.mulf %get3A_1207, %div3A_1180 : vector<16xf32>
    %swap3A_1209 = arith.constant 2096 : index
    %swap3A_1210 = tpu.vector_load %arg5[%swap3A_1209] {strides = array<i32>} : memref<4096xf32, #tpu.memory_space<vmem>>, vector<16xf32>,
    %swap3A_1211 = vector.shape_cast %swap3A_1210 : vector<16xf32> to vector<16xf32>
    %swap3A_1212 = vector.shape_cast %mul3A_1208 : vector<16xf32> to vector<16xf32>
    tpu.vector_store %arg5[%swap3A_1209], %swap3A_1212 {strides = array<i32>} : memref<4096xf32, #tpu.memory_space<vmem>>, vector<16xf32>,
    %get3A_1213 = arith.constant 2112 : index
    %get3A_1214 = tpu.vector_load %arg5[%get3A_1213] {strides = array<i32>} : memref<4096xf32, #tpu.memory_space<vmem>>, vector<16xf32>,
    %get3A_1215 = vector.shape_cast %get3A_1214 : vector<16xf32> to vector<16xf32>
    %mul3A_1216 = arith.mulf %get3A_1215, %div3A_1180 : vector<16xf32>
    %swap3A_1217 = arith.constant 2112 : index
    %swap3A_1218 = tpu.vector_load %arg5[%swap3A_1217] {strides = array<i32>} : memref<4096xf32, #tpu.memory_space<vmem>>, vector<16xf32>,
    %swap3A_1219 = vector.shape_cast %swap3A_1218 : vector<16xf32> to vector<16xf32>
    %swap3A_1220 = vector.shape_cast %mul3A_1216 : vector<16xf32> to vector<16xf32>
    tpu.vector_store %arg5[%swap3A_1217], %swap3A_1220 {strides = array<i32>} : memref<4096xf32, #tpu.memory_space<vmem>>, vector<16xf32>,
    %get3A_1221 = arith.constant 2128 : index
    %get3A_1222 = tpu.vector_load %arg5[%get3A_1221] {strides = array<i32>} : memref<4096xf32, #tpu.memory_space<vmem>>, vector<16xf32>,
    %get3A_1223 = vector.shape_cast %get3A_1222 : vector<16xf32> to vector<16xf32>
    %mul3A_1224 = arith.mulf %get3A_1223, %div3A_1180 : vector<16xf32>
    %swap3A_1225 = arith.constant 2128 : index
    %swap3A_1226 = tpu.vector_load %arg5[%swap3A_1225] {strides = array<i32>} : memref<4096xf32, #tpu.memory_space<vmem>>, vector<16xf32>,
    %swap3A_1227 = vector.shape_cast %swap3A_1226 : vector<16xf32> to vector<16xf32>
    %swap3A_1228 = vector.shape_cast %mul3A_1224 : vector<16xf32> to vector<16xf32>
    tpu.vector_store %arg5[%swap3A_1225], %swap3A_1228 {strides = array<i32>} : memref<4096xf32, #tpu.memory_space<vmem>>, vector<16xf32>,
    %get3A_1229 = arith.constant 2144 : index
    %get3A_1230 = tpu.vector_load %arg5[%get3A_1229] {strides = array<i32>} : memref<4096xf32, #tpu.memory_space<vmem>>, vector<16xf32>,
    %get3A_1231 = vector.shape_cast %get3A_1230 : vector<16xf32> to vector<16xf32>
    %mul3A_1232 = arith.mulf %get3A_1231, %div3A_1180 : vector<16xf32>
    %swap3A_1233 = arith.constant 2144 : index
    %swap3A_1234 = tpu.vector_load %arg5[%swap3A_1233] {strides = array<i32>} : memref<4096xf32, #tpu.memory_space<vmem>>, vector<16xf32>,
    %swap3A_1235 = vector.shape_cast %swap3A_1234 : vector<16xf32> to vector<16xf32>
    %swap3A_1236 = vector.shape_cast %mul3A_1232 : vector<16xf32> to vector<16xf32>
    tpu.vector_store %arg5[%swap3A_1233], %swap3A_1236 {strides = array<i32>} : memref<4096xf32, #tpu.memory_space<vmem>>, vector<16xf32>,
    %get3A_1237 = arith.constant 2160 : index
    %get3A_1238 = tpu.vector_load %arg5[%get3A_1237] {strides = array<i32>} : memref<4096xf32, #tpu.memory_space<vmem>>, vector<16xf32>,
    %get3A_1239 = vector.shape_cast %get3A_1238 : vector<16xf32> to vector<16xf32>
    %mul3A_1240 = arith.mulf %get3A_1239, %div3A_1180 : vector<16xf32>
    %swap3A_1241 = arith.constant 2160 : index
    %swap3A_1242 = tpu.vector_load %arg5[%swap3A_1241] {strides = array<i32>} : memref<4096xf32, #tpu.memory_space<vmem>>, vector<16xf32>,
    %swap3A_1243 = vector.shape_cast %swap3A_1242 : vector<16xf32> to vector<16xf32>
    %swap3A_1244 = vector.shape_cast %mul3A_1240 : vector<16xf32> to vector<16xf32>
    tpu.vector_store %arg5[%swap3A_1241], %swap3A_1244 {strides = array<i32>} : memref<4096xf32, #tpu.memory_space<vmem>>, vector<16xf32>,
    %get3A_1245 = arith.constant 272 : index
    %get3A_1246 = tpu.vector_load %arg6[%get3A_1245] {strides = array<i32>} : memref<512xf32, #tpu.memory_space<vmem>>, vector<16xf32>,
    %get3A_1247 = vector.shape_cast %get3A_1246 : vector<16xf32> to vector<16xf32>
    %add3A_1248 = arith.constant 1.000000e-16 : f32
    %add3A_1249 = vector.broadcast %add3A_1248 : f32 to vector<16xf32>
    %add3A_1250 = arith.addf %get3A_1247, %add3A_1249 : vector<16xf32>
    %div3A_1251 = arith.constant 1.000000e+00 : f32
    %div3A_1252 = vector.broadcast %div3A_1251 : f32 to vector<16xf32>
    %div3A_1253 = arith.divf %div3A_1252, %add3A_1250 : vector<16xf32>
    %get3A_1254 = arith.constant 2176 : index
    %get3A_1255 = tpu.vector_load %arg5[%get3A_1254] {strides = array<i32>} : memref<4096xf32, #tpu.memory_space<vmem>>, vector<16xf32>,
    %get3A_1256 = vector.shape_cast %get3A_1255 : vector<16xf32> to vector<16xf32>
    %mul3A_1257 = arith.mulf %get3A_1256, %div3A_1253 : vector<16xf32>
    %swap3A_1258 = arith.constant 2176 : index
    %swap3A_1259 = tpu.vector_load %arg5[%swap3A_1258] {strides = array<i32>} : memref<4096xf32, #tpu.memory_space<vmem>>, vector<16xf32>,
    %swap3A_1260 = vector.shape_cast %swap3A_1259 : vector<16xf32> to vector<16xf32>
    %swap3A_1261 = vector.shape_cast %mul3A_1257 : vector<16xf32> to vector<16xf32>
    tpu.vector_store %arg5[%swap3A_1258], %swap3A_1261 {strides = array<i32>} : memref<4096xf32, #tpu.memory_space<vmem>>, vector<16xf32>,
    %get3A_1262 = arith.constant 2192 : index
    %get3A_1263 = tpu.vector_load %arg5[%get3A_1262] {strides = array<i32>} : memref<4096xf32, #tpu.memory_space<vmem>>, vector<16xf32>,
    %get3A_1264 = vector.shape_cast %get3A_1263 : vector<16xf32> to vector<16xf32>
    %mul3A_1265 = arith.mulf %get3A_1264, %div3A_1253 : vector<16xf32>
    %swap3A_1266 = arith.constant 2192 : index
    %swap3A_1267 = tpu.vector_load %arg5[%swap3A_1266] {strides = array<i32>} : memref<4096xf32, #tpu.memory_space<vmem>>, vector<16xf32>,
    %swap3A_1268 = vector.shape_cast %swap3A_1267 : vector<16xf32> to vector<16xf32>
    %swap3A_1269 = vector.shape_cast %mul3A_1265 : vector<16xf32> to vector<16xf32>
    tpu.vector_store %arg5[%swap3A_1266], %swap3A_1269 {strides = array<i32>} : memref<4096xf32, #tpu.memory_space<vmem>>, vector<16xf32>,
    %get3A_1270 = arith.constant 2208 : index
    %get3A_1271 = tpu.vector_load %arg5[%get3A_1270] {strides = array<i32>} : memref<4096xf32, #tpu.memory_space<vmem>>, vector<16xf32>,
    %get3A_1272 = vector.shape_cast %get3A_1271 : vector<16xf32> to vector<16xf32>
    %mul3A_1273 = arith.mulf %get3A_1272, %div3A_1253 : vector<16xf32>
    %swap3A_1274 = arith.constant 2208 : index
    %swap3A_1275 = tpu.vector_load %arg5[%swap3A_1274] {strides = array<i32>} : memref<4096xf32, #tpu.memory_space<vmem>>, vector<16xf32>,
    %swap3A_1276 = vector.shape_cast %swap3A_1275 : vector<16xf32> to vector<16xf32>
    %swap3A_1277 = vector.shape_cast %mul3A_1273 : vector<16xf32> to vector<16xf32>
    tpu.vector_store %arg5[%swap3A_1274], %swap3A_1277 {strides = array<i32>} : memref<4096xf32, #tpu.memory_space<vmem>>, vector<16xf32>,
    %get3A_1278 = arith.constant 2224 : index
    %get3A_1279 = tpu.vector_load %arg5[%get3A_1278] {strides = array<i32>} : memref<4096xf32, #tpu.memory_space<vmem>>, vector<16xf32>,
    %get3A_1280 = vector.shape_cast %get3A_1279 : vector<16xf32> to vector<16xf32>
    %mul3A_1281 = arith.mulf %get3A_1280, %div3A_1253 : vector<16xf32>
    %swap3A_1282 = arith.constant 2224 : index
    %swap3A_1283 = tpu.vector_load %arg5[%swap3A_1282] {strides = array<i32>} : memref<4096xf32, #tpu.memory_space<vmem>>, vector<16xf32>,
    %swap3A_1284 = vector.shape_cast %swap3A_1283 : vector<16xf32> to vector<16xf32>
    %swap3A_1285 = vector.shape_cast %mul3A_1281 : vector<16xf32> to vector<16xf32>
    tpu.vector_store %arg5[%swap3A_1282], %swap3A_1285 {strides = array<i32>} : memref<4096xf32, #tpu.memory_space<vmem>>, vector<16xf32>,
    %get3A_1286 = arith.constant 2240 : index
    %get3A_1287 = tpu.vector_load %arg5[%get3A_1286] {strides = array<i32>} : memref<4096xf32, #tpu.memory_space<vmem>>, vector<16xf32>,
    %get3A_1288 = vector.shape_cast %get3A_1287 : vector<16xf32> to vector<16xf32>
    %mul3A_1289 = arith.mulf %get3A_1288, %div3A_1253 : vector<16xf32>
    %swap3A_1290 = arith.constant 2240 : index
    %swap3A_1291 = tpu.vector_load %arg5[%swap3A_1290] {strides = array<i32>} : memref<4096xf32, #tpu.memory_space<vmem>>, vector<16xf32>,
    %swap3A_1292 = vector.shape_cast %swap3A_1291 : vector<16xf32> to vector<16xf32>
    %swap3A_1293 = vector.shape_cast %mul3A_1289 : vector<16xf32> to vector<16xf32>
    tpu.vector_store %arg5[%swap3A_1290], %swap3A_1293 {strides = array<i32>} : memref<4096xf32, #tpu.memory_space<vmem>>, vector<16xf32>,
    %get3A_1294 = arith.constant 2256 : index
    %get3A_1295 = tpu.vector_load %arg5[%get3A_1294] {strides = array<i32>} : memref<4096xf32, #tpu.memory_space<vmem>>, vector<16xf32>,
    %get3A_1296 = vector.shape_cast %get3A_1295 : vector<16xf32> to vector<16xf32>
    %mul3A_1297 = arith.mulf %get3A_1296, %div3A_1253 : vector<16xf32>
    %swap3A_1298 = arith.constant 2256 : index
    %swap3A_1299 = tpu.vector_load %arg5[%swap3A_1298] {strides = array<i32>} : memref<4096xf32, #tpu.memory_space<vmem>>, vector<16xf32>,
    %swap3A_1300 = vector.shape_cast %swap3A_1299 : vector<16xf32> to vector<16xf32>
    %swap3A_1301 = vector.shape_cast %mul3A_1297 : vector<16xf32> to vector<16xf32>
    tpu.vector_store %arg5[%swap3A_1298], %swap3A_1301 {strides = array<i32>} : memref<4096xf32, #tpu.memory_space<vmem>>, vector<16xf32>,
    %get3A_1302 = arith.constant 2272 : index
    %get3A_1303 = tpu.vector_load %arg5[%get3A_1302] {strides = array<i32>} : memref<4096xf32, #tpu.memory_space<vmem>>, vector<16xf32>,
    %get3A_1304 = vector.shape_cast %get3A_1303 : vector<16xf32> to vector<16xf32>
    %mul3A_1305 = arith.mulf %get3A_1304, %div3A_1253 : vector<16xf32>
    %swap3A_1306 = arith.constant 2272 : index
    %swap3A_1307 = tpu.vector_load %arg5[%swap3A_1306] {strides = array<i32>} : memref<4096xf32, #tpu.memory_space<vmem>>, vector<16xf32>,
    %swap3A_1308 = vector.shape_cast %swap3A_1307 : vector<16xf32> to vector<16xf32>
    %swap3A_1309 = vector.shape_cast %mul3A_1305 : vector<16xf32> to vector<16xf32>
    tpu.vector_store %arg5[%swap3A_1306], %swap3A_1309 {strides = array<i32>} : memref<4096xf32, #tpu.memory_space<vmem>>, vector<16xf32>,
    %get3A_1310 = arith.constant 2288 : index
    %get3A_1311 = tpu.vector_load %arg5[%get3A_1310] {strides = array<i32>} : memref<4096xf32, #tpu.memory_space<vmem>>, vector<16xf32>,
    %get3A_1312 = vector.shape_cast %get3A_1311 : vector<16xf32> to vector<16xf32>
    %mul3A_1313 = arith.mulf %get3A_1312, %div3A_1253 : vector<16xf32>
    %swap3A_1314 = arith.constant 2288 : index
    %swap3A_1315 = tpu.vector_load %arg5[%swap3A_1314] {strides = array<i32>} : memref<4096xf32, #tpu.memory_space<vmem>>, vector<16xf32>,
    %swap3A_1316 = vector.shape_cast %swap3A_1315 : vector<16xf32> to vector<16xf32>
    %swap3A_1317 = vector.shape_cast %mul3A_1313 : vector<16xf32> to vector<16xf32>
    tpu.vector_store %arg5[%swap3A_1314], %swap3A_1317 {strides = array<i32>} : memref<4096xf32, #tpu.memory_space<vmem>>, vector<16xf32>,
    %get3A_1318 = arith.constant 288 : index
    %get3A_1319 = tpu.vector_load %arg6[%get3A_1318] {strides = array<i32>} : memref<512xf32, #tpu.memory_space<vmem>>, vector<16xf32>,
    %get3A_1320 = vector.shape_cast %get3A_1319 : vector<16xf32> to vector<16xf32>
    %add3A_1321 = arith.constant 1.000000e-16 : f32
    %add3A_1322 = vector.broadcast %add3A_1321 : f32 to vector<16xf32>
    %add3A_1323 = arith.addf %get3A_1320, %add3A_1322 : vector<16xf32>
    %div3A_1324 = arith.constant 1.000000e+00 : f32
    %div3A_1325 = vector.broadcast %div3A_1324 : f32 to vector<16xf32>
    %div3A_1326 = arith.divf %div3A_1325, %add3A_1323 : vector<16xf32>
    %get3A_1327 = arith.constant 2304 : index
    %get3A_1328 = tpu.vector_load %arg5[%get3A_1327] {strides = array<i32>} : memref<4096xf32, #tpu.memory_space<vmem>>, vector<16xf32>,
    %get3A_1329 = vector.shape_cast %get3A_1328 : vector<16xf32> to vector<16xf32>
    %mul3A_1330 = arith.mulf %get3A_1329, %div3A_1326 : vector<16xf32>
    %swap3A_1331 = arith.constant 2304 : index
    %swap3A_1332 = tpu.vector_load %arg5[%swap3A_1331] {strides = array<i32>} : memref<4096xf32, #tpu.memory_space<vmem>>, vector<16xf32>,
    %swap3A_1333 = vector.shape_cast %swap3A_1332 : vector<16xf32> to vector<16xf32>
    %swap3A_1334 = vector.shape_cast %mul3A_1330 : vector<16xf32> to vector<16xf32>
    tpu.vector_store %arg5[%swap3A_1331], %swap3A_1334 {strides = array<i32>} : memref<4096xf32, #tpu.memory_space<vmem>>, vector<16xf32>,
    %get3A_1335 = arith.constant 2320 : index
    %get3A_1336 = tpu.vector_load %arg5[%get3A_1335] {strides = array<i32>} : memref<4096xf32, #tpu.memory_space<vmem>>, vector<16xf32>,
    %get3A_1337 = vector.shape_cast %get3A_1336 : vector<16xf32> to vector<16xf32>
    %mul3A_1338 = arith.mulf %get3A_1337, %div3A_1326 : vector<16xf32>
    %swap3A_1339 = arith.constant 2320 : index
    %swap3A_1340 = tpu.vector_load %arg5[%swap3A_1339] {strides = array<i32>} : memref<4096xf32, #tpu.memory_space<vmem>>, vector<16xf32>,
    %swap3A_1341 = vector.shape_cast %swap3A_1340 : vector<16xf32> to vector<16xf32>
    %swap3A_1342 = vector.shape_cast %mul3A_1338 : vector<16xf32> to vector<16xf32>
    tpu.vector_store %arg5[%swap3A_1339], %swap3A_1342 {strides = array<i32>} : memref<4096xf32, #tpu.memory_space<vmem>>, vector<16xf32>,
    %get3A_1343 = arith.constant 2336 : index
    %get3A_1344 = tpu.vector_load %arg5[%get3A_1343] {strides = array<i32>} : memref<4096xf32, #tpu.memory_space<vmem>>, vector<16xf32>,
    %get3A_1345 = vector.shape_cast %get3A_1344 : vector<16xf32> to vector<16xf32>
    %mul3A_1346 = arith.mulf %get3A_1345, %div3A_1326 : vector<16xf32>
    %swap3A_1347 = arith.constant 2336 : index
    %swap3A_1348 = tpu.vector_load %arg5[%swap3A_1347] {strides = array<i32>} : memref<4096xf32, #tpu.memory_space<vmem>>, vector<16xf32>,
    %swap3A_1349 = vector.shape_cast %swap3A_1348 : vector<16xf32> to vector<16xf32>
    %swap3A_1350 = vector.shape_cast %mul3A_1346 : vector<16xf32> to vector<16xf32>
    tpu.vector_store %arg5[%swap3A_1347], %swap3A_1350 {strides = array<i32>} : memref<4096xf32, #tpu.memory_space<vmem>>, vector<16xf32>,
    %get3A_1351 = arith.constant 2352 : index
    %get3A_1352 = tpu.vector_load %arg5[%get3A_1351] {strides = array<i32>} : memref<4096xf32, #tpu.memory_space<vmem>>, vector<16xf32>,
    %get3A_1353 = vector.shape_cast %get3A_1352 : vector<16xf32> to vector<16xf32>
    %mul3A_1354 = arith.mulf %get3A_1353, %div3A_1326 : vector<16xf32>
    %swap3A_1355 = arith.constant 2352 : index
    %swap3A_1356 = tpu.vector_load %arg5[%swap3A_1355] {strides = array<i32>} : memref<4096xf32, #tpu.memory_space<vmem>>, vector<16xf32>,
    %swap3A_1357 = vector.shape_cast %swap3A_1356 : vector<16xf32> to vector<16xf32>
    %swap3A_1358 = vector.shape_cast %mul3A_1354 : vector<16xf32> to vector<16xf32>
    tpu.vector_store %arg5[%swap3A_1355], %swap3A_1358 {strides = array<i32>} : memref<4096xf32, #tpu.memory_space<vmem>>, vector<16xf32>,
    %get3A_1359 = arith.constant 2368 : index
    %get3A_1360 = tpu.vector_load %arg5[%get3A_1359] {strides = array<i32>} : memref<4096xf32, #tpu.memory_space<vmem>>, vector<16xf32>,
    %get3A_1361 = vector.shape_cast %get3A_1360 : vector<16xf32> to vector<16xf32>
    %mul3A_1362 = arith.mulf %get3A_1361, %div3A_1326 : vector<16xf32>
    %swap3A_1363 = arith.constant 2368 : index
    %swap3A_1364 = tpu.vector_load %arg5[%swap3A_1363] {strides = array<i32>} : memref<4096xf32, #tpu.memory_space<vmem>>, vector<16xf32>,
    %swap3A_1365 = vector.shape_cast %swap3A_1364 : vector<16xf32> to vector<16xf32>
    %swap3A_1366 = vector.shape_cast %mul3A_1362 : vector<16xf32> to vector<16xf32>
    tpu.vector_store %arg5[%swap3A_1363], %swap3A_1366 {strides = array<i32>} : memref<4096xf32, #tpu.memory_space<vmem>>, vector<16xf32>,
    %get3A_1367 = arith.constant 2384 : index
    %get3A_1368 = tpu.vector_load %arg5[%get3A_1367] {strides = array<i32>} : memref<4096xf32, #tpu.memory_space<vmem>>, vector<16xf32>,
    %get3A_1369 = vector.shape_cast %get3A_1368 : vector<16xf32> to vector<16xf32>
    %mul3A_1370 = arith.mulf %get3A_1369, %div3A_1326 : vector<16xf32>
    %swap3A_1371 = arith.constant 2384 : index
    %swap3A_1372 = tpu.vector_load %arg5[%swap3A_1371] {strides = array<i32>} : memref<4096xf32, #tpu.memory_space<vmem>>, vector<16xf32>,
    %swap3A_1373 = vector.shape_cast %swap3A_1372 : vector<16xf32> to vector<16xf32>
    %swap3A_1374 = vector.shape_cast %mul3A_1370 : vector<16xf32> to vector<16xf32>
    tpu.vector_store %arg5[%swap3A_1371], %swap3A_1374 {strides = array<i32>} : memref<4096xf32, #tpu.memory_space<vmem>>, vector<16xf32>,
    %get3A_1375 = arith.constant 2400 : index
    %get3A_1376 = tpu.vector_load %arg5[%get3A_1375] {strides = array<i32>} : memref<4096xf32, #tpu.memory_space<vmem>>, vector<16xf32>,
    %get3A_1377 = vector.shape_cast %get3A_1376 : vector<16xf32> to vector<16xf32>
    %mul3A_1378 = arith.mulf %get3A_1377, %div3A_1326 : vector<16xf32>
    %swap3A_1379 = arith.constant 2400 : index
    %swap3A_1380 = tpu.vector_load %arg5[%swap3A_1379] {strides = array<i32>} : memref<4096xf32, #tpu.memory_space<vmem>>, vector<16xf32>,
    %swap3A_1381 = vector.shape_cast %swap3A_1380 : vector<16xf32> to vector<16xf32>
    %swap3A_1382 = vector.shape_cast %mul3A_1378 : vector<16xf32> to vector<16xf32>
    tpu.vector_store %arg5[%swap3A_1379], %swap3A_1382 {strides = array<i32>} : memref<4096xf32, #tpu.memory_space<vmem>>, vector<16xf32>,
    %get3A_1383 = arith.constant 2416 : index
    %get3A_1384 = tpu.vector_load %arg5[%get3A_1383] {strides = array<i32>} : memref<4096xf32, #tpu.memory_space<vmem>>, vector<16xf32>,
    %get3A_1385 = vector.shape_cast %get3A_1384 : vector<16xf32> to vector<16xf32>
    %mul3A_1386 = arith.mulf %get3A_1385, %div3A_1326 : vector<16xf32>
    %swap3A_1387 = arith.constant 2416 : index
    %swap3A_1388 = tpu.vector_load %arg5[%swap3A_1387] {strides = array<i32>} : memref<4096xf32, #tpu.memory_space<vmem>>, vector<16xf32>,
    %swap3A_1389 = vector.shape_cast %swap3A_1388 : vector<16xf32> to vector<16xf32>
    %swap3A_1390 = vector.shape_cast %mul3A_1386 : vector<16xf32> to vector<16xf32>
    tpu.vector_store %arg5[%swap3A_1387], %swap3A_1390 {strides = array<i32>} : memref<4096xf32, #tpu.memory_space<vmem>>, vector<16xf32>,
    %get3A_1391 = arith.constant 304 : index
    %get3A_1392 = tpu.vector_load %arg6[%get3A_1391] {strides = array<i32>} : memref<512xf32, #tpu.memory_space<vmem>>, vector<16xf32>,
    %get3A_1393 = vector.shape_cast %get3A_1392 : vector<16xf32> to vector<16xf32>
    %add3A_1394 = arith.constant 1.000000e-16 : f32
    %add3A_1395 = vector.broadcast %add3A_1394 : f32 to vector<16xf32>
    %add3A_1396 = arith.addf %get3A_1393, %add3A_1395 : vector<16xf32>
    %div3A_1397 = arith.constant 1.000000e+00 : f32
    %div3A_1398 = vector.broadcast %div3A_1397 : f32 to vector<16xf32>
    %div3A_1399 = arith.divf %div3A_1398, %add3A_1396 : vector<16xf32>
    %get3A_1400 = arith.constant 2432 : index
    %get3A_1401 = tpu.vector_load %arg5[%get3A_1400] {strides = array<i32>} : memref<4096xf32, #tpu.memory_space<vmem>>, vector<16xf32>,
    %get3A_1402 = vector.shape_cast %get3A_1401 : vector<16xf32> to vector<16xf32>
    %mul3A_1403 = arith.mulf %get3A_1402, %div3A_1399 : vector<16xf32>
    %swap3A_1404 = arith.constant 2432 : index
    %swap3A_1405 = tpu.vector_load %arg5[%swap3A_1404] {strides = array<i32>} : memref<4096xf32, #tpu.memory_space<vmem>>, vector<16xf32>,
    %swap3A_1406 = vector.shape_cast %swap3A_1405 : vector<16xf32> to vector<16xf32>
    %swap3A_1407 = vector.shape_cast %mul3A_1403 : vector<16xf32> to vector<16xf32>
    tpu.vector_store %arg5[%swap3A_1404], %swap3A_1407 {strides = array<i32>} : memref<4096xf32, #tpu.memory_space<vmem>>, vector<16xf32>,
    %get3A_1408 = arith.constant 2448 : index
    %get3A_1409 = tpu.vector_load %arg5[%get3A_1408] {strides = array<i32>} : memref<4096xf32, #tpu.memory_space<vmem>>, vector<16xf32>,
    %get3A_1410 = vector.shape_cast %get3A_1409 : vector<16xf32> to vector<16xf32>
    %mul3A_1411 = arith.mulf %get3A_1410, %div3A_1399 : vector<16xf32>
    %swap3A_1412 = arith.constant 2448 : index
    %swap3A_1413 = tpu.vector_load %arg5[%swap3A_1412] {strides = array<i32>} : memref<4096xf32, #tpu.memory_space<vmem>>, vector<16xf32>,
    %swap3A_1414 = vector.shape_cast %swap3A_1413 : vector<16xf32> to vector<16xf32>
    %swap3A_1415 = vector.shape_cast %mul3A_1411 : vector<16xf32> to vector<16xf32>
    tpu.vector_store %arg5[%swap3A_1412], %swap3A_1415 {strides = array<i32>} : memref<4096xf32, #tpu.memory_space<vmem>>, vector<16xf32>,
    %get3A_1416 = arith.constant 2464 : index
    %get3A_1417 = tpu.vector_load %arg5[%get3A_1416] {strides = array<i32>} : memref<4096xf32, #tpu.memory_space<vmem>>, vector<16xf32>,
    %get3A_1418 = vector.shape_cast %get3A_1417 : vector<16xf32> to vector<16xf32>
    %mul3A_1419 = arith.mulf %get3A_1418, %div3A_1399 : vector<16xf32>
    %swap3A_1420 = arith.constant 2464 : index
    %swap3A_1421 = tpu.vector_load %arg5[%swap3A_1420] {strides = array<i32>} : memref<4096xf32, #tpu.memory_space<vmem>>, vector<16xf32>,
    %swap3A_1422 = vector.shape_cast %swap3A_1421 : vector<16xf32> to vector<16xf32>
    %swap3A_1423 = vector.shape_cast %mul3A_1419 : vector<16xf32> to vector<16xf32>
    tpu.vector_store %arg5[%swap3A_1420], %swap3A_1423 {strides = array<i32>} : memref<4096xf32, #tpu.memory_space<vmem>>, vector<16xf32>,
    %get3A_1424 = arith.constant 2480 : index
    %get3A_1425 = tpu.vector_load %arg5[%get3A_1424] {strides = array<i32>} : memref<4096xf32, #tpu.memory_space<vmem>>, vector<16xf32>,
    %get3A_1426 = vector.shape_cast %get3A_1425 : vector<16xf32> to vector<16xf32>
    %mul3A_1427 = arith.mulf %get3A_1426, %div3A_1399 : vector<16xf32>
    %swap3A_1428 = arith.constant 2480 : index
    %swap3A_1429 = tpu.vector_load %arg5[%swap3A_1428] {strides = array<i32>} : memref<4096xf32, #tpu.memory_space<vmem>>, vector<16xf32>,
    %swap3A_1430 = vector.shape_cast %swap3A_1429 : vector<16xf32> to vector<16xf32>
    %swap3A_1431 = vector.shape_cast %mul3A_1427 : vector<16xf32> to vector<16xf32>
    tpu.vector_store %arg5[%swap3A_1428], %swap3A_1431 {strides = array<i32>} : memref<4096xf32, #tpu.memory_space<vmem>>, vector<16xf32>,
    %get3A_1432 = arith.constant 2496 : index
    %get3A_1433 = tpu.vector_load %arg5[%get3A_1432] {strides = array<i32>} : memref<4096xf32, #tpu.memory_space<vmem>>, vector<16xf32>,
    %get3A_1434 = vector.shape_cast %get3A_1433 : vector<16xf32> to vector<16xf32>
    %mul3A_1435 = arith.mulf %get3A_1434, %div3A_1399 : vector<16xf32>
    %swap3A_1436 = arith.constant 2496 : index
    %swap3A_1437 = tpu.vector_load %arg5[%swap3A_1436] {strides = array<i32>} : memref<4096xf32, #tpu.memory_space<vmem>>, vector<16xf32>,
    %swap3A_1438 = vector.shape_cast %swap3A_1437 : vector<16xf32> to vector<16xf32>
    %swap3A_1439 = vector.shape_cast %mul3A_1435 : vector<16xf32> to vector<16xf32>
    tpu.vector_store %arg5[%swap3A_1436], %swap3A_1439 {strides = array<i32>} : memref<4096xf32, #tpu.memory_space<vmem>>, vector<16xf32>,
    %get3A_1440 = arith.constant 2512 : index
    %get3A_1441 = tpu.vector_load %arg5[%get3A_1440] {strides = array<i32>} : memref<4096xf32, #tpu.memory_space<vmem>>, vector<16xf32>,
    %get3A_1442 = vector.shape_cast %get3A_1441 : vector<16xf32> to vector<16xf32>
    %mul3A_1443 = arith.mulf %get3A_1442, %div3A_1399 : vector<16xf32>
    %swap3A_1444 = arith.constant 2512 : index
    %swap3A_1445 = tpu.vector_load %arg5[%swap3A_1444] {strides = array<i32>} : memref<4096xf32, #tpu.memory_space<vmem>>, vector<16xf32>,
    %swap3A_1446 = vector.shape_cast %swap3A_1445 : vector<16xf32> to vector<16xf32>
    %swap3A_1447 = vector.shape_cast %mul3A_1443 : vector<16xf32> to vector<16xf32>
    tpu.vector_store %arg5[%swap3A_1444], %swap3A_1447 {strides = array<i32>} : memref<4096xf32, #tpu.memory_space<vmem>>, vector<16xf32>,
    %get3A_1448 = arith.constant 2528 : index
    %get3A_1449 = tpu.vector_load %arg5[%get3A_1448] {strides = array<i32>} : memref<4096xf32, #tpu.memory_space<vmem>>, vector<16xf32>,
    %get3A_1450 = vector.shape_cast %get3A_1449 : vector<16xf32> to vector<16xf32>
    %mul3A_1451 = arith.mulf %get3A_1450, %div3A_1399 : vector<16xf32>
    %swap3A_1452 = arith.constant 2528 : index
    %swap3A_1453 = tpu.vector_load %arg5[%swap3A_1452] {strides = array<i32>} : memref<4096xf32, #tpu.memory_space<vmem>>, vector<16xf32>,
    %swap3A_1454 = vector.shape_cast %swap3A_1453 : vector<16xf32> to vector<16xf32>
    %swap3A_1455 = vector.shape_cast %mul3A_1451 : vector<16xf32> to vector<16xf32>
    tpu.vector_store %arg5[%swap3A_1452], %swap3A_1455 {strides = array<i32>} : memref<4096xf32, #tpu.memory_space<vmem>>, vector<16xf32>,
    %get3A_1456 = arith.constant 2544 : index
    %get3A_1457 = tpu.vector_load %arg5[%get3A_1456] {strides = array<i32>} : memref<4096xf32, #tpu.memory_space<vmem>>, vector<16xf32>,
    %get3A_1458 = vector.shape_cast %get3A_1457 : vector<16xf32> to vector<16xf32>
    %mul3A_1459 = arith.mulf %get3A_1458, %div3A_1399 : vector<16xf32>
    %swap3A_1460 = arith.constant 2544 : index
    %swap3A_1461 = tpu.vector_load %arg5[%swap3A_1460] {strides = array<i32>} : memref<4096xf32, #tpu.memory_space<vmem>>, vector<16xf32>,
    %swap3A_1462 = vector.shape_cast %swap3A_1461 : vector<16xf32> to vector<16xf32>
    %swap3A_1463 = vector.shape_cast %mul3A_1459 : vector<16xf32> to vector<16xf32>
    tpu.vector_store %arg5[%swap3A_1460], %swap3A_1463 {strides = array<i32>} : memref<4096xf32, #tpu.memory_space<vmem>>, vector<16xf32>,
    %get3A_1464 = arith.constant 320 : index
    %get3A_1465 = tpu.vector_load %arg6[%get3A_1464] {strides = array<i32>} : memref<512xf32, #tpu.memory_space<vmem>>, vector<16xf32>,
    %get3A_1466 = vector.shape_cast %get3A_1465 : vector<16xf32> to vector<16xf32>
    %add3A_1467 = arith.constant 1.000000e-16 : f32
    %add3A_1468 = vector.broadcast %add3A_1467 : f32 to vector<16xf32>
    %add3A_1469 = arith.addf %get3A_1466, %add3A_1468 : vector<16xf32>
    %div3A_1470 = arith.constant 1.000000e+00 : f32
    %div3A_1471 = vector.broadcast %div3A_1470 : f32 to vector<16xf32>
    %div3A_1472 = arith.divf %div3A_1471, %add3A_1469 : vector<16xf32>
    %get3A_1473 = arith.constant 2560 : index
    %get3A_1474 = tpu.vector_load %arg5[%get3A_1473] {strides = array<i32>} : memref<4096xf32, #tpu.memory_space<vmem>>, vector<16xf32>,
    %get3A_1475 = vector.shape_cast %get3A_1474 : vector<16xf32> to vector<16xf32>
    %mul3A_1476 = arith.mulf %get3A_1475, %div3A_1472 : vector<16xf32>
    %swap3A_1477 = arith.constant 2560 : index
    %swap3A_1478 = tpu.vector_load %arg5[%swap3A_1477] {strides = array<i32>} : memref<4096xf32, #tpu.memory_space<vmem>>, vector<16xf32>,
    %swap3A_1479 = vector.shape_cast %swap3A_1478 : vector<16xf32> to vector<16xf32>
    %swap3A_1480 = vector.shape_cast %mul3A_1476 : vector<16xf32> to vector<16xf32>
    tpu.vector_store %arg5[%swap3A_1477], %swap3A_1480 {strides = array<i32>} : memref<4096xf32, #tpu.memory_space<vmem>>, vector<16xf32>,
    %get3A_1481 = arith.constant 2576 : index
    %get3A_1482 = tpu.vector_load %arg5[%get3A_1481] {strides = array<i32>} : memref<4096xf32, #tpu.memory_space<vmem>>, vector<16xf32>,
    %get3A_1483 = vector.shape_cast %get3A_1482 : vector<16xf32> to vector<16xf32>
    %mul3A_1484 = arith.mulf %get3A_1483, %div3A_1472 : vector<16xf32>
    %swap3A_1485 = arith.constant 2576 : index
    %swap3A_1486 = tpu.vector_load %arg5[%swap3A_1485] {strides = array<i32>} : memref<4096xf32, #tpu.memory_space<vmem>>, vector<16xf32>,
    %swap3A_1487 = vector.shape_cast %swap3A_1486 : vector<16xf32> to vector<16xf32>
    %swap3A_1488 = vector.shape_cast %mul3A_1484 : vector<16xf32> to vector<16xf32>
    tpu.vector_store %arg5[%swap3A_1485], %swap3A_1488 {strides = array<i32>} : memref<4096xf32, #tpu.memory_space<vmem>>, vector<16xf32>,
    %get3A_1489 = arith.constant 2592 : index
    %get3A_1490 = tpu.vector_load %arg5[%get3A_1489] {strides = array<i32>} : memref<4096xf32, #tpu.memory_space<vmem>>, vector<16xf32>,
    %get3A_1491 = vector.shape_cast %get3A_1490 : vector<16xf32> to vector<16xf32>
    %mul3A_1492 = arith.mulf %get3A_1491, %div3A_1472 : vector<16xf32>
    %swap3A_1493 = arith.constant 2592 : index
    %swap3A_1494 = tpu.vector_load %arg5[%swap3A_1493] {strides = array<i32>} : memref<4096xf32, #tpu.memory_space<vmem>>, vector<16xf32>,
    %swap3A_1495 = vector.shape_cast %swap3A_1494 : vector<16xf32> to vector<16xf32>
    %swap3A_1496 = vector.shape_cast %mul3A_1492 : vector<16xf32> to vector<16xf32>
    tpu.vector_store %arg5[%swap3A_1493], %swap3A_1496 {strides = array<i32>} : memref<4096xf32, #tpu.memory_space<vmem>>, vector<16xf32>,
    %get3A_1497 = arith.constant 2608 : index
    %get3A_1498 = tpu.vector_load %arg5[%get3A_1497] {strides = array<i32>} : memref<4096xf32, #tpu.memory_space<vmem>>, vector<16xf32>,
    %get3A_1499 = vector.shape_cast %get3A_1498 : vector<16xf32> to vector<16xf32>
    %mul3A_1500 = arith.mulf %get3A_1499, %div3A_1472 : vector<16xf32>
    %swap3A_1501 = arith.constant 2608 : index
    %swap3A_1502 = tpu.vector_load %arg5[%swap3A_1501] {strides = array<i32>} : memref<4096xf32, #tpu.memory_space<vmem>>, vector<16xf32>,
    %swap3A_1503 = vector.shape_cast %swap3A_1502 : vector<16xf32> to vector<16xf32>
    %swap3A_1504 = vector.shape_cast %mul3A_1500 : vector<16xf32> to vector<16xf32>
    tpu.vector_store %arg5[%swap3A_1501], %swap3A_1504 {strides = array<i32>} : memref<4096xf32, #tpu.memory_space<vmem>>, vector<16xf32>,
    %get3A_1505 = arith.constant 2624 : index
    %get3A_1506 = tpu.vector_load %arg5[%get3A_1505] {strides = array<i32>} : memref<4096xf32, #tpu.memory_space<vmem>>, vector<16xf32>,
    %get3A_1507 = vector.shape_cast %get3A_1506 : vector<16xf32> to vector<16xf32>
    %mul3A_1508 = arith.mulf %get3A_1507, %div3A_1472 : vector<16xf32>
    %swap3A_1509 = arith.constant 2624 : index
    %swap3A_1510 = tpu.vector_load %arg5[%swap3A_1509] {strides = array<i32>} : memref<4096xf32, #tpu.memory_space<vmem>>, vector<16xf32>,
    %swap3A_1511 = vector.shape_cast %swap3A_1510 : vector<16xf32> to vector<16xf32>
    %swap3A_1512 = vector.shape_cast %mul3A_1508 : vector<16xf32> to vector<16xf32>
    tpu.vector_store %arg5[%swap3A_1509], %swap3A_1512 {strides = array<i32>} : memref<4096xf32, #tpu.memory_space<vmem>>, vector<16xf32>,
    %get3A_1513 = arith.constant 2640 : index
    %get3A_1514 = tpu.vector_load %arg5[%get3A_1513] {strides = array<i32>} : memref<4096xf32, #tpu.memory_space<vmem>>, vector<16xf32>,
    %get3A_1515 = vector.shape_cast %get3A_1514 : vector<16xf32> to vector<16xf32>
    %mul3A_1516 = arith.mulf %get3A_1515, %div3A_1472 : vector<16xf32>
    %swap3A_1517 = arith.constant 2640 : index
    %swap3A_1518 = tpu.vector_load %arg5[%swap3A_1517] {strides = array<i32>} : memref<4096xf32, #tpu.memory_space<vmem>>, vector<16xf32>,
    %swap3A_1519 = vector.shape_cast %swap3A_1518 : vector<16xf32> to vector<16xf32>
    %swap3A_1520 = vector.shape_cast %mul3A_1516 : vector<16xf32> to vector<16xf32>
    tpu.vector_store %arg5[%swap3A_1517], %swap3A_1520 {strides = array<i32>} : memref<4096xf32, #tpu.memory_space<vmem>>, vector<16xf32>,
    %get3A_1521 = arith.constant 2656 : index
    %get3A_1522 = tpu.vector_load %arg5[%get3A_1521] {strides = array<i32>} : memref<4096xf32, #tpu.memory_space<vmem>>, vector<16xf32>,
    %get3A_1523 = vector.shape_cast %get3A_1522 : vector<16xf32> to vector<16xf32>
    %mul3A_1524 = arith.mulf %get3A_1523, %div3A_1472 : vector<16xf32>
    %swap3A_1525 = arith.constant 2656 : index
    %swap3A_1526 = tpu.vector_load %arg5[%swap3A_1525] {strides = array<i32>} : memref<4096xf32, #tpu.memory_space<vmem>>, vector<16xf32>,
    %swap3A_1527 = vector.shape_cast %swap3A_1526 : vector<16xf32> to vector<16xf32>
    %swap3A_1528 = vector.shape_cast %mul3A_1524 : vector<16xf32> to vector<16xf32>
    tpu.vector_store %arg5[%swap3A_1525], %swap3A_1528 {strides = array<i32>} : memref<4096xf32, #tpu.memory_space<vmem>>, vector<16xf32>,
    %get3A_1529 = arith.constant 2672 : index
    %get3A_1530 = tpu.vector_load %arg5[%get3A_1529] {strides = array<i32>} : memref<4096xf32, #tpu.memory_space<vmem>>, vector<16xf32>,
    %get3A_1531 = vector.shape_cast %get3A_1530 : vector<16xf32> to vector<16xf32>
    %mul3A_1532 = arith.mulf %get3A_1531, %div3A_1472 : vector<16xf32>
    %swap3A_1533 = arith.constant 2672 : index
    %swap3A_1534 = tpu.vector_load %arg5[%swap3A_1533] {strides = array<i32>} : memref<4096xf32, #tpu.memory_space<vmem>>, vector<16xf32>,
    %swap3A_1535 = vector.shape_cast %swap3A_1534 : vector<16xf32> to vector<16xf32>
    %swap3A_1536 = vector.shape_cast %mul3A_1532 : vector<16xf32> to vector<16xf32>
    tpu.vector_store %arg5[%swap3A_1533], %swap3A_1536 {strides = array<i32>} : memref<4096xf32, #tpu.memory_space<vmem>>, vector<16xf32>,
    %get3A_1537 = arith.constant 336 : index
    %get3A_1538 = tpu.vector_load %arg6[%get3A_1537] {strides = array<i32>} : memref<512xf32, #tpu.memory_space<vmem>>, vector<16xf32>,
    %get3A_1539 = vector.shape_cast %get3A_1538 : vector<16xf32> to vector<16xf32>
    %add3A_1540 = arith.constant 1.000000e-16 : f32
    %add3A_1541 = vector.broadcast %add3A_1540 : f32 to vector<16xf32>
    %add3A_1542 = arith.addf %get3A_1539, %add3A_1541 : vector<16xf32>
    %div3A_1543 = arith.constant 1.000000e+00 : f32
    %div3A_1544 = vector.broadcast %div3A_1543 : f32 to vector<16xf32>
    %div3A_1545 = arith.divf %div3A_1544, %add3A_1542 : vector<16xf32>
    %get3A_1546 = arith.constant 2688 : index
    %get3A_1547 = tpu.vector_load %arg5[%get3A_1546] {strides = array<i32>} : memref<4096xf32, #tpu.memory_space<vmem>>, vector<16xf32>,
    %get3A_1548 = vector.shape_cast %get3A_1547 : vector<16xf32> to vector<16xf32>
    %mul3A_1549 = arith.mulf %get3A_1548, %div3A_1545 : vector<16xf32>
    %swap3A_1550 = arith.constant 2688 : index
    %swap3A_1551 = tpu.vector_load %arg5[%swap3A_1550] {strides = array<i32>} : memref<4096xf32, #tpu.memory_space<vmem>>, vector<16xf32>,
    %swap3A_1552 = vector.shape_cast %swap3A_1551 : vector<16xf32> to vector<16xf32>
    %swap3A_1553 = vector.shape_cast %mul3A_1549 : vector<16xf32> to vector<16xf32>
    tpu.vector_store %arg5[%swap3A_1550], %swap3A_1553 {strides = array<i32>} : memref<4096xf32, #tpu.memory_space<vmem>>, vector<16xf32>,
    %get3A_1554 = arith.constant 2704 : index
    %get3A_1555 = tpu.vector_load %arg5[%get3A_1554] {strides = array<i32>} : memref<4096xf32, #tpu.memory_space<vmem>>, vector<16xf32>,
    %get3A_1556 = vector.shape_cast %get3A_1555 : vector<16xf32> to vector<16xf32>
    %mul3A_1557 = arith.mulf %get3A_1556, %div3A_1545 : vector<16xf32>
    %swap3A_1558 = arith.constant 2704 : index
    %swap3A_1559 = tpu.vector_load %arg5[%swap3A_1558] {strides = array<i32>} : memref<4096xf32, #tpu.memory_space<vmem>>, vector<16xf32>,
    %swap3A_1560 = vector.shape_cast %swap3A_1559 : vector<16xf32> to vector<16xf32>
    %swap3A_1561 = vector.shape_cast %mul3A_1557 : vector<16xf32> to vector<16xf32>
    tpu.vector_store %arg5[%swap3A_1558], %swap3A_1561 {strides = array<i32>} : memref<4096xf32, #tpu.memory_space<vmem>>, vector<16xf32>,
    %get3A_1562 = arith.constant 2720 : index
    %get3A_1563 = tpu.vector_load %arg5[%get3A_1562] {strides = array<i32>} : memref<4096xf32, #tpu.memory_space<vmem>>, vector<16xf32>,
    %get3A_1564 = vector.shape_cast %get3A_1563 : vector<16xf32> to vector<16xf32>
    %mul3A_1565 = arith.mulf %get3A_1564, %div3A_1545 : vector<16xf32>
    %swap3A_1566 = arith.constant 2720 : index
    %swap3A_1567 = tpu.vector_load %arg5[%swap3A_1566] {strides = array<i32>} : memref<4096xf32, #tpu.memory_space<vmem>>, vector<16xf32>,
    %swap3A_1568 = vector.shape_cast %swap3A_1567 : vector<16xf32> to vector<16xf32>
    %swap3A_1569 = vector.shape_cast %mul3A_1565 : vector<16xf32> to vector<16xf32>
    tpu.vector_store %arg5[%swap3A_1566], %swap3A_1569 {strides = array<i32>} : memref<4096xf32, #tpu.memory_space<vmem>>, vector<16xf32>,
    %get3A_1570 = arith.constant 2736 : index
    %get3A_1571 = tpu.vector_load %arg5[%get3A_1570] {strides = array<i32>} : memref<4096xf32, #tpu.memory_space<vmem>>, vector<16xf32>,
    %get3A_1572 = vector.shape_cast %get3A_1571 : vector<16xf32> to vector<16xf32>
    %mul3A_1573 = arith.mulf %get3A_1572, %div3A_1545 : vector<16xf32>
    %swap3A_1574 = arith.constant 2736 : index
    %swap3A_1575 = tpu.vector_load %arg5[%swap3A_1574] {strides = array<i32>} : memref<4096xf32, #tpu.memory_space<vmem>>, vector<16xf32>,
    %swap3A_1576 = vector.shape_cast %swap3A_1575 : vector<16xf32> to vector<16xf32>
    %swap3A_1577 = vector.shape_cast %mul3A_1573 : vector<16xf32> to vector<16xf32>
    tpu.vector_store %arg5[%swap3A_1574], %swap3A_1577 {strides = array<i32>} : memref<4096xf32, #tpu.memory_space<vmem>>, vector<16xf32>,
    %get3A_1578 = arith.constant 2752 : index
    %get3A_1579 = tpu.vector_load %arg5[%get3A_1578] {strides = array<i32>} : memref<4096xf32, #tpu.memory_space<vmem>>, vector<16xf32>,
    %get3A_1580 = vector.shape_cast %get3A_1579 : vector<16xf32> to vector<16xf32>
    %mul3A_1581 = arith.mulf %get3A_1580, %div3A_1545 : vector<16xf32>
    %swap3A_1582 = arith.constant 2752 : index
    %swap3A_1583 = tpu.vector_load %arg5[%swap3A_1582] {strides = array<i32>} : memref<4096xf32, #tpu.memory_space<vmem>>, vector<16xf32>,
    %swap3A_1584 = vector.shape_cast %swap3A_1583 : vector<16xf32> to vector<16xf32>
    %swap3A_1585 = vector.shape_cast %mul3A_1581 : vector<16xf32> to vector<16xf32>
    tpu.vector_store %arg5[%swap3A_1582], %swap3A_1585 {strides = array<i32>} : memref<4096xf32, #tpu.memory_space<vmem>>, vector<16xf32>,
    %get3A_1586 = arith.constant 2768 : index
    %get3A_1587 = tpu.vector_load %arg5[%get3A_1586] {strides = array<i32>} : memref<4096xf32, #tpu.memory_space<vmem>>, vector<16xf32>,
    %get3A_1588 = vector.shape_cast %get3A_1587 : vector<16xf32> to vector<16xf32>
    %mul3A_1589 = arith.mulf %get3A_1588, %div3A_1545 : vector<16xf32>
    %swap3A_1590 = arith.constant 2768 : index
    %swap3A_1591 = tpu.vector_load %arg5[%swap3A_1590] {strides = array<i32>} : memref<4096xf32, #tpu.memory_space<vmem>>, vector<16xf32>,
    %swap3A_1592 = vector.shape_cast %swap3A_1591 : vector<16xf32> to vector<16xf32>
    %swap3A_1593 = vector.shape_cast %mul3A_1589 : vector<16xf32> to vector<16xf32>
    tpu.vector_store %arg5[%swap3A_1590], %swap3A_1593 {strides = array<i32>} : memref<4096xf32, #tpu.memory_space<vmem>>, vector<16xf32>,
    %get3A_1594 = arith.constant 2784 : index
    %get3A_1595 = tpu.vector_load %arg5[%get3A_1594] {strides = array<i32>} : memref<4096xf32, #tpu.memory_space<vmem>>, vector<16xf32>,
    %get3A_1596 = vector.shape_cast %get3A_1595 : vector<16xf32> to vector<16xf32>
    %mul3A_1597 = arith.mulf %get3A_1596, %div3A_1545 : vector<16xf32>
    %swap3A_1598 = arith.constant 2784 : index
    %swap3A_1599 = tpu.vector_load %arg5[%swap3A_1598] {strides = array<i32>} : memref<4096xf32, #tpu.memory_space<vmem>>, vector<16xf32>,
    %swap3A_1600 = vector.shape_cast %swap3A_1599 : vector<16xf32> to vector<16xf32>
    %swap3A_1601 = vector.shape_cast %mul3A_1597 : vector<16xf32> to vector<16xf32>
    tpu.vector_store %arg5[%swap3A_1598], %swap3A_1601 {strides = array<i32>} : memref<4096xf32, #tpu.memory_space<vmem>>, vector<16xf32>,
    %get3A_1602 = arith.constant 2800 : index
    %get3A_1603 = tpu.vector_load %arg5[%get3A_1602] {strides = array<i32>} : memref<4096xf32, #tpu.memory_space<vmem>>, vector<16xf32>,
    %get3A_1604 = vector.shape_cast %get3A_1603 : vector<16xf32> to vector<16xf32>
    %mul3A_1605 = arith.mulf %get3A_1604, %div3A_1545 : vector<16xf32>
    %swap3A_1606 = arith.constant 2800 : index
    %swap3A_1607 = tpu.vector_load %arg5[%swap3A_1606] {strides = array<i32>} : memref<4096xf32, #tpu.memory_space<vmem>>, vector<16xf32>,
    %swap3A_1608 = vector.shape_cast %swap3A_1607 : vector<16xf32> to vector<16xf32>
    %swap3A_1609 = vector.shape_cast %mul3A_1605 : vector<16xf32> to vector<16xf32>
    tpu.vector_store %arg5[%swap3A_1606], %swap3A_1609 {strides = array<i32>} : memref<4096xf32, #tpu.memory_space<vmem>>, vector<16xf32>,
    %get3A_1610 = arith.constant 352 : index
    %get3A_1611 = tpu.vector_load %arg6[%get3A_1610] {strides = array<i32>} : memref<512xf32, #tpu.memory_space<vmem>>, vector<16xf32>,
    %get3A_1612 = vector.shape_cast %get3A_1611 : vector<16xf32> to vector<16xf32>
    %add3A_1613 = arith.constant 1.000000e-16 : f32
    %add3A_1614 = vector.broadcast %add3A_1613 : f32 to vector<16xf32>
    %add3A_1615 = arith.addf %get3A_1612, %add3A_1614 : vector<16xf32>
    %div3A_1616 = arith.constant 1.000000e+00 : f32
    %div3A_1617 = vector.broadcast %div3A_1616 : f32 to vector<16xf32>
    %div3A_1618 = arith.divf %div3A_1617, %add3A_1615 : vector<16xf32>
    %get3A_1619 = arith.constant 2816 : index
    %get3A_1620 = tpu.vector_load %arg5[%get3A_1619] {strides = array<i32>} : memref<4096xf32, #tpu.memory_space<vmem>>, vector<16xf32>,
    %get3A_1621 = vector.shape_cast %get3A_1620 : vector<16xf32> to vector<16xf32>
    %mul3A_1622 = arith.mulf %get3A_1621, %div3A_1618 : vector<16xf32>
    %swap3A_1623 = arith.constant 2816 : index
    %swap3A_1624 = tpu.vector_load %arg5[%swap3A_1623] {strides = array<i32>} : memref<4096xf32, #tpu.memory_space<vmem>>, vector<16xf32>,
    %swap3A_1625 = vector.shape_cast %swap3A_1624 : vector<16xf32> to vector<16xf32>
    %swap3A_1626 = vector.shape_cast %mul3A_1622 : vector<16xf32> to vector<16xf32>
    tpu.vector_store %arg5[%swap3A_1623], %swap3A_1626 {strides = array<i32>} : memref<4096xf32, #tpu.memory_space<vmem>>, vector<16xf32>,
    %get3A_1627 = arith.constant 2832 : index
    %get3A_1628 = tpu.vector_load %arg5[%get3A_1627] {strides = array<i32>} : memref<4096xf32, #tpu.memory_space<vmem>>, vector<16xf32>,
    %get3A_1629 = vector.shape_cast %get3A_1628 : vector<16xf32> to vector<16xf32>
    %mul3A_1630 = arith.mulf %get3A_1629, %div3A_1618 : vector<16xf32>
    %swap3A_1631 = arith.constant 2832 : index
    %swap3A_1632 = tpu.vector_load %arg5[%swap3A_1631] {strides = array<i32>} : memref<4096xf32, #tpu.memory_space<vmem>>, vector<16xf32>,
    %swap3A_1633 = vector.shape_cast %swap3A_1632 : vector<16xf32> to vector<16xf32>
    %swap3A_1634 = vector.shape_cast %mul3A_1630 : vector<16xf32> to vector<16xf32>
    tpu.vector_store %arg5[%swap3A_1631], %swap3A_1634 {strides = array<i32>} : memref<4096xf32, #tpu.memory_space<vmem>>, vector<16xf32>,
    %get3A_1635 = arith.constant 2848 : index
    %get3A_1636 = tpu.vector_load %arg5[%get3A_1635] {strides = array<i32>} : memref<4096xf32, #tpu.memory_space<vmem>>, vector<16xf32>,
    %get3A_1637 = vector.shape_cast %get3A_1636 : vector<16xf32> to vector<16xf32>
    %mul3A_1638 = arith.mulf %get3A_1637, %div3A_1618 : vector<16xf32>
    %swap3A_1639 = arith.constant 2848 : index
    %swap3A_1640 = tpu.vector_load %arg5[%swap3A_1639] {strides = array<i32>} : memref<4096xf32, #tpu.memory_space<vmem>>, vector<16xf32>,
    %swap3A_1641 = vector.shape_cast %swap3A_1640 : vector<16xf32> to vector<16xf32>
    %swap3A_1642 = vector.shape_cast %mul3A_1638 : vector<16xf32> to vector<16xf32>
    tpu.vector_store %arg5[%swap3A_1639], %swap3A_1642 {strides = array<i32>} : memref<4096xf32, #tpu.memory_space<vmem>>, vector<16xf32>,
    %get3A_1643 = arith.constant 2864 : index
    %get3A_1644 = tpu.vector_load %arg5[%get3A_1643] {strides = array<i32>} : memref<4096xf32, #tpu.memory_space<vmem>>, vector<16xf32>,
    %get3A_1645 = vector.shape_cast %get3A_1644 : vector<16xf32> to vector<16xf32>
    %mul3A_1646 = arith.mulf %get3A_1645, %div3A_1618 : vector<16xf32>
    %swap3A_1647 = arith.constant 2864 : index
    %swap3A_1648 = tpu.vector_load %arg5[%swap3A_1647] {strides = array<i32>} : memref<4096xf32, #tpu.memory_space<vmem>>, vector<16xf32>,
    %swap3A_1649 = vector.shape_cast %swap3A_1648 : vector<16xf32> to vector<16xf32>
    %swap3A_1650 = vector.shape_cast %mul3A_1646 : vector<16xf32> to vector<16xf32>
    tpu.vector_store %arg5[%swap3A_1647], %swap3A_1650 {strides = array<i32>} : memref<4096xf32, #tpu.memory_space<vmem>>, vector<16xf32>,
    %get3A_1651 = arith.constant 2880 : index
    %get3A_1652 = tpu.vector_load %arg5[%get3A_1651] {strides = array<i32>} : memref<4096xf32, #tpu.memory_space<vmem>>, vector<16xf32>,
    %get3A_1653 = vector.shape_cast %get3A_1652 : vector<16xf32> to vector<16xf32>
    %mul3A_1654 = arith.mulf %get3A_1653, %div3A_1618 : vector<16xf32>
    %swap3A_1655 = arith.constant 2880 : index
    %swap3A_1656 = tpu.vector_load %arg5[%swap3A_1655] {strides = array<i32>} : memref<4096xf32, #tpu.memory_space<vmem>>, vector<16xf32>,
    %swap3A_1657 = vector.shape_cast %swap3A_1656 : vector<16xf32> to vector<16xf32>
    %swap3A_1658 = vector.shape_cast %mul3A_1654 : vector<16xf32> to vector<16xf32>
    tpu.vector_store %arg5[%swap3A_1655], %swap3A_1658 {strides = array<i32>} : memref<4096xf32, #tpu.memory_space<vmem>>, vector<16xf32>,
    %get3A_1659 = arith.constant 2896 : index
    %get3A_1660 = tpu.vector_load %arg5[%get3A_1659] {strides = array<i32>} : memref<4096xf32, #tpu.memory_space<vmem>>, vector<16xf32>,
    %get3A_1661 = vector.shape_cast %get3A_1660 : vector<16xf32> to vector<16xf32>
    %mul3A_1662 = arith.mulf %get3A_1661, %div3A_1618 : vector<16xf32>
    %swap3A_1663 = arith.constant 2896 : index
    %swap3A_1664 = tpu.vector_load %arg5[%swap3A_1663] {strides = array<i32>} : memref<4096xf32, #tpu.memory_space<vmem>>, vector<16xf32>,
    %swap3A_1665 = vector.shape_cast %swap3A_1664 : vector<16xf32> to vector<16xf32>
    %swap3A_1666 = vector.shape_cast %mul3A_1662 : vector<16xf32> to vector<16xf32>
    tpu.vector_store %arg5[%swap3A_1663], %swap3A_1666 {strides = array<i32>} : memref<4096xf32, #tpu.memory_space<vmem>>, vector<16xf32>,
    %get3A_1667 = arith.constant 2912 : index
    %get3A_1668 = tpu.vector_load %arg5[%get3A_1667] {strides = array<i32>} : memref<4096xf32, #tpu.memory_space<vmem>>, vector<16xf32>,
    %get3A_1669 = vector.shape_cast %get3A_1668 : vector<16xf32> to vector<16xf32>
    %mul3A_1670 = arith.mulf %get3A_1669, %div3A_1618 : vector<16xf32>
    %swap3A_1671 = arith.constant 2912 : index
    %swap3A_1672 = tpu.vector_load %arg5[%swap3A_1671] {strides = array<i32>} : memref<4096xf32, #tpu.memory_space<vmem>>, vector<16xf32>,
    %swap3A_1673 = vector.shape_cast %swap3A_1672 : vector<16xf32> to vector<16xf32>
    %swap3A_1674 = vector.shape_cast %mul3A_1670 : vector<16xf32> to vector<16xf32>
    tpu.vector_store %arg5[%swap3A_1671], %swap3A_1674 {strides = array<i32>} : memref<4096xf32, #tpu.memory_space<vmem>>, vector<16xf32>,
    %get3A_1675 = arith.constant 2928 : index
    %get3A_1676 = tpu.vector_load %arg5[%get3A_1675] {strides = array<i32>} : memref<4096xf32, #tpu.memory_space<vmem>>, vector<16xf32>,
    %get3A_1677 = vector.shape_cast %get3A_1676 : vector<16xf32> to vector<16xf32>
    %mul3A_1678 = arith.mulf %get3A_1677, %div3A_1618 : vector<16xf32>
    %swap3A_1679 = arith.constant 2928 : index
    %swap3A_1680 = tpu.vector_load %arg5[%swap3A_1679] {strides = array<i32>} : memref<4096xf32, #tpu.memory_space<vmem>>, vector<16xf32>,
    %swap3A_1681 = vector.shape_cast %swap3A_1680 : vector<16xf32> to vector<16xf32>
    %swap3A_1682 = vector.shape_cast %mul3A_1678 : vector<16xf32> to vector<16xf32>
    tpu.vector_store %arg5[%swap3A_1679], %swap3A_1682 {strides = array<i32>} : memref<4096xf32, #tpu.memory_space<vmem>>, vector<16xf32>,
    %get3A_1683 = arith.constant 368 : index
    %get3A_1684 = tpu.vector_load %arg6[%get3A_1683] {strides = array<i32>} : memref<512xf32, #tpu.memory_space<vmem>>, vector<16xf32>,
    %get3A_1685 = vector.shape_cast %get3A_1684 : vector<16xf32> to vector<16xf32>
    %add3A_1686 = arith.constant 1.000000e-16 : f32
    %add3A_1687 = vector.broadcast %add3A_1686 : f32 to vector<16xf32>
    %add3A_1688 = arith.addf %get3A_1685, %add3A_1687 : vector<16xf32>
    %div3A_1689 = arith.constant 1.000000e+00 : f32
    %div3A_1690 = vector.broadcast %div3A_1689 : f32 to vector<16xf32>
    %div3A_1691 = arith.divf %div3A_1690, %add3A_1688 : vector<16xf32>
    %get3A_1692 = arith.constant 2944 : index
    %get3A_1693 = tpu.vector_load %arg5[%get3A_1692] {strides = array<i32>} : memref<4096xf32, #tpu.memory_space<vmem>>, vector<16xf32>,
    %get3A_1694 = vector.shape_cast %get3A_1693 : vector<16xf32> to vector<16xf32>
    %mul3A_1695 = arith.mulf %get3A_1694, %div3A_1691 : vector<16xf32>
    %swap3A_1696 = arith.constant 2944 : index
    %swap3A_1697 = tpu.vector_load %arg5[%swap3A_1696] {strides = array<i32>} : memref<4096xf32, #tpu.memory_space<vmem>>, vector<16xf32>,
    %swap3A_1698 = vector.shape_cast %swap3A_1697 : vector<16xf32> to vector<16xf32>
    %swap3A_1699 = vector.shape_cast %mul3A_1695 : vector<16xf32> to vector<16xf32>
    tpu.vector_store %arg5[%swap3A_1696], %swap3A_1699 {strides = array<i32>} : memref<4096xf32, #tpu.memory_space<vmem>>, vector<16xf32>,
    %get3A_1700 = arith.constant 2960 : index
    %get3A_1701 = tpu.vector_load %arg5[%get3A_1700] {strides = array<i32>} : memref<4096xf32, #tpu.memory_space<vmem>>, vector<16xf32>,
    %get3A_1702 = vector.shape_cast %get3A_1701 : vector<16xf32> to vector<16xf32>
    %mul3A_1703 = arith.mulf %get3A_1702, %div3A_1691 : vector<16xf32>
    %swap3A_1704 = arith.constant 2960 : index
    %swap3A_1705 = tpu.vector_load %arg5[%swap3A_1704] {strides = array<i32>} : memref<4096xf32, #tpu.memory_space<vmem>>, vector<16xf32>,
    %swap3A_1706 = vector.shape_cast %swap3A_1705 : vector<16xf32> to vector<16xf32>
    %swap3A_1707 = vector.shape_cast %mul3A_1703 : vector<16xf32> to vector<16xf32>
    tpu.vector_store %arg5[%swap3A_1704], %swap3A_1707 {strides = array<i32>} : memref<4096xf32, #tpu.memory_space<vmem>>, vector<16xf32>,
    %get3A_1708 = arith.constant 2976 : index
    %get3A_1709 = tpu.vector_load %arg5[%get3A_1708] {strides = array<i32>} : memref<4096xf32, #tpu.memory_space<vmem>>, vector<16xf32>,
    %get3A_1710 = vector.shape_cast %get3A_1709 : vector<16xf32> to vector<16xf32>
    %mul3A_1711 = arith.mulf %get3A_1710, %div3A_1691 : vector<16xf32>
    %swap3A_1712 = arith.constant 2976 : index
    %swap3A_1713 = tpu.vector_load %arg5[%swap3A_1712] {strides = array<i32>} : memref<4096xf32, #tpu.memory_space<vmem>>, vector<16xf32>,
    %swap3A_1714 = vector.shape_cast %swap3A_1713 : vector<16xf32> to vector<16xf32>
    %swap3A_1715 = vector.shape_cast %mul3A_1711 : vector<16xf32> to vector<16xf32>
    tpu.vector_store %arg5[%swap3A_1712], %swap3A_1715 {strides = array<i32>} : memref<4096xf32, #tpu.memory_space<vmem>>, vector<16xf32>,
    %get3A_1716 = arith.constant 2992 : index
    %get3A_1717 = tpu.vector_load %arg5[%get3A_1716] {strides = array<i32>} : memref<4096xf32, #tpu.memory_space<vmem>>, vector<16xf32>,
    %get3A_1718 = vector.shape_cast %get3A_1717 : vector<16xf32> to vector<16xf32>
    %mul3A_1719 = arith.mulf %get3A_1718, %div3A_1691 : vector<16xf32>
    %swap3A_1720 = arith.constant 2992 : index
    %swap3A_1721 = tpu.vector_load %arg5[%swap3A_1720] {strides = array<i32>} : memref<4096xf32, #tpu.memory_space<vmem>>, vector<16xf32>,
    %swap3A_1722 = vector.shape_cast %swap3A_1721 : vector<16xf32> to vector<16xf32>
    %swap3A_1723 = vector.shape_cast %mul3A_1719 : vector<16xf32> to vector<16xf32>
    tpu.vector_store %arg5[%swap3A_1720], %swap3A_1723 {strides = array<i32>} : memref<4096xf32, #tpu.memory_space<vmem>>, vector<16xf32>,
    %get3A_1724 = arith.constant 3008 : index
    %get3A_1725 = tpu.vector_load %arg5[%get3A_1724] {strides = array<i32>} : memref<4096xf32, #tpu.memory_space<vmem>>, vector<16xf32>,
    %get3A_1726 = vector.shape_cast %get3A_1725 : vector<16xf32> to vector<16xf32>
    %mul3A_1727 = arith.mulf %get3A_1726, %div3A_1691 : vector<16xf32>
    %swap3A_1728 = arith.constant 3008 : index
    %swap3A_1729 = tpu.vector_load %arg5[%swap3A_1728] {strides = array<i32>} : memref<4096xf32, #tpu.memory_space<vmem>>, vector<16xf32>,
    %swap3A_1730 = vector.shape_cast %swap3A_1729 : vector<16xf32> to vector<16xf32>
    %swap3A_1731 = vector.shape_cast %mul3A_1727 : vector<16xf32> to vector<16xf32>
    tpu.vector_store %arg5[%swap3A_1728], %swap3A_1731 {strides = array<i32>} : memref<4096xf32, #tpu.memory_space<vmem>>, vector<16xf32>,
    %get3A_1732 = arith.constant 3024 : index
    %get3A_1733 = tpu.vector_load %arg5[%get3A_1732] {strides = array<i32>} : memref<4096xf32, #tpu.memory_space<vmem>>, vector<16xf32>,
    %get3A_1734 = vector.shape_cast %get3A_1733 : vector<16xf32> to vector<16xf32>
    %mul3A_1735 = arith.mulf %get3A_1734, %div3A_1691 : vector<16xf32>
    %swap3A_1736 = arith.constant 3024 : index
    %swap3A_1737 = tpu.vector_load %arg5[%swap3A_1736] {strides = array<i32>} : memref<4096xf32, #tpu.memory_space<vmem>>, vector<16xf32>,
    %swap3A_1738 = vector.shape_cast %swap3A_1737 : vector<16xf32> to vector<16xf32>
    %swap3A_1739 = vector.shape_cast %mul3A_1735 : vector<16xf32> to vector<16xf32>
    tpu.vector_store %arg5[%swap3A_1736], %swap3A_1739 {strides = array<i32>} : memref<4096xf32, #tpu.memory_space<vmem>>, vector<16xf32>,
    %get3A_1740 = arith.constant 3040 : index
    %get3A_1741 = tpu.vector_load %arg5[%get3A_1740] {strides = array<i32>} : memref<4096xf32, #tpu.memory_space<vmem>>, vector<16xf32>,
    %get3A_1742 = vector.shape_cast %get3A_1741 : vector<16xf32> to vector<16xf32>
    %mul3A_1743 = arith.mulf %get3A_1742, %div3A_1691 : vector<16xf32>
    %swap3A_1744 = arith.constant 3040 : index
    %swap3A_1745 = tpu.vector_load %arg5[%swap3A_1744] {strides = array<i32>} : memref<4096xf32, #tpu.memory_space<vmem>>, vector<16xf32>,
    %swap3A_1746 = vector.shape_cast %swap3A_1745 : vector<16xf32> to vector<16xf32>
    %swap3A_1747 = vector.shape_cast %mul3A_1743 : vector<16xf32> to vector<16xf32>
    tpu.vector_store %arg5[%swap3A_1744], %swap3A_1747 {strides = array<i32>} : memref<4096xf32, #tpu.memory_space<vmem>>, vector<16xf32>,
    %get3A_1748 = arith.constant 3056 : index
    %get3A_1749 = tpu.vector_load %arg5[%get3A_1748] {strides = array<i32>} : memref<4096xf32, #tpu.memory_space<vmem>>, vector<16xf32>,
    %get3A_1750 = vector.shape_cast %get3A_1749 : vector<16xf32> to vector<16xf32>
    %mul3A_1751 = arith.mulf %get3A_1750, %div3A_1691 : vector<16xf32>
    %swap3A_1752 = arith.constant 3056 : index
    %swap3A_1753 = tpu.vector_load %arg5[%swap3A_1752] {strides = array<i32>} : memref<4096xf32, #tpu.memory_space<vmem>>, vector<16xf32>,
    %swap3A_1754 = vector.shape_cast %swap3A_1753 : vector<16xf32> to vector<16xf32>
    %swap3A_1755 = vector.shape_cast %mul3A_1751 : vector<16xf32> to vector<16xf32>
    tpu.vector_store %arg5[%swap3A_1752], %swap3A_1755 {strides = array<i32>} : memref<4096xf32, #tpu.memory_space<vmem>>, vector<16xf32>,
    %get3A_1756 = arith.constant 384 : index
    %get3A_1757 = tpu.vector_load %arg6[%get3A_1756] {strides = array<i32>} : memref<512xf32, #tpu.memory_space<vmem>>, vector<16xf32>,
    %get3A_1758 = vector.shape_cast %get3A_1757 : vector<16xf32> to vector<16xf32>
    %add3A_1759 = arith.constant 1.000000e-16 : f32
    %add3A_1760 = vector.broadcast %add3A_1759 : f32 to vector<16xf32>
    %add3A_1761 = arith.addf %get3A_1758, %add3A_1760 : vector<16xf32>
    %div3A_1762 = arith.constant 1.000000e+00 : f32
    %div3A_1763 = vector.broadcast %div3A_1762 : f32 to vector<16xf32>
    %div3A_1764 = arith.divf %div3A_1763, %add3A_1761 : vector<16xf32>
    %get3A_1765 = arith.constant 3072 : index
    %get3A_1766 = tpu.vector_load %arg5[%get3A_1765] {strides = array<i32>} : memref<4096xf32, #tpu.memory_space<vmem>>, vector<16xf32>,
    %get3A_1767 = vector.shape_cast %get3A_1766 : vector<16xf32> to vector<16xf32>
    %mul3A_1768 = arith.mulf %get3A_1767, %div3A_1764 : vector<16xf32>
    %swap3A_1769 = arith.constant 3072 : index
    %swap3A_1770 = tpu.vector_load %arg5[%swap3A_1769] {strides = array<i32>} : memref<4096xf32, #tpu.memory_space<vmem>>, vector<16xf32>,
    %swap3A_1771 = vector.shape_cast %swap3A_1770 : vector<16xf32> to vector<16xf32>
    %swap3A_1772 = vector.shape_cast %mul3A_1768 : vector<16xf32> to vector<16xf32>
    tpu.vector_store %arg5[%swap3A_1769], %swap3A_1772 {strides = array<i32>} : memref<4096xf32, #tpu.memory_space<vmem>>, vector<16xf32>,
    %get3A_1773 = arith.constant 3088 : index
    %get3A_1774 = tpu.vector_load %arg5[%get3A_1773] {strides = array<i32>} : memref<4096xf32, #tpu.memory_space<vmem>>, vector<16xf32>,
    %get3A_1775 = vector.shape_cast %get3A_1774 : vector<16xf32> to vector<16xf32>
    %mul3A_1776 = arith.mulf %get3A_1775, %div3A_1764 : vector<16xf32>
    %swap3A_1777 = arith.constant 3088 : index
    %swap3A_1778 = tpu.vector_load %arg5[%swap3A_1777] {strides = array<i32>} : memref<4096xf32, #tpu.memory_space<vmem>>, vector<16xf32>,
    %swap3A_1779 = vector.shape_cast %swap3A_1778 : vector<16xf32> to vector<16xf32>
    %swap3A_1780 = vector.shape_cast %mul3A_1776 : vector<16xf32> to vector<16xf32>
    tpu.vector_store %arg5[%swap3A_1777], %swap3A_1780 {strides = array<i32>} : memref<4096xf32, #tpu.memory_space<vmem>>, vector<16xf32>,
    %get3A_1781 = arith.constant 3104 : index
    %get3A_1782 = tpu.vector_load %arg5[%get3A_1781] {strides = array<i32>} : memref<4096xf32, #tpu.memory_space<vmem>>, vector<16xf32>,
    %get3A_1783 = vector.shape_cast %get3A_1782 : vector<16xf32> to vector<16xf32>
    %mul3A_1784 = arith.mulf %get3A_1783, %div3A_1764 : vector<16xf32>
    %swap3A_1785 = arith.constant 3104 : index
    %swap3A_1786 = tpu.vector_load %arg5[%swap3A_1785] {strides = array<i32>} : memref<4096xf32, #tpu.memory_space<vmem>>, vector<16xf32>,
    %swap3A_1787 = vector.shape_cast %swap3A_1786 : vector<16xf32> to vector<16xf32>
    %swap3A_1788 = vector.shape_cast %mul3A_1784 : vector<16xf32> to vector<16xf32>
    tpu.vector_store %arg5[%swap3A_1785], %swap3A_1788 {strides = array<i32>} : memref<4096xf32, #tpu.memory_space<vmem>>, vector<16xf32>,
    %get3A_1789 = arith.constant 3120 : index
    %get3A_1790 = tpu.vector_load %arg5[%get3A_1789] {strides = array<i32>} : memref<4096xf32, #tpu.memory_space<vmem>>, vector<16xf32>,
    %get3A_1791 = vector.shape_cast %get3A_1790 : vector<16xf32> to vector<16xf32>
    %mul3A_1792 = arith.mulf %get3A_1791, %div3A_1764 : vector<16xf32>
    %swap3A_1793 = arith.constant 3120 : index
    %swap3A_1794 = tpu.vector_load %arg5[%swap3A_1793] {strides = array<i32>} : memref<4096xf32, #tpu.memory_space<vmem>>, vector<16xf32>,
    %swap3A_1795 = vector.shape_cast %swap3A_1794 : vector<16xf32> to vector<16xf32>
    %swap3A_1796 = vector.shape_cast %mul3A_1792 : vector<16xf32> to vector<16xf32>
    tpu.vector_store %arg5[%swap3A_1793], %swap3A_1796 {strides = array<i32>} : memref<4096xf32, #tpu.memory_space<vmem>>, vector<16xf32>,
    %get3A_1797 = arith.constant 3136 : index
    %get3A_1798 = tpu.vector_load %arg5[%get3A_1797] {strides = array<i32>} : memref<4096xf32, #tpu.memory_space<vmem>>, vector<16xf32>,
    %get3A_1799 = vector.shape_cast %get3A_1798 : vector<16xf32> to vector<16xf32>
    %mul3A_1800 = arith.mulf %get3A_1799, %div3A_1764 : vector<16xf32>
    %swap3A_1801 = arith.constant 3136 : index
    %swap3A_1802 = tpu.vector_load %arg5[%swap3A_1801] {strides = array<i32>} : memref<4096xf32, #tpu.memory_space<vmem>>, vector<16xf32>,
    %swap3A_1803 = vector.shape_cast %swap3A_1802 : vector<16xf32> to vector<16xf32>
    %swap3A_1804 = vector.shape_cast %mul3A_1800 : vector<16xf32> to vector<16xf32>
    tpu.vector_store %arg5[%swap3A_1801], %swap3A_1804 {strides = array<i32>} : memref<4096xf32, #tpu.memory_space<vmem>>, vector<16xf32>,
    %get3A_1805 = arith.constant 3152 : index
    %get3A_1806 = tpu.vector_load %arg5[%get3A_1805] {strides = array<i32>} : memref<4096xf32, #tpu.memory_space<vmem>>, vector<16xf32>,
    %get3A_1807 = vector.shape_cast %get3A_1806 : vector<16xf32> to vector<16xf32>
    %mul3A_1808 = arith.mulf %get3A_1807, %div3A_1764 : vector<16xf32>
    %swap3A_1809 = arith.constant 3152 : index
    %swap3A_1810 = tpu.vector_load %arg5[%swap3A_1809] {strides = array<i32>} : memref<4096xf32, #tpu.memory_space<vmem>>, vector<16xf32>,
    %swap3A_1811 = vector.shape_cast %swap3A_1810 : vector<16xf32> to vector<16xf32>
    %swap3A_1812 = vector.shape_cast %mul3A_1808 : vector<16xf32> to vector<16xf32>
    tpu.vector_store %arg5[%swap3A_1809], %swap3A_1812 {strides = array<i32>} : memref<4096xf32, #tpu.memory_space<vmem>>, vector<16xf32>,
    %get3A_1813 = arith.constant 3168 : index
    %get3A_1814 = tpu.vector_load %arg5[%get3A_1813] {strides = array<i32>} : memref<4096xf32, #tpu.memory_space<vmem>>, vector<16xf32>,
    %get3A_1815 = vector.shape_cast %get3A_1814 : vector<16xf32> to vector<16xf32>
    %mul3A_1816 = arith.mulf %get3A_1815, %div3A_1764 : vector<16xf32>
    %swap3A_1817 = arith.constant 3168 : index
    %swap3A_1818 = tpu.vector_load %arg5[%swap3A_1817] {strides = array<i32>} : memref<4096xf32, #tpu.memory_space<vmem>>, vector<16xf32>,
    %swap3A_1819 = vector.shape_cast %swap3A_1818 : vector<16xf32> to vector<16xf32>
    %swap3A_1820 = vector.shape_cast %mul3A_1816 : vector<16xf32> to vector<16xf32>
    tpu.vector_store %arg5[%swap3A_1817], %swap3A_1820 {strides = array<i32>} : memref<4096xf32, #tpu.memory_space<vmem>>, vector<16xf32>,
    %get3A_1821 = arith.constant 3184 : index
    %get3A_1822 = tpu.vector_load %arg5[%get3A_1821] {strides = array<i32>} : memref<4096xf32, #tpu.memory_space<vmem>>, vector<16xf32>,
    %get3A_1823 = vector.shape_cast %get3A_1822 : vector<16xf32> to vector<16xf32>
    %mul3A_1824 = arith.mulf %get3A_1823, %div3A_1764 : vector<16xf32>
    %swap3A_1825 = arith.constant 3184 : index
    %swap3A_1826 = tpu.vector_load %arg5[%swap3A_1825] {strides = array<i32>} : memref<4096xf32, #tpu.memory_space<vmem>>, vector<16xf32>,
    %swap3A_1827 = vector.shape_cast %swap3A_1826 : vector<16xf32> to vector<16xf32>
    %swap3A_1828 = vector.shape_cast %mul3A_1824 : vector<16xf32> to vector<16xf32>
    tpu.vector_store %arg5[%swap3A_1825], %swap3A_1828 {strides = array<i32>} : memref<4096xf32, #tpu.memory_space<vmem>>, vector<16xf32>,
    %get3A_1829 = arith.constant 400 : index
    %get3A_1830 = tpu.vector_load %arg6[%get3A_1829] {strides = array<i32>} : memref<512xf32, #tpu.memory_space<vmem>>, vector<16xf32>,
    %get3A_1831 = vector.shape_cast %get3A_1830 : vector<16xf32> to vector<16xf32>
    %add3A_1832 = arith.constant 1.000000e-16 : f32
    %add3A_1833 = vector.broadcast %add3A_1832 : f32 to vector<16xf32>
    %add3A_1834 = arith.addf %get3A_1831, %add3A_1833 : vector<16xf32>
    %div3A_1835 = arith.constant 1.000000e+00 : f32
    %div3A_1836 = vector.broadcast %div3A_1835 : f32 to vector<16xf32>
    %div3A_1837 = arith.divf %div3A_1836, %add3A_1834 : vector<16xf32>
    %get3A_1838 = arith.constant 3200 : index
    %get3A_1839 = tpu.vector_load %arg5[%get3A_1838] {strides = array<i32>} : memref<4096xf32, #tpu.memory_space<vmem>>, vector<16xf32>,
    %get3A_1840 = vector.shape_cast %get3A_1839 : vector<16xf32> to vector<16xf32>
    %mul3A_1841 = arith.mulf %get3A_1840, %div3A_1837 : vector<16xf32>
    %swap3A_1842 = arith.constant 3200 : index
    %swap3A_1843 = tpu.vector_load %arg5[%swap3A_1842] {strides = array<i32>} : memref<4096xf32, #tpu.memory_space<vmem>>, vector<16xf32>,
    %swap3A_1844 = vector.shape_cast %swap3A_1843 : vector<16xf32> to vector<16xf32>
    %swap3A_1845 = vector.shape_cast %mul3A_1841 : vector<16xf32> to vector<16xf32>
    tpu.vector_store %arg5[%swap3A_1842], %swap3A_1845 {strides = array<i32>} : memref<4096xf32, #tpu.memory_space<vmem>>, vector<16xf32>,
    %get3A_1846 = arith.constant 3216 : index
    %get3A_1847 = tpu.vector_load %arg5[%get3A_1846] {strides = array<i32>} : memref<4096xf32, #tpu.memory_space<vmem>>, vector<16xf32>,
    %get3A_1848 = vector.shape_cast %get3A_1847 : vector<16xf32> to vector<16xf32>
    %mul3A_1849 = arith.mulf %get3A_1848, %div3A_1837 : vector<16xf32>
    %swap3A_1850 = arith.constant 3216 : index
    %swap3A_1851 = tpu.vector_load %arg5[%swap3A_1850] {strides = array<i32>} : memref<4096xf32, #tpu.memory_space<vmem>>, vector<16xf32>,
    %swap3A_1852 = vector.shape_cast %swap3A_1851 : vector<16xf32> to vector<16xf32>
    %swap3A_1853 = vector.shape_cast %mul3A_1849 : vector<16xf32> to vector<16xf32>
    tpu.vector_store %arg5[%swap3A_1850], %swap3A_1853 {strides = array<i32>} : memref<4096xf32, #tpu.memory_space<vmem>>, vector<16xf32>,
    %get3A_1854 = arith.constant 3232 : index
    %get3A_1855 = tpu.vector_load %arg5[%get3A_1854] {strides = array<i32>} : memref<4096xf32, #tpu.memory_space<vmem>>, vector<16xf32>,
    %get3A_1856 = vector.shape_cast %get3A_1855 : vector<16xf32> to vector<16xf32>
    %mul3A_1857 = arith.mulf %get3A_1856, %div3A_1837 : vector<16xf32>
    %swap3A_1858 = arith.constant 3232 : index
    %swap3A_1859 = tpu.vector_load %arg5[%swap3A_1858] {strides = array<i32>} : memref<4096xf32, #tpu.memory_space<vmem>>, vector<16xf32>,
    %swap3A_1860 = vector.shape_cast %swap3A_1859 : vector<16xf32> to vector<16xf32>
    %swap3A_1861 = vector.shape_cast %mul3A_1857 : vector<16xf32> to vector<16xf32>
    tpu.vector_store %arg5[%swap3A_1858], %swap3A_1861 {strides = array<i32>} : memref<4096xf32, #tpu.memory_space<vmem>>, vector<16xf32>,
    %get3A_1862 = arith.constant 3248 : index
    %get3A_1863 = tpu.vector_load %arg5[%get3A_1862] {strides = array<i32>} : memref<4096xf32, #tpu.memory_space<vmem>>, vector<16xf32>,
    %get3A_1864 = vector.shape_cast %get3A_1863 : vector<16xf32> to vector<16xf32>
    %mul3A_1865 = arith.mulf %get3A_1864, %div3A_1837 : vector<16xf32>
    %swap3A_1866 = arith.constant 3248 : index
    %swap3A_1867 = tpu.vector_load %arg5[%swap3A_1866] {strides = array<i32>} : memref<4096xf32, #tpu.memory_space<vmem>>, vector<16xf32>,
    %swap3A_1868 = vector.shape_cast %swap3A_1867 : vector<16xf32> to vector<16xf32>
    %swap3A_1869 = vector.shape_cast %mul3A_1865 : vector<16xf32> to vector<16xf32>
    tpu.vector_store %arg5[%swap3A_1866], %swap3A_1869 {strides = array<i32>} : memref<4096xf32, #tpu.memory_space<vmem>>, vector<16xf32>,
    %get3A_1870 = arith.constant 3264 : index
    %get3A_1871 = tpu.vector_load %arg5[%get3A_1870] {strides = array<i32>} : memref<4096xf32, #tpu.memory_space<vmem>>, vector<16xf32>,
    %get3A_1872 = vector.shape_cast %get3A_1871 : vector<16xf32> to vector<16xf32>
    %mul3A_1873 = arith.mulf %get3A_1872, %div3A_1837 : vector<16xf32>
    %swap3A_1874 = arith.constant 3264 : index
    %swap3A_1875 = tpu.vector_load %arg5[%swap3A_1874] {strides = array<i32>} : memref<4096xf32, #tpu.memory_space<vmem>>, vector<16xf32>,
    %swap3A_1876 = vector.shape_cast %swap3A_1875 : vector<16xf32> to vector<16xf32>
    %swap3A_1877 = vector.shape_cast %mul3A_1873 : vector<16xf32> to vector<16xf32>
    tpu.vector_store %arg5[%swap3A_1874], %swap3A_1877 {strides = array<i32>} : memref<4096xf32, #tpu.memory_space<vmem>>, vector<16xf32>,
    %get3A_1878 = arith.constant 3280 : index
    %get3A_1879 = tpu.vector_load %arg5[%get3A_1878] {strides = array<i32>} : memref<4096xf32, #tpu.memory_space<vmem>>, vector<16xf32>,
    %get3A_1880 = vector.shape_cast %get3A_1879 : vector<16xf32> to vector<16xf32>
    %mul3A_1881 = arith.mulf %get3A_1880, %div3A_1837 : vector<16xf32>
    %swap3A_1882 = arith.constant 3280 : index
    %swap3A_1883 = tpu.vector_load %arg5[%swap3A_1882] {strides = array<i32>} : memref<4096xf32, #tpu.memory_space<vmem>>, vector<16xf32>,
    %swap3A_1884 = vector.shape_cast %swap3A_1883 : vector<16xf32> to vector<16xf32>
    %swap3A_1885 = vector.shape_cast %mul3A_1881 : vector<16xf32> to vector<16xf32>
    tpu.vector_store %arg5[%swap3A_1882], %swap3A_1885 {strides = array<i32>} : memref<4096xf32, #tpu.memory_space<vmem>>, vector<16xf32>,
    %get3A_1886 = arith.constant 3296 : index
    %get3A_1887 = tpu.vector_load %arg5[%get3A_1886] {strides = array<i32>} : memref<4096xf32, #tpu.memory_space<vmem>>, vector<16xf32>,
    %get3A_1888 = vector.shape_cast %get3A_1887 : vector<16xf32> to vector<16xf32>
    %mul3A_1889 = arith.mulf %get3A_1888, %div3A_1837 : vector<16xf32>
    %swap3A_1890 = arith.constant 3296 : index
    %swap3A_1891 = tpu.vector_load %arg5[%swap3A_1890] {strides = array<i32>} : memref<4096xf32, #tpu.memory_space<vmem>>, vector<16xf32>,
    %swap3A_1892 = vector.shape_cast %swap3A_1891 : vector<16xf32> to vector<16xf32>
    %swap3A_1893 = vector.shape_cast %mul3A_1889 : vector<16xf32> to vector<16xf32>
    tpu.vector_store %arg5[%swap3A_1890], %swap3A_1893 {strides = array<i32>} : memref<4096xf32, #tpu.memory_space<vmem>>, vector<16xf32>,
    %get3A_1894 = arith.constant 3312 : index
    %get3A_1895 = tpu.vector_load %arg5[%get3A_1894] {strides = array<i32>} : memref<4096xf32, #tpu.memory_space<vmem>>, vector<16xf32>,
    %get3A_1896 = vector.shape_cast %get3A_1895 : vector<16xf32> to vector<16xf32>
    %mul3A_1897 = arith.mulf %get3A_1896, %div3A_1837 : vector<16xf32>
    %swap3A_1898 = arith.constant 3312 : index
    %swap3A_1899 = tpu.vector_load %arg5[%swap3A_1898] {strides = array<i32>} : memref<4096xf32, #tpu.memory_space<vmem>>, vector<16xf32>,
    %swap3A_1900 = vector.shape_cast %swap3A_1899 : vector<16xf32> to vector<16xf32>
    %swap3A_1901 = vector.shape_cast %mul3A_1897 : vector<16xf32> to vector<16xf32>
    tpu.vector_store %arg5[%swap3A_1898], %swap3A_1901 {strides = array<i32>} : memref<4096xf32, #tpu.memory_space<vmem>>, vector<16xf32>,
    %get3A_1902 = arith.constant 416 : index
    %get3A_1903 = tpu.vector_load %arg6[%get3A_1902] {strides = array<i32>} : memref<512xf32, #tpu.memory_space<vmem>>, vector<16xf32>,
    %get3A_1904 = vector.shape_cast %get3A_1903 : vector<16xf32> to vector<16xf32>
    %add3A_1905 = arith.constant 1.000000e-16 : f32
    %add3A_1906 = vector.broadcast %add3A_1905 : f32 to vector<16xf32>
    %add3A_1907 = arith.addf %get3A_1904, %add3A_1906 : vector<16xf32>
    %div3A_1908 = arith.constant 1.000000e+00 : f32
    %div3A_1909 = vector.broadcast %div3A_1908 : f32 to vector<16xf32>
    %div3A_1910 = arith.divf %div3A_1909, %add3A_1907 : vector<16xf32>
    %get3A_1911 = arith.constant 3328 : index
    %get3A_1912 = tpu.vector_load %arg5[%get3A_1911] {strides = array<i32>} : memref<4096xf32, #tpu.memory_space<vmem>>, vector<16xf32>,
    %get3A_1913 = vector.shape_cast %get3A_1912 : vector<16xf32> to vector<16xf32>
    %mul3A_1914 = arith.mulf %get3A_1913, %div3A_1910 : vector<16xf32>
    %swap3A_1915 = arith.constant 3328 : index
    %swap3A_1916 = tpu.vector_load %arg5[%swap3A_1915] {strides = array<i32>} : memref<4096xf32, #tpu.memory_space<vmem>>, vector<16xf32>,
    %swap3A_1917 = vector.shape_cast %swap3A_1916 : vector<16xf32> to vector<16xf32>
    %swap3A_1918 = vector.shape_cast %mul3A_1914 : vector<16xf32> to vector<16xf32>
    tpu.vector_store %arg5[%swap3A_1915], %swap3A_1918 {strides = array<i32>} : memref<4096xf32, #tpu.memory_space<vmem>>, vector<16xf32>,
    %get3A_1919 = arith.constant 3344 : index
    %get3A_1920 = tpu.vector_load %arg5[%get3A_1919] {strides = array<i32>} : memref<4096xf32, #tpu.memory_space<vmem>>, vector<16xf32>,
    %get3A_1921 = vector.shape_cast %get3A_1920 : vector<16xf32> to vector<16xf32>
    %mul3A_1922 = arith.mulf %get3A_1921, %div3A_1910 : vector<16xf32>
    %swap3A_1923 = arith.constant 3344 : index
    %swap3A_1924 = tpu.vector_load %arg5[%swap3A_1923] {strides = array<i32>} : memref<4096xf32, #tpu.memory_space<vmem>>, vector<16xf32>,
    %swap3A_1925 = vector.shape_cast %swap3A_1924 : vector<16xf32> to vector<16xf32>
    %swap3A_1926 = vector.shape_cast %mul3A_1922 : vector<16xf32> to vector<16xf32>
    tpu.vector_store %arg5[%swap3A_1923], %swap3A_1926 {strides = array<i32>} : memref<4096xf32, #tpu.memory_space<vmem>>, vector<16xf32>,
    %get3A_1927 = arith.constant 3360 : index
    %get3A_1928 = tpu.vector_load %arg5[%get3A_1927] {strides = array<i32>} : memref<4096xf32, #tpu.memory_space<vmem>>, vector<16xf32>,
    %get3A_1929 = vector.shape_cast %get3A_1928 : vector<16xf32> to vector<16xf32>
    %mul3A_1930 = arith.mulf %get3A_1929, %div3A_1910 : vector<16xf32>
    %swap3A_1931 = arith.constant 3360 : index
    %swap3A_1932 = tpu.vector_load %arg5[%swap3A_1931] {strides = array<i32>} : memref<4096xf32, #tpu.memory_space<vmem>>, vector<16xf32>,
    %swap3A_1933 = vector.shape_cast %swap3A_1932 : vector<16xf32> to vector<16xf32>
    %swap3A_1934 = vector.shape_cast %mul3A_1930 : vector<16xf32> to vector<16xf32>
    tpu.vector_store %arg5[%swap3A_1931], %swap3A_1934 {strides = array<i32>} : memref<4096xf32, #tpu.memory_space<vmem>>, vector<16xf32>,
    %get3A_1935 = arith.constant 3376 : index
    %get3A_1936 = tpu.vector_load %arg5[%get3A_1935] {strides = array<i32>} : memref<4096xf32, #tpu.memory_space<vmem>>, vector<16xf32>,
    %get3A_1937 = vector.shape_cast %get3A_1936 : vector<16xf32> to vector<16xf32>
    %mul3A_1938 = arith.mulf %get3A_1937, %div3A_1910 : vector<16xf32>
    %swap3A_1939 = arith.constant 3376 : index
    %swap3A_1940 = tpu.vector_load %arg5[%swap3A_1939] {strides = array<i32>} : memref<4096xf32, #tpu.memory_space<vmem>>, vector<16xf32>,
    %swap3A_1941 = vector.shape_cast %swap3A_1940 : vector<16xf32> to vector<16xf32>
    %swap3A_1942 = vector.shape_cast %mul3A_1938 : vector<16xf32> to vector<16xf32>
    tpu.vector_store %arg5[%swap3A_1939], %swap3A_1942 {strides = array<i32>} : memref<4096xf32, #tpu.memory_space<vmem>>, vector<16xf32>,
    %get3A_1943 = arith.constant 3392 : index
    %get3A_1944 = tpu.vector_load %arg5[%get3A_1943] {strides = array<i32>} : memref<4096xf32, #tpu.memory_space<vmem>>, vector<16xf32>,
    %get3A_1945 = vector.shape_cast %get3A_1944 : vector<16xf32> to vector<16xf32>
    %mul3A_1946 = arith.mulf %get3A_1945, %div3A_1910 : vector<16xf32>
    %swap3A_1947 = arith.constant 3392 : index
    %swap3A_1948 = tpu.vector_load %arg5[%swap3A_1947] {strides = array<i32>} : memref<4096xf32, #tpu.memory_space<vmem>>, vector<16xf32>,
    %swap3A_1949 = vector.shape_cast %swap3A_1948 : vector<16xf32> to vector<16xf32>
    %swap3A_1950 = vector.shape_cast %mul3A_1946 : vector<16xf32> to vector<16xf32>
    tpu.vector_store %arg5[%swap3A_1947], %swap3A_1950 {strides = array<i32>} : memref<4096xf32, #tpu.memory_space<vmem>>, vector<16xf32>,
    %get3A_1951 = arith.constant 3408 : index
    %get3A_1952 = tpu.vector_load %arg5[%get3A_1951] {strides = array<i32>} : memref<4096xf32, #tpu.memory_space<vmem>>, vector<16xf32>,
    %get3A_1953 = vector.shape_cast %get3A_1952 : vector<16xf32> to vector<16xf32>
    %mul3A_1954 = arith.mulf %get3A_1953, %div3A_1910 : vector<16xf32>
    %swap3A_1955 = arith.constant 3408 : index
    %swap3A_1956 = tpu.vector_load %arg5[%swap3A_1955] {strides = array<i32>} : memref<4096xf32, #tpu.memory_space<vmem>>, vector<16xf32>,
    %swap3A_1957 = vector.shape_cast %swap3A_1956 : vector<16xf32> to vector<16xf32>
    %swap3A_1958 = vector.shape_cast %mul3A_1954 : vector<16xf32> to vector<16xf32>
    tpu.vector_store %arg5[%swap3A_1955], %swap3A_1958 {strides = array<i32>} : memref<4096xf32, #tpu.memory_space<vmem>>, vector<16xf32>,
    %get3A_1959 = arith.constant 3424 : index
    %get3A_1960 = tpu.vector_load %arg5[%get3A_1959] {strides = array<i32>} : memref<4096xf32, #tpu.memory_space<vmem>>, vector<16xf32>,
    %get3A_1961 = vector.shape_cast %get3A_1960 : vector<16xf32> to vector<16xf32>
    %mul3A_1962 = arith.mulf %get3A_1961, %div3A_1910 : vector<16xf32>
    %swap3A_1963 = arith.constant 3424 : index
    %swap3A_1964 = tpu.vector_load %arg5[%swap3A_1963] {strides = array<i32>} : memref<4096xf32, #tpu.memory_space<vmem>>, vector<16xf32>,
    %swap3A_1965 = vector.shape_cast %swap3A_1964 : vector<16xf32> to vector<16xf32>
    %swap3A_1966 = vector.shape_cast %mul3A_1962 : vector<16xf32> to vector<16xf32>
    tpu.vector_store %arg5[%swap3A_1963], %swap3A_1966 {strides = array<i32>} : memref<4096xf32, #tpu.memory_space<vmem>>, vector<16xf32>,
    %get3A_1967 = arith.constant 3440 : index
    %get3A_1968 = tpu.vector_load %arg5[%get3A_1967] {strides = array<i32>} : memref<4096xf32, #tpu.memory_space<vmem>>, vector<16xf32>,
    %get3A_1969 = vector.shape_cast %get3A_1968 : vector<16xf32> to vector<16xf32>
    %mul3A_1970 = arith.mulf %get3A_1969, %div3A_1910 : vector<16xf32>
    %swap3A_1971 = arith.constant 3440 : index
    %swap3A_1972 = tpu.vector_load %arg5[%swap3A_1971] {strides = array<i32>} : memref<4096xf32, #tpu.memory_space<vmem>>, vector<16xf32>,
    %swap3A_1973 = vector.shape_cast %swap3A_1972 : vector<16xf32> to vector<16xf32>
    %swap3A_1974 = vector.shape_cast %mul3A_1970 : vector<16xf32> to vector<16xf32>
    tpu.vector_store %arg5[%swap3A_1971], %swap3A_1974 {strides = array<i32>} : memref<4096xf32, #tpu.memory_space<vmem>>, vector<16xf32>,
    %get3A_1975 = arith.constant 432 : index
    %get3A_1976 = tpu.vector_load %arg6[%get3A_1975] {strides = array<i32>} : memref<512xf32, #tpu.memory_space<vmem>>, vector<16xf32>,
    %get3A_1977 = vector.shape_cast %get3A_1976 : vector<16xf32> to vector<16xf32>
    %add3A_1978 = arith.constant 1.000000e-16 : f32
    %add3A_1979 = vector.broadcast %add3A_1978 : f32 to vector<16xf32>
    %add3A_1980 = arith.addf %get3A_1977, %add3A_1979 : vector<16xf32>
    %div3A_1981 = arith.constant 1.000000e+00 : f32
    %div3A_1982 = vector.broadcast %div3A_1981 : f32 to vector<16xf32>
    %div3A_1983 = arith.divf %div3A_1982, %add3A_1980 : vector<16xf32>
    %get3A_1984 = arith.constant 3456 : index
    %get3A_1985 = tpu.vector_load %arg5[%get3A_1984] {strides = array<i32>} : memref<4096xf32, #tpu.memory_space<vmem>>, vector<16xf32>,
    %get3A_1986 = vector.shape_cast %get3A_1985 : vector<16xf32> to vector<16xf32>
    %mul3A_1987 = arith.mulf %get3A_1986, %div3A_1983 : vector<16xf32>
    %swap3A_1988 = arith.constant 3456 : index
    %swap3A_1989 = tpu.vector_load %arg5[%swap3A_1988] {strides = array<i32>} : memref<4096xf32, #tpu.memory_space<vmem>>, vector<16xf32>,
    %swap3A_1990 = vector.shape_cast %swap3A_1989 : vector<16xf32> to vector<16xf32>
    %swap3A_1991 = vector.shape_cast %mul3A_1987 : vector<16xf32> to vector<16xf32>
    tpu.vector_store %arg5[%swap3A_1988], %swap3A_1991 {strides = array<i32>} : memref<4096xf32, #tpu.memory_space<vmem>>, vector<16xf32>,
    %get3A_1992 = arith.constant 3472 : index
    %get3A_1993 = tpu.vector_load %arg5[%get3A_1992] {strides = array<i32>} : memref<4096xf32, #tpu.memory_space<vmem>>, vector<16xf32>,
    %get3A_1994 = vector.shape_cast %get3A_1993 : vector<16xf32> to vector<16xf32>
    %mul3A_1995 = arith.mulf %get3A_1994, %div3A_1983 : vector<16xf32>
    %swap3A_1996 = arith.constant 3472 : index
    %swap3A_1997 = tpu.vector_load %arg5[%swap3A_1996] {strides = array<i32>} : memref<4096xf32, #tpu.memory_space<vmem>>, vector<16xf32>,
    %swap3A_1998 = vector.shape_cast %swap3A_1997 : vector<16xf32> to vector<16xf32>
    %swap3A_1999 = vector.shape_cast %mul3A_1995 : vector<16xf32> to vector<16xf32>
    tpu.vector_store %arg5[%swap3A_1996], %swap3A_1999 {strides = array<i32>} : memref<4096xf32, #tpu.memory_space<vmem>>, vector<16xf32>,
    %get3A_2000 = arith.constant 3488 : index
    %get3A_2001 = tpu.vector_load %arg5[%get3A_2000] {strides = array<i32>} : memref<4096xf32, #tpu.memory_space<vmem>>, vector<16xf32>,
    %get3A_2002 = vector.shape_cast %get3A_2001 : vector<16xf32> to vector<16xf32>
    %mul3A_2003 = arith.mulf %get3A_2002, %div3A_1983 : vector<16xf32>
    %swap3A_2004 = arith.constant 3488 : index
    %swap3A_2005 = tpu.vector_load %arg5[%swap3A_2004] {strides = array<i32>} : memref<4096xf32, #tpu.memory_space<vmem>>, vector<16xf32>,
    %swap3A_2006 = vector.shape_cast %swap3A_2005 : vector<16xf32> to vector<16xf32>
    %swap3A_2007 = vector.shape_cast %mul3A_2003 : vector<16xf32> to vector<16xf32>
    tpu.vector_store %arg5[%swap3A_2004], %swap3A_2007 {strides = array<i32>} : memref<4096xf32, #tpu.memory_space<vmem>>, vector<16xf32>,
    %get3A_2008 = arith.constant 3504 : index
    %get3A_2009 = tpu.vector_load %arg5[%get3A_2008] {strides = array<i32>} : memref<4096xf32, #tpu.memory_space<vmem>>, vector<16xf32>,
    %get3A_2010 = vector.shape_cast %get3A_2009 : vector<16xf32> to vector<16xf32>
    %mul3A_2011 = arith.mulf %get3A_2010, %div3A_1983 : vector<16xf32>
    %swap3A_2012 = arith.constant 3504 : index
    %swap3A_2013 = tpu.vector_load %arg5[%swap3A_2012] {strides = array<i32>} : memref<4096xf32, #tpu.memory_space<vmem>>, vector<16xf32>,
    %swap3A_2014 = vector.shape_cast %swap3A_2013 : vector<16xf32> to vector<16xf32>
    %swap3A_2015 = vector.shape_cast %mul3A_2011 : vector<16xf32> to vector<16xf32>
    tpu.vector_store %arg5[%swap3A_2012], %swap3A_2015 {strides = array<i32>} : memref<4096xf32, #tpu.memory_space<vmem>>, vector<16xf32>,
    %get3A_2016 = arith.constant 3520 : index
    %get3A_2017 = tpu.vector_load %arg5[%get3A_2016] {strides = array<i32>} : memref<4096xf32, #tpu.memory_space<vmem>>, vector<16xf32>,
    %get3A_2018 = vector.shape_cast %get3A_2017 : vector<16xf32> to vector<16xf32>
    %mul3A_2019 = arith.mulf %get3A_2018, %div3A_1983 : vector<16xf32>
    %swap3A_2020 = arith.constant 3520 : index
    %swap3A_2021 = tpu.vector_load %arg5[%swap3A_2020] {strides = array<i32>} : memref<4096xf32, #tpu.memory_space<vmem>>, vector<16xf32>,
    %swap3A_2022 = vector.shape_cast %swap3A_2021 : vector<16xf32> to vector<16xf32>
    %swap3A_2023 = vector.shape_cast %mul3A_2019 : vector<16xf32> to vector<16xf32>
    tpu.vector_store %arg5[%swap3A_2020], %swap3A_2023 {strides = array<i32>} : memref<4096xf32, #tpu.memory_space<vmem>>, vector<16xf32>,
    %get3A_2024 = arith.constant 3536 : index
    %get3A_2025 = tpu.vector_load %arg5[%get3A_2024] {strides = array<i32>} : memref<4096xf32, #tpu.memory_space<vmem>>, vector<16xf32>,
    %get3A_2026 = vector.shape_cast %get3A_2025 : vector<16xf32> to vector<16xf32>
    %mul3A_2027 = arith.mulf %get3A_2026, %div3A_1983 : vector<16xf32>
    %swap3A_2028 = arith.constant 3536 : index
    %swap3A_2029 = tpu.vector_load %arg5[%swap3A_2028] {strides = array<i32>} : memref<4096xf32, #tpu.memory_space<vmem>>, vector<16xf32>,
    %swap3A_2030 = vector.shape_cast %swap3A_2029 : vector<16xf32> to vector<16xf32>
    %swap3A_2031 = vector.shape_cast %mul3A_2027 : vector<16xf32> to vector<16xf32>
    tpu.vector_store %arg5[%swap3A_2028], %swap3A_2031 {strides = array<i32>} : memref<4096xf32, #tpu.memory_space<vmem>>, vector<16xf32>,
    %get3A_2032 = arith.constant 3552 : index
    %get3A_2033 = tpu.vector_load %arg5[%get3A_2032] {strides = array<i32>} : memref<4096xf32, #tpu.memory_space<vmem>>, vector<16xf32>,
    %get3A_2034 = vector.shape_cast %get3A_2033 : vector<16xf32> to vector<16xf32>
    %mul3A_2035 = arith.mulf %get3A_2034, %div3A_1983 : vector<16xf32>
    %swap3A_2036 = arith.constant 3552 : index
    %swap3A_2037 = tpu.vector_load %arg5[%swap3A_2036] {strides = array<i32>} : memref<4096xf32, #tpu.memory_space<vmem>>, vector<16xf32>,
    %swap3A_2038 = vector.shape_cast %swap3A_2037 : vector<16xf32> to vector<16xf32>
    %swap3A_2039 = vector.shape_cast %mul3A_2035 : vector<16xf32> to vector<16xf32>
    tpu.vector_store %arg5[%swap3A_2036], %swap3A_2039 {strides = array<i32>} : memref<4096xf32, #tpu.memory_space<vmem>>, vector<16xf32>,
    %get3A_2040 = arith.constant 3568 : index
    %get3A_2041 = tpu.vector_load %arg5[%get3A_2040] {strides = array<i32>} : memref<4096xf32, #tpu.memory_space<vmem>>, vector<16xf32>,
    %get3A_2042 = vector.shape_cast %get3A_2041 : vector<16xf32> to vector<16xf32>
    %mul3A_2043 = arith.mulf %get3A_2042, %div3A_1983 : vector<16xf32>
    %swap3A_2044 = arith.constant 3568 : index
    %swap3A_2045 = tpu.vector_load %arg5[%swap3A_2044] {strides = array<i32>} : memref<4096xf32, #tpu.memory_space<vmem>>, vector<16xf32>,
    %swap3A_2046 = vector.shape_cast %swap3A_2045 : vector<16xf32> to vector<16xf32>
    %swap3A_2047 = vector.shape_cast %mul3A_2043 : vector<16xf32> to vector<16xf32>
    tpu.vector_store %arg5[%swap3A_2044], %swap3A_2047 {strides = array<i32>} : memref<4096xf32, #tpu.memory_space<vmem>>, vector<16xf32>,
    %get3A_2048 = arith.constant 448 : index
    %get3A_2049 = tpu.vector_load %arg6[%get3A_2048] {strides = array<i32>} : memref<512xf32, #tpu.memory_space<vmem>>, vector<16xf32>,
    %get3A_2050 = vector.shape_cast %get3A_2049 : vector<16xf32> to vector<16xf32>
    %add3A_2051 = arith.constant 1.000000e-16 : f32
    %add3A_2052 = vector.broadcast %add3A_2051 : f32 to vector<16xf32>
    %add3A_2053 = arith.addf %get3A_2050, %add3A_2052 : vector<16xf32>
    %div3A_2054 = arith.constant 1.000000e+00 : f32
    %div3A_2055 = vector.broadcast %div3A_2054 : f32 to vector<16xf32>
    %div3A_2056 = arith.divf %div3A_2055, %add3A_2053 : vector<16xf32>
    %get3A_2057 = arith.constant 3584 : index
    %get3A_2058 = tpu.vector_load %arg5[%get3A_2057] {strides = array<i32>} : memref<4096xf32, #tpu.memory_space<vmem>>, vector<16xf32>,
    %get3A_2059 = vector.shape_cast %get3A_2058 : vector<16xf32> to vector<16xf32>
    %mul3A_2060 = arith.mulf %get3A_2059, %div3A_2056 : vector<16xf32>
    %swap3A_2061 = arith.constant 3584 : index
    %swap3A_2062 = tpu.vector_load %arg5[%swap3A_2061] {strides = array<i32>} : memref<4096xf32, #tpu.memory_space<vmem>>, vector<16xf32>,
    %swap3A_2063 = vector.shape_cast %swap3A_2062 : vector<16xf32> to vector<16xf32>
    %swap3A_2064 = vector.shape_cast %mul3A_2060 : vector<16xf32> to vector<16xf32>
    tpu.vector_store %arg5[%swap3A_2061], %swap3A_2064 {strides = array<i32>} : memref<4096xf32, #tpu.memory_space<vmem>>, vector<16xf32>,
    %get3A_2065 = arith.constant 3600 : index
    %get3A_2066 = tpu.vector_load %arg5[%get3A_2065] {strides = array<i32>} : memref<4096xf32, #tpu.memory_space<vmem>>, vector<16xf32>,
    %get3A_2067 = vector.shape_cast %get3A_2066 : vector<16xf32> to vector<16xf32>
    %mul3A_2068 = arith.mulf %get3A_2067, %div3A_2056 : vector<16xf32>
    %swap3A_2069 = arith.constant 3600 : index
    %swap3A_2070 = tpu.vector_load %arg5[%swap3A_2069] {strides = array<i32>} : memref<4096xf32, #tpu.memory_space<vmem>>, vector<16xf32>,
    %swap3A_2071 = vector.shape_cast %swap3A_2070 : vector<16xf32> to vector<16xf32>
    %swap3A_2072 = vector.shape_cast %mul3A_2068 : vector<16xf32> to vector<16xf32>
    tpu.vector_store %arg5[%swap3A_2069], %swap3A_2072 {strides = array<i32>} : memref<4096xf32, #tpu.memory_space<vmem>>, vector<16xf32>,
    %get3A_2073 = arith.constant 3616 : index
    %get3A_2074 = tpu.vector_load %arg5[%get3A_2073] {strides = array<i32>} : memref<4096xf32, #tpu.memory_space<vmem>>, vector<16xf32>,
    %get3A_2075 = vector.shape_cast %get3A_2074 : vector<16xf32> to vector<16xf32>
    %mul3A_2076 = arith.mulf %get3A_2075, %div3A_2056 : vector<16xf32>
    %swap3A_2077 = arith.constant 3616 : index
    %swap3A_2078 = tpu.vector_load %arg5[%swap3A_2077] {strides = array<i32>} : memref<4096xf32, #tpu.memory_space<vmem>>, vector<16xf32>,
    %swap3A_2079 = vector.shape_cast %swap3A_2078 : vector<16xf32> to vector<16xf32>
    %swap3A_2080 = vector.shape_cast %mul3A_2076 : vector<16xf32> to vector<16xf32>
    tpu.vector_store %arg5[%swap3A_2077], %swap3A_2080 {strides = array<i32>} : memref<4096xf32, #tpu.memory_space<vmem>>, vector<16xf32>,
    %get3A_2081 = arith.constant 3632 : index
    %get3A_2082 = tpu.vector_load %arg5[%get3A_2081] {strides = array<i32>} : memref<4096xf32, #tpu.memory_space<vmem>>, vector<16xf32>,
    %get3A_2083 = vector.shape_cast %get3A_2082 : vector<16xf32> to vector<16xf32>
    %mul3A_2084 = arith.mulf %get3A_2083, %div3A_2056 : vector<16xf32>
    %swap3A_2085 = arith.constant 3632 : index
    %swap3A_2086 = tpu.vector_load %arg5[%swap3A_2085] {strides = array<i32>} : memref<4096xf32, #tpu.memory_space<vmem>>, vector<16xf32>,
    %swap3A_2087 = vector.shape_cast %swap3A_2086 : vector<16xf32> to vector<16xf32>
    %swap3A_2088 = vector.shape_cast %mul3A_2084 : vector<16xf32> to vector<16xf32>
    tpu.vector_store %arg5[%swap3A_2085], %swap3A_2088 {strides = array<i32>} : memref<4096xf32, #tpu.memory_space<vmem>>, vector<16xf32>,
    %get3A_2089 = arith.constant 3648 : index
    %get3A_2090 = tpu.vector_load %arg5[%get3A_2089] {strides = array<i32>} : memref<4096xf32, #tpu.memory_space<vmem>>, vector<16xf32>,
    %get3A_2091 = vector.shape_cast %get3A_2090 : vector<16xf32> to vector<16xf32>
    %mul3A_2092 = arith.mulf %get3A_2091, %div3A_2056 : vector<16xf32>
    %swap3A_2093 = arith.constant 3648 : index
    %swap3A_2094 = tpu.vector_load %arg5[%swap3A_2093] {strides = array<i32>} : memref<4096xf32, #tpu.memory_space<vmem>>, vector<16xf32>,
    %swap3A_2095 = vector.shape_cast %swap3A_2094 : vector<16xf32> to vector<16xf32>
    %swap3A_2096 = vector.shape_cast %mul3A_2092 : vector<16xf32> to vector<16xf32>
    tpu.vector_store %arg5[%swap3A_2093], %swap3A_2096 {strides = array<i32>} : memref<4096xf32, #tpu.memory_space<vmem>>, vector<16xf32>,
    %get3A_2097 = arith.constant 3664 : index
    %get3A_2098 = tpu.vector_load %arg5[%get3A_2097] {strides = array<i32>} : memref<4096xf32, #tpu.memory_space<vmem>>, vector<16xf32>,
    %get3A_2099 = vector.shape_cast %get3A_2098 : vector<16xf32> to vector<16xf32>
    %mul3A_2100 = arith.mulf %get3A_2099, %div3A_2056 : vector<16xf32>
    %swap3A_2101 = arith.constant 3664 : index
    %swap3A_2102 = tpu.vector_load %arg5[%swap3A_2101] {strides = array<i32>} : memref<4096xf32, #tpu.memory_space<vmem>>, vector<16xf32>,
    %swap3A_2103 = vector.shape_cast %swap3A_2102 : vector<16xf32> to vector<16xf32>
    %swap3A_2104 = vector.shape_cast %mul3A_2100 : vector<16xf32> to vector<16xf32>
    tpu.vector_store %arg5[%swap3A_2101], %swap3A_2104 {strides = array<i32>} : memref<4096xf32, #tpu.memory_space<vmem>>, vector<16xf32>,
    %get3A_2105 = arith.constant 3680 : index
    %get3A_2106 = tpu.vector_load %arg5[%get3A_2105] {strides = array<i32>} : memref<4096xf32, #tpu.memory_space<vmem>>, vector<16xf32>,
    %get3A_2107 = vector.shape_cast %get3A_2106 : vector<16xf32> to vector<16xf32>
    %mul3A_2108 = arith.mulf %get3A_2107, %div3A_2056 : vector<16xf32>
    %swap3A_2109 = arith.constant 3680 : index
    %swap3A_2110 = tpu.vector_load %arg5[%swap3A_2109] {strides = array<i32>} : memref<4096xf32, #tpu.memory_space<vmem>>, vector<16xf32>,
    %swap3A_2111 = vector.shape_cast %swap3A_2110 : vector<16xf32> to vector<16xf32>
    %swap3A_2112 = vector.shape_cast %mul3A_2108 : vector<16xf32> to vector<16xf32>
    tpu.vector_store %arg5[%swap3A_2109], %swap3A_2112 {strides = array<i32>} : memref<4096xf32, #tpu.memory_space<vmem>>, vector<16xf32>,
    %get3A_2113 = arith.constant 3696 : index
    %get3A_2114 = tpu.vector_load %arg5[%get3A_2113] {strides = array<i32>} : memref<4096xf32, #tpu.memory_space<vmem>>, vector<16xf32>,
    %get3A_2115 = vector.shape_cast %get3A_2114 : vector<16xf32> to vector<16xf32>
    %mul3A_2116 = arith.mulf %get3A_2115, %div3A_2056 : vector<16xf32>
    %swap3A_2117 = arith.constant 3696 : index
    %swap3A_2118 = tpu.vector_load %arg5[%swap3A_2117] {strides = array<i32>} : memref<4096xf32, #tpu.memory_space<vmem>>, vector<16xf32>,
    %swap3A_2119 = vector.shape_cast %swap3A_2118 : vector<16xf32> to vector<16xf32>
    %swap3A_2120 = vector.shape_cast %mul3A_2116 : vector<16xf32> to vector<16xf32>
    tpu.vector_store %arg5[%swap3A_2117], %swap3A_2120 {strides = array<i32>} : memref<4096xf32, #tpu.memory_space<vmem>>, vector<16xf32>,
    %get3A_2121 = arith.constant 464 : index
    %get3A_2122 = tpu.vector_load %arg6[%get3A_2121] {strides = array<i32>} : memref<512xf32, #tpu.memory_space<vmem>>, vector<16xf32>,
    %get3A_2123 = vector.shape_cast %get3A_2122 : vector<16xf32> to vector<16xf32>
    %add3A_2124 = arith.constant 1.000000e-16 : f32
    %add3A_2125 = vector.broadcast %add3A_2124 : f32 to vector<16xf32>
    %add3A_2126 = arith.addf %get3A_2123, %add3A_2125 : vector<16xf32>
    %div3A_2127 = arith.constant 1.000000e+00 : f32
    %div3A_2128 = vector.broadcast %div3A_2127 : f32 to vector<16xf32>
    %div3A_2129 = arith.divf %div3A_2128, %add3A_2126 : vector<16xf32>
    %get3A_2130 = arith.constant 3712 : index
    %get3A_2131 = tpu.vector_load %arg5[%get3A_2130] {strides = array<i32>} : memref<4096xf32, #tpu.memory_space<vmem>>, vector<16xf32>,
    %get3A_2132 = vector.shape_cast %get3A_2131 : vector<16xf32> to vector<16xf32>
    %mul3A_2133 = arith.mulf %get3A_2132, %div3A_2129 : vector<16xf32>
    %swap3A_2134 = arith.constant 3712 : index
    %swap3A_2135 = tpu.vector_load %arg5[%swap3A_2134] {strides = array<i32>} : memref<4096xf32, #tpu.memory_space<vmem>>, vector<16xf32>,
    %swap3A_2136 = vector.shape_cast %swap3A_2135 : vector<16xf32> to vector<16xf32>
    %swap3A_2137 = vector.shape_cast %mul3A_2133 : vector<16xf32> to vector<16xf32>
    tpu.vector_store %arg5[%swap3A_2134], %swap3A_2137 {strides = array<i32>} : memref<4096xf32, #tpu.memory_space<vmem>>, vector<16xf32>,
    %get3A_2138 = arith.constant 3728 : index
    %get3A_2139 = tpu.vector_load %arg5[%get3A_2138] {strides = array<i32>} : memref<4096xf32, #tpu.memory_space<vmem>>, vector<16xf32>,
    %get3A_2140 = vector.shape_cast %get3A_2139 : vector<16xf32> to vector<16xf32>
    %mul3A_2141 = arith.mulf %get3A_2140, %div3A_2129 : vector<16xf32>
    %swap3A_2142 = arith.constant 3728 : index
    %swap3A_2143 = tpu.vector_load %arg5[%swap3A_2142] {strides = array<i32>} : memref<4096xf32, #tpu.memory_space<vmem>>, vector<16xf32>,
    %swap3A_2144 = vector.shape_cast %swap3A_2143 : vector<16xf32> to vector<16xf32>
    %swap3A_2145 = vector.shape_cast %mul3A_2141 : vector<16xf32> to vector<16xf32>
    tpu.vector_store %arg5[%swap3A_2142], %swap3A_2145 {strides = array<i32>} : memref<4096xf32, #tpu.memory_space<vmem>>, vector<16xf32>,
    %get3A_2146 = arith.constant 3744 : index
    %get3A_2147 = tpu.vector_load %arg5[%get3A_2146] {strides = array<i32>} : memref<4096xf32, #tpu.memory_space<vmem>>, vector<16xf32>,
    %get3A_2148 = vector.shape_cast %get3A_2147 : vector<16xf32> to vector<16xf32>
    %mul3A_2149 = arith.mulf %get3A_2148, %div3A_2129 : vector<16xf32>
    %swap3A_2150 = arith.constant 3744 : index
    %swap3A_2151 = tpu.vector_load %arg5[%swap3A_2150] {strides = array<i32>} : memref<4096xf32, #tpu.memory_space<vmem>>, vector<16xf32>,
    %swap3A_2152 = vector.shape_cast %swap3A_2151 : vector<16xf32> to vector<16xf32>
    %swap3A_2153 = vector.shape_cast %mul3A_2149 : vector<16xf32> to vector<16xf32>
    tpu.vector_store %arg5[%swap3A_2150], %swap3A_2153 {strides = array<i32>} : memref<4096xf32, #tpu.memory_space<vmem>>, vector<16xf32>,
    %get3A_2154 = arith.constant 3760 : index
    %get3A_2155 = tpu.vector_load %arg5[%get3A_2154] {strides = array<i32>} : memref<4096xf32, #tpu.memory_space<vmem>>, vector<16xf32>,
    %get3A_2156 = vector.shape_cast %get3A_2155 : vector<16xf32> to vector<16xf32>
    %mul3A_2157 = arith.mulf %get3A_2156, %div3A_2129 : vector<16xf32>
    %swap3A_2158 = arith.constant 3760 : index
    %swap3A_2159 = tpu.vector_load %arg5[%swap3A_2158] {strides = array<i32>} : memref<4096xf32, #tpu.memory_space<vmem>>, vector<16xf32>,
    %swap3A_2160 = vector.shape_cast %swap3A_2159 : vector<16xf32> to vector<16xf32>
    %swap3A_2161 = vector.shape_cast %mul3A_2157 : vector<16xf32> to vector<16xf32>
    tpu.vector_store %arg5[%swap3A_2158], %swap3A_2161 {strides = array<i32>} : memref<4096xf32, #tpu.memory_space<vmem>>, vector<16xf32>,
    %get3A_2162 = arith.constant 3776 : index
    %get3A_2163 = tpu.vector_load %arg5[%get3A_2162] {strides = array<i32>} : memref<4096xf32, #tpu.memory_space<vmem>>, vector<16xf32>,
    %get3A_2164 = vector.shape_cast %get3A_2163 : vector<16xf32> to vector<16xf32>
    %mul3A_2165 = arith.mulf %get3A_2164, %div3A_2129 : vector<16xf32>
    %swap3A_2166 = arith.constant 3776 : index
    %swap3A_2167 = tpu.vector_load %arg5[%swap3A_2166] {strides = array<i32>} : memref<4096xf32, #tpu.memory_space<vmem>>, vector<16xf32>,
    %swap3A_2168 = vector.shape_cast %swap3A_2167 : vector<16xf32> to vector<16xf32>
    %swap3A_2169 = vector.shape_cast %mul3A_2165 : vector<16xf32> to vector<16xf32>
    tpu.vector_store %arg5[%swap3A_2166], %swap3A_2169 {strides = array<i32>} : memref<4096xf32, #tpu.memory_space<vmem>>, vector<16xf32>,
    %get3A_2170 = arith.constant 3792 : index
    %get3A_2171 = tpu.vector_load %arg5[%get3A_2170] {strides = array<i32>} : memref<4096xf32, #tpu.memory_space<vmem>>, vector<16xf32>,
    %get3A_2172 = vector.shape_cast %get3A_2171 : vector<16xf32> to vector<16xf32>
    %mul3A_2173 = arith.mulf %get3A_2172, %div3A_2129 : vector<16xf32>
    %swap3A_2174 = arith.constant 3792 : index
    %swap3A_2175 = tpu.vector_load %arg5[%swap3A_2174] {strides = array<i32>} : memref<4096xf32, #tpu.memory_space<vmem>>, vector<16xf32>,
    %swap3A_2176 = vector.shape_cast %swap3A_2175 : vector<16xf32> to vector<16xf32>
    %swap3A_2177 = vector.shape_cast %mul3A_2173 : vector<16xf32> to vector<16xf32>
    tpu.vector_store %arg5[%swap3A_2174], %swap3A_2177 {strides = array<i32>} : memref<4096xf32, #tpu.memory_space<vmem>>, vector<16xf32>,
    %get3A_2178 = arith.constant 3808 : index
    %get3A_2179 = tpu.vector_load %arg5[%get3A_2178] {strides = array<i32>} : memref<4096xf32, #tpu.memory_space<vmem>>, vector<16xf32>,
    %get3A_2180 = vector.shape_cast %get3A_2179 : vector<16xf32> to vector<16xf32>
    %mul3A_2181 = arith.mulf %get3A_2180, %div3A_2129 : vector<16xf32>
    %swap3A_2182 = arith.constant 3808 : index
    %swap3A_2183 = tpu.vector_load %arg5[%swap3A_2182] {strides = array<i32>} : memref<4096xf32, #tpu.memory_space<vmem>>, vector<16xf32>,
    %swap3A_2184 = vector.shape_cast %swap3A_2183 : vector<16xf32> to vector<16xf32>
    %swap3A_2185 = vector.shape_cast %mul3A_2181 : vector<16xf32> to vector<16xf32>
    tpu.vector_store %arg5[%swap3A_2182], %swap3A_2185 {strides = array<i32>} : memref<4096xf32, #tpu.memory_space<vmem>>, vector<16xf32>,
    %get3A_2186 = arith.constant 3824 : index
    %get3A_2187 = tpu.vector_load %arg5[%get3A_2186] {strides = array<i32>} : memref<4096xf32, #tpu.memory_space<vmem>>, vector<16xf32>,
    %get3A_2188 = vector.shape_cast %get3A_2187 : vector<16xf32> to vector<16xf32>
    %mul3A_2189 = arith.mulf %get3A_2188, %div3A_2129 : vector<16xf32>
    %swap3A_2190 = arith.constant 3824 : index
    %swap3A_2191 = tpu.vector_load %arg5[%swap3A_2190] {strides = array<i32>} : memref<4096xf32, #tpu.memory_space<vmem>>, vector<16xf32>,
    %swap3A_2192 = vector.shape_cast %swap3A_2191 : vector<16xf32> to vector<16xf32>
    %swap3A_2193 = vector.shape_cast %mul3A_2189 : vector<16xf32> to vector<16xf32>
    tpu.vector_store %arg5[%swap3A_2190], %swap3A_2193 {strides = array<i32>} : memref<4096xf32, #tpu.memory_space<vmem>>, vector<16xf32>,
    %get3A_2194 = arith.constant 480 : index
    %get3A_2195 = tpu.vector_load %arg6[%get3A_2194] {strides = array<i32>} : memref<512xf32, #tpu.memory_space<vmem>>, vector<16xf32>,
    %get3A_2196 = vector.shape_cast %get3A_2195 : vector<16xf32> to vector<16xf32>
    %add3A_2197 = arith.constant 1.000000e-16 : f32
    %add3A_2198 = vector.broadcast %add3A_2197 : f32 to vector<16xf32>
    %add3A_2199 = arith.addf %get3A_2196, %add3A_2198 : vector<16xf32>
    %div3A_2200 = arith.constant 1.000000e+00 : f32
    %div3A_2201 = vector.broadcast %div3A_2200 : f32 to vector<16xf32>
    %div3A_2202 = arith.divf %div3A_2201, %add3A_2199 : vector<16xf32>
    %get3A_2203 = arith.constant 3840 : index
    %get3A_2204 = tpu.vector_load %arg5[%get3A_2203] {strides = array<i32>} : memref<4096xf32, #tpu.memory_space<vmem>>, vector<16xf32>,
    %get3A_2205 = vector.shape_cast %get3A_2204 : vector<16xf32> to vector<16xf32>
    %mul3A_2206 = arith.mulf %get3A_2205, %div3A_2202 : vector<16xf32>
    %swap3A_2207 = arith.constant 3840 : index
    %swap3A_2208 = tpu.vector_load %arg5[%swap3A_2207] {strides = array<i32>} : memref<4096xf32, #tpu.memory_space<vmem>>, vector<16xf32>,
    %swap3A_2209 = vector.shape_cast %swap3A_2208 : vector<16xf32> to vector<16xf32>
    %swap3A_2210 = vector.shape_cast %mul3A_2206 : vector<16xf32> to vector<16xf32>
    tpu.vector_store %arg5[%swap3A_2207], %swap3A_2210 {strides = array<i32>} : memref<4096xf32, #tpu.memory_space<vmem>>, vector<16xf32>,
    %get3A_2211 = arith.constant 3856 : index
    %get3A_2212 = tpu.vector_load %arg5[%get3A_2211] {strides = array<i32>} : memref<4096xf32, #tpu.memory_space<vmem>>, vector<16xf32>,
    %get3A_2213 = vector.shape_cast %get3A_2212 : vector<16xf32> to vector<16xf32>
    %mul3A_2214 = arith.mulf %get3A_2213, %div3A_2202 : vector<16xf32>
    %swap3A_2215 = arith.constant 3856 : index
    %swap3A_2216 = tpu.vector_load %arg5[%swap3A_2215] {strides = array<i32>} : memref<4096xf32, #tpu.memory_space<vmem>>, vector<16xf32>,
    %swap3A_2217 = vector.shape_cast %swap3A_2216 : vector<16xf32> to vector<16xf32>
    %swap3A_2218 = vector.shape_cast %mul3A_2214 : vector<16xf32> to vector<16xf32>
    tpu.vector_store %arg5[%swap3A_2215], %swap3A_2218 {strides = array<i32>} : memref<4096xf32, #tpu.memory_space<vmem>>, vector<16xf32>,
    %get3A_2219 = arith.constant 3872 : index
    %get3A_2220 = tpu.vector_load %arg5[%get3A_2219] {strides = array<i32>} : memref<4096xf32, #tpu.memory_space<vmem>>, vector<16xf32>,
    %get3A_2221 = vector.shape_cast %get3A_2220 : vector<16xf32> to vector<16xf32>
    %mul3A_2222 = arith.mulf %get3A_2221, %div3A_2202 : vector<16xf32>
    %swap3A_2223 = arith.constant 3872 : index
    %swap3A_2224 = tpu.vector_load %arg5[%swap3A_2223] {strides = array<i32>} : memref<4096xf32, #tpu.memory_space<vmem>>, vector<16xf32>,
    %swap3A_2225 = vector.shape_cast %swap3A_2224 : vector<16xf32> to vector<16xf32>
    %swap3A_2226 = vector.shape_cast %mul3A_2222 : vector<16xf32> to vector<16xf32>
    tpu.vector_store %arg5[%swap3A_2223], %swap3A_2226 {strides = array<i32>} : memref<4096xf32, #tpu.memory_space<vmem>>, vector<16xf32>,
    %get3A_2227 = arith.constant 3888 : index
    %get3A_2228 = tpu.vector_load %arg5[%get3A_2227] {strides = array<i32>} : memref<4096xf32, #tpu.memory_space<vmem>>, vector<16xf32>,
    %get3A_2229 = vector.shape_cast %get3A_2228 : vector<16xf32> to vector<16xf32>
    %mul3A_2230 = arith.mulf %get3A_2229, %div3A_2202 : vector<16xf32>
    %swap3A_2231 = arith.constant 3888 : index
    %swap3A_2232 = tpu.vector_load %arg5[%swap3A_2231] {strides = array<i32>} : memref<4096xf32, #tpu.memory_space<vmem>>, vector<16xf32>,
    %swap3A_2233 = vector.shape_cast %swap3A_2232 : vector<16xf32> to vector<16xf32>
    %swap3A_2234 = vector.shape_cast %mul3A_2230 : vector<16xf32> to vector<16xf32>
    tpu.vector_store %arg5[%swap3A_2231], %swap3A_2234 {strides = array<i32>} : memref<4096xf32, #tpu.memory_space<vmem>>, vector<16xf32>,
    %get3A_2235 = arith.constant 3904 : index
    %get3A_2236 = tpu.vector_load %arg5[%get3A_2235] {strides = array<i32>} : memref<4096xf32, #tpu.memory_space<vmem>>, vector<16xf32>,
    %get3A_2237 = vector.shape_cast %get3A_2236 : vector<16xf32> to vector<16xf32>
    %mul3A_2238 = arith.mulf %get3A_2237, %div3A_2202 : vector<16xf32>
    %swap3A_2239 = arith.constant 3904 : index
    %swap3A_2240 = tpu.vector_load %arg5[%swap3A_2239] {strides = array<i32>} : memref<4096xf32, #tpu.memory_space<vmem>>, vector<16xf32>,
    %swap3A_2241 = vector.shape_cast %swap3A_2240 : vector<16xf32> to vector<16xf32>
    %swap3A_2242 = vector.shape_cast %mul3A_2238 : vector<16xf32> to vector<16xf32>
    tpu.vector_store %arg5[%swap3A_2239], %swap3A_2242 {strides = array<i32>} : memref<4096xf32, #tpu.memory_space<vmem>>, vector<16xf32>,
    %get3A_2243 = arith.constant 3920 : index
    %get3A_2244 = tpu.vector_load %arg5[%get3A_2243] {strides = array<i32>} : memref<4096xf32, #tpu.memory_space<vmem>>, vector<16xf32>,
    %get3A_2245 = vector.shape_cast %get3A_2244 : vector<16xf32> to vector<16xf32>
    %mul3A_2246 = arith.mulf %get3A_2245, %div3A_2202 : vector<16xf32>
    %swap3A_2247 = arith.constant 3920 : index
    %swap3A_2248 = tpu.vector_load %arg5[%swap3A_2247] {strides = array<i32>} : memref<4096xf32, #tpu.memory_space<vmem>>, vector<16xf32>,
    %swap3A_2249 = vector.shape_cast %swap3A_2248 : vector<16xf32> to vector<16xf32>
    %swap3A_2250 = vector.shape_cast %mul3A_2246 : vector<16xf32> to vector<16xf32>
    tpu.vector_store %arg5[%swap3A_2247], %swap3A_2250 {strides = array<i32>} : memref<4096xf32, #tpu.memory_space<vmem>>, vector<16xf32>,
    %get3A_2251 = arith.constant 3936 : index
    %get3A_2252 = tpu.vector_load %arg5[%get3A_2251] {strides = array<i32>} : memref<4096xf32, #tpu.memory_space<vmem>>, vector<16xf32>,
    %get3A_2253 = vector.shape_cast %get3A_2252 : vector<16xf32> to vector<16xf32>
    %mul3A_2254 = arith.mulf %get3A_2253, %div3A_2202 : vector<16xf32>
    %swap3A_2255 = arith.constant 3936 : index
    %swap3A_2256 = tpu.vector_load %arg5[%swap3A_2255] {strides = array<i32>} : memref<4096xf32, #tpu.memory_space<vmem>>, vector<16xf32>,
    %swap3A_2257 = vector.shape_cast %swap3A_2256 : vector<16xf32> to vector<16xf32>
    %swap3A_2258 = vector.shape_cast %mul3A_2254 : vector<16xf32> to vector<16xf32>
    tpu.vector_store %arg5[%swap3A_2255], %swap3A_2258 {strides = array<i32>} : memref<4096xf32, #tpu.memory_space<vmem>>, vector<16xf32>,
    %get3A_2259 = arith.constant 3952 : index
    %get3A_2260 = tpu.vector_load %arg5[%get3A_2259] {strides = array<i32>} : memref<4096xf32, #tpu.memory_space<vmem>>, vector<16xf32>,
    %get3A_2261 = vector.shape_cast %get3A_2260 : vector<16xf32> to vector<16xf32>
    %mul3A_2262 = arith.mulf %get3A_2261, %div3A_2202 : vector<16xf32>
    %swap3A_2263 = arith.constant 3952 : index
    %swap3A_2264 = tpu.vector_load %arg5[%swap3A_2263] {strides = array<i32>} : memref<4096xf32, #tpu.memory_space<vmem>>, vector<16xf32>,
    %swap3A_2265 = vector.shape_cast %swap3A_2264 : vector<16xf32> to vector<16xf32>
    %swap3A_2266 = vector.shape_cast %mul3A_2262 : vector<16xf32> to vector<16xf32>
    tpu.vector_store %arg5[%swap3A_2263], %swap3A_2266 {strides = array<i32>} : memref<4096xf32, #tpu.memory_space<vmem>>, vector<16xf32>,
    %get3A_2267 = arith.constant 496 : index
    %get3A_2268 = tpu.vector_load %arg6[%get3A_2267] {strides = array<i32>} : memref<512xf32, #tpu.memory_space<vmem>>, vector<16xf32>,
    %get3A_2269 = vector.shape_cast %get3A_2268 : vector<16xf32> to vector<16xf32>
    %add3A_2270 = arith.constant 1.000000e-16 : f32
    %add3A_2271 = vector.broadcast %add3A_2270 : f32 to vector<16xf32>
    %add3A_2272 = arith.addf %get3A_2269, %add3A_2271 : vector<16xf32>
    %div3A_2273 = arith.constant 1.000000e+00 : f32
    %div3A_2274 = vector.broadcast %div3A_2273 : f32 to vector<16xf32>
    %div3A_2275 = arith.divf %div3A_2274, %add3A_2272 : vector<16xf32>
    %get3A_2276 = arith.constant 3968 : index
    %get3A_2277 = tpu.vector_load %arg5[%get3A_2276] {strides = array<i32>} : memref<4096xf32, #tpu.memory_space<vmem>>, vector<16xf32>,
    %get3A_2278 = vector.shape_cast %get3A_2277 : vector<16xf32> to vector<16xf32>
    %mul3A_2279 = arith.mulf %get3A_2278, %div3A_2275 : vector<16xf32>
    %swap3A_2280 = arith.constant 3968 : index
    %swap3A_2281 = tpu.vector_load %arg5[%swap3A_2280] {strides = array<i32>} : memref<4096xf32, #tpu.memory_space<vmem>>, vector<16xf32>,
    %swap3A_2282 = vector.shape_cast %swap3A_2281 : vector<16xf32> to vector<16xf32>
    %swap3A_2283 = vector.shape_cast %mul3A_2279 : vector<16xf32> to vector<16xf32>
    tpu.vector_store %arg5[%swap3A_2280], %swap3A_2283 {strides = array<i32>} : memref<4096xf32, #tpu.memory_space<vmem>>, vector<16xf32>,
    %get3A_2284 = arith.constant 3984 : index
    %get3A_2285 = tpu.vector_load %arg5[%get3A_2284] {strides = array<i32>} : memref<4096xf32, #tpu.memory_space<vmem>>, vector<16xf32>,
    %get3A_2286 = vector.shape_cast %get3A_2285 : vector<16xf32> to vector<16xf32>
    %mul3A_2287 = arith.mulf %get3A_2286, %div3A_2275 : vector<16xf32>
    %swap3A_2288 = arith.constant 3984 : index
    %swap3A_2289 = tpu.vector_load %arg5[%swap3A_2288] {strides = array<i32>} : memref<4096xf32, #tpu.memory_space<vmem>>, vector<16xf32>,
    %swap3A_2290 = vector.shape_cast %swap3A_2289 : vector<16xf32> to vector<16xf32>
    %swap3A_2291 = vector.shape_cast %mul3A_2287 : vector<16xf32> to vector<16xf32>
    tpu.vector_store %arg5[%swap3A_2288], %swap3A_2291 {strides = array<i32>} : memref<4096xf32, #tpu.memory_space<vmem>>, vector<16xf32>,
    %get3A_2292 = arith.constant 4000 : index
    %get3A_2293 = tpu.vector_load %arg5[%get3A_2292] {strides = array<i32>} : memref<4096xf32, #tpu.memory_space<vmem>>, vector<16xf32>,
    %get3A_2294 = vector.shape_cast %get3A_2293 : vector<16xf32> to vector<16xf32>
    %mul3A_2295 = arith.mulf %get3A_2294, %div3A_2275 : vector<16xf32>
    %swap3A_2296 = arith.constant 4000 : index
    %swap3A_2297 = tpu.vector_load %arg5[%swap3A_2296] {strides = array<i32>} : memref<4096xf32, #tpu.memory_space<vmem>>, vector<16xf32>,
    %swap3A_2298 = vector.shape_cast %swap3A_2297 : vector<16xf32> to vector<16xf32>
    %swap3A_2299 = vector.shape_cast %mul3A_2295 : vector<16xf32> to vector<16xf32>
    tpu.vector_store %arg5[%swap3A_2296], %swap3A_2299 {strides = array<i32>} : memref<4096xf32, #tpu.memory_space<vmem>>, vector<16xf32>,
    %get3A_2300 = arith.constant 4016 : index
    %get3A_2301 = tpu.vector_load %arg5[%get3A_2300] {strides = array<i32>} : memref<4096xf32, #tpu.memory_space<vmem>>, vector<16xf32>,
    %get3A_2302 = vector.shape_cast %get3A_2301 : vector<16xf32> to vector<16xf32>
    %mul3A_2303 = arith.mulf %get3A_2302, %div3A_2275 : vector<16xf32>
    %swap3A_2304 = arith.constant 4016 : index
    %swap3A_2305 = tpu.vector_load %arg5[%swap3A_2304] {strides = array<i32>} : memref<4096xf32, #tpu.memory_space<vmem>>, vector<16xf32>,
    %swap3A_2306 = vector.shape_cast %swap3A_2305 : vector<16xf32> to vector<16xf32>
    %swap3A_2307 = vector.shape_cast %mul3A_2303 : vector<16xf32> to vector<16xf32>
    tpu.vector_store %arg5[%swap3A_2304], %swap3A_2307 {strides = array<i32>} : memref<4096xf32, #tpu.memory_space<vmem>>, vector<16xf32>,
    %get3A_2308 = arith.constant 4032 : index
    %get3A_2309 = tpu.vector_load %arg5[%get3A_2308] {strides = array<i32>} : memref<4096xf32, #tpu.memory_space<vmem>>, vector<16xf32>,
    %get3A_2310 = vector.shape_cast %get3A_2309 : vector<16xf32> to vector<16xf32>
    %mul3A_2311 = arith.mulf %get3A_2310, %div3A_2275 : vector<16xf32>
    %swap3A_2312 = arith.constant 4032 : index
    %swap3A_2313 = tpu.vector_load %arg5[%swap3A_2312] {strides = array<i32>} : memref<4096xf32, #tpu.memory_space<vmem>>, vector<16xf32>,
    %swap3A_2314 = vector.shape_cast %swap3A_2313 : vector<16xf32> to vector<16xf32>
    %swap3A_2315 = vector.shape_cast %mul3A_2311 : vector<16xf32> to vector<16xf32>
    tpu.vector_store %arg5[%swap3A_2312], %swap3A_2315 {strides = array<i32>} : memref<4096xf32, #tpu.memory_space<vmem>>, vector<16xf32>,
    %get3A_2316 = arith.constant 4048 : index
    %get3A_2317 = tpu.vector_load %arg5[%get3A_2316] {strides = array<i32>} : memref<4096xf32, #tpu.memory_space<vmem>>, vector<16xf32>,
    %get3A_2318 = vector.shape_cast %get3A_2317 : vector<16xf32> to vector<16xf32>
    %mul3A_2319 = arith.mulf %get3A_2318, %div3A_2275 : vector<16xf32>
    %swap3A_2320 = arith.constant 4048 : index
    %swap3A_2321 = tpu.vector_load %arg5[%swap3A_2320] {strides = array<i32>} : memref<4096xf32, #tpu.memory_space<vmem>>, vector<16xf32>,
    %swap3A_2322 = vector.shape_cast %swap3A_2321 : vector<16xf32> to vector<16xf32>
    %swap3A_2323 = vector.shape_cast %mul3A_2319 : vector<16xf32> to vector<16xf32>
    tpu.vector_store %arg5[%swap3A_2320], %swap3A_2323 {strides = array<i32>} : memref<4096xf32, #tpu.memory_space<vmem>>, vector<16xf32>,
    %get3A_2324 = arith.constant 4064 : index
    %get3A_2325 = tpu.vector_load %arg5[%get3A_2324] {strides = array<i32>} : memref<4096xf32, #tpu.memory_space<vmem>>, vector<16xf32>,
    %get3A_2326 = vector.shape_cast %get3A_2325 : vector<16xf32> to vector<16xf32>
    %mul3A_2327 = arith.mulf %get3A_2326, %div3A_2275 : vector<16xf32>
    %swap3A_2328 = arith.constant 4064 : index
    %swap3A_2329 = tpu.vector_load %arg5[%swap3A_2328] {strides = array<i32>} : memref<4096xf32, #tpu.memory_space<vmem>>, vector<16xf32>,
    %swap3A_2330 = vector.shape_cast %swap3A_2329 : vector<16xf32> to vector<16xf32>
    %swap3A_2331 = vector.shape_cast %mul3A_2327 : vector<16xf32> to vector<16xf32>
    tpu.vector_store %arg5[%swap3A_2328], %swap3A_2331 {strides = array<i32>} : memref<4096xf32, #tpu.memory_space<vmem>>, vector<16xf32>,
    %get3A_2332 = arith.constant 4080 : index
    %get3A_2333 = tpu.vector_load %arg5[%get3A_2332] {strides = array<i32>} : memref<4096xf32, #tpu.memory_space<vmem>>, vector<16xf32>,
    %get3A_2334 = vector.shape_cast %get3A_2333 : vector<16xf32> to vector<16xf32>
    %mul3A_2335 = arith.mulf %get3A_2334, %div3A_2275 : vector<16xf32>
    %swap3A_2336 = arith.constant 4080 : index
    %swap3A_2337 = tpu.vector_load %arg5[%swap3A_2336] {strides = array<i32>} : memref<4096xf32, #tpu.memory_space<vmem>>, vector<16xf32>,
    %swap3A_2338 = vector.shape_cast %swap3A_2337 : vector<16xf32> to vector<16xf32>
    %swap3A_2339 = vector.shape_cast %mul3A_2335 : vector<16xf32> to vector<16xf32>
    tpu.vector_store %arg5[%swap3A_2336], %swap3A_2339 {strides = array<i32>} : memref<4096xf32, #tpu.memory_space<vmem>>, vector<16xf32>,
    %mul3A_2340 = arith.constant 128 : i32
    %mul3A_2341 = arith.muli %mul3A_2, %mul3A_2340 : i32
    "tpu.region"() ({
      %run_scoped3A = tpu.sem_alloc : memref<!tpu.dma_semaphore, #tpu.memory_space<semaphore_mem>>
      %dma_start3A = tpu.memref_slice %arg4[%mul3A_2341] : memref<131072xf32, #tpu.memory_space<hbm>> -> memref<4096xf32, #tpu.memory_space<hbm>>
      %dma_start3A_2342 = tpu.memref_slice %arg4[%mul3A_2341] : memref<131072xf32, #tpu.memory_space<hbm>> -> memref<4096xf32, #tpu.memory_space<hbm>>
      tpu.enqueue_dma source(%arg5 : memref<4096xf32, #tpu.memory_space<vmem>>) target(%dma_start3A_2342 : memref<4096xf32, #tpu.memory_space<hbm>>) target_semaphore(%run_scoped3A : memref<!tpu.dma_semaphore, #tpu.memory_space<semaphore_mem>>)
      %dma_wait3A = tpu.memref_slice %arg4[%mul3A_2341] : memref<131072xf32, #tpu.memory_space<hbm>> -> memref<4096xf32, #tpu.memory_space<hbm>>
      %dma_wait3A_2343 = tpu.memref_slice %arg4[%mul3A_2341] : memref<131072xf32, #tpu.memory_space<hbm>> -> memref<4096xf32, #tpu.memory_space<hbm>>
      tpu.wait_dma2 semaphore(%run_scoped3A : memref<!tpu.dma_semaphore, #tpu.memory_space<semaphore_mem>>) src(%arg5 : memref<4096xf32, #tpu.memory_space<vmem>>) dst(%dma_wait3A_2343 : memref<4096xf32, #tpu.memory_space<hbm>>)
      tpu.yield
    }) : () -> ()
    return
  }
}

module attributes {stable_mosaic.version = 14 : i64} {
  func.func @_pool_body(%arg0: i32, %arg1: memref<1x1x12800xi32, #tpu.memory_space<vmem>>, %arg2: memref<12800x128xf32, #tpu.memory_space<vmem>>, %arg3: memref<128x128xf32, #tpu.memory_space<vmem>>, %arg4: memref<1x128xf32, #tpu.memory_space<vmem>>, %arg5: memref<128x1xf32, #tpu.memory_space<vmem>>, %arg6: memref<1024x128xf32, #tpu.memory_space<vmem>>, %arg7: memref<1024x16xf32, #tpu.memory_space<vmem>>) attributes {dimension_semantics = [#tpu.dimension_semantics<arbitrary>], iteration_bounds = array<i64: 25>, scalar_prefetch = 0 : i64, scratch_operands = 0 : i64, tpu.core_type = #tpu.core_type<tc>, window_params = [{transform_indices = @transform_0, window_bounds = array<i64: 1, 1, 12800>}, {transform_indices = @transform_1, window_bounds = array<i64: 12800, 128>}, {pipeline_mode = #tpu.pipeline_mode<synchronous>, transform_indices = @transform_2, window_bounds = array<i64: 128, 128>}, {pipeline_mode = #tpu.pipeline_mode<synchronous>, transform_indices = @transform_3, window_bounds = array<i64: 1, 128>}, {pipeline_mode = #tpu.pipeline_mode<synchronous>, transform_indices = @transform_4, window_bounds = array<i64: 128, 1>}, {pipeline_mode = #tpu.pipeline_mode<synchronous>, transform_indices = @transform_5, window_bounds = array<i64: 1024, 128>}, {pipeline_mode = #tpu.pipeline_mode<synchronous>, transform_indices = @transform_6, window_bounds = array<i64: 1024, 16>}]} {
    %eq3A = arith.constant 0 : i32
    %eq3A_0 = arith.cmpi eq, %arg0, %eq3A : i32
    %convert_element_type3A = arith.extui %eq3A_0 : i1 to i32
    %cond3A = arith.constant 0 : i32
    %cond3A_1 = arith.cmpi ne, %convert_element_type3A, %cond3A : i32
    scf.if %cond3A_1 {
      %broadcast_in_dim3A = arith.constant 0.000000e+00 : f32
      %broadcast_in_dim3A_94 = vector.broadcast %broadcast_in_dim3A : f32 to vector<1024x128xf32>
      %swap3A = arith.constant 0 : index
      %swap3A_95 = arith.constant 0 : index
      %swap3A_96 = vector.load %arg6[%swap3A, %swap3A_95] : memref<1024x128xf32, #tpu.memory_space<vmem>>, vector<1024x128xf32>
      tpu.vector_store %arg6[%swap3A, %swap3A_95], %broadcast_in_dim3A_94 {strides = array<i32>} : memref<1024x128xf32, #tpu.memory_space<vmem>>, vector<1024x128xf32>,
      %broadcast_in_dim3A_97 = arith.constant 0.000000e+00 : f32
      %broadcast_in_dim3A_98 = vector.broadcast %broadcast_in_dim3A_97 : f32 to vector<1024x16xf32>
      %swap3A_99 = arith.constant 0 : index
      %swap3A_100 = arith.constant 0 : index
      %swap3A_101 = vector.load %arg7[%swap3A_99, %swap3A_100] : memref<1024x16xf32, #tpu.memory_space<vmem>>, vector<1024x16xf32>
      tpu.vector_store %arg7[%swap3A_99, %swap3A_100], %broadcast_in_dim3A_98 {strides = array<i32>} : memref<1024x16xf32, #tpu.memory_space<vmem>>, vector<1024x16xf32>,
    } else {
    }
    %get3A = arith.constant 0 : index
    %get3A_2 = arith.constant 0 : index
    %get3A_3 = vector.load %arg2[%get3A, %get3A_2] : memref<12800x128xf32, #tpu.memory_space<vmem>>, vector<12800x128xf32>
    %get3A_4 = arith.constant 0 : index
    %get3A_5 = arith.constant 0 : index
    %get3A_6 = vector.load %arg3[%get3A_4, %get3A_5] : memref<128x128xf32, #tpu.memory_space<vmem>>, vector<128x128xf32>
    %dot_general3A = arith.constant dense<0.000000e+00> : vector<12800x128xf32>
    %dot_general3A_7 = tpu.matmul %get3A_3, %get3A_6, %dot_general3A {dimension_numbers = #tpu.dot_dimension_numbers<[1], [0], [0], [1], [0, 0, 1, 1], [], []>, transpose_lhs_hint = false} : vector<12800x128xf32>, vector<128x128xf32>, vector<12800x128xf32> -> vector<12800x128xf32>
    %get3A_8 = arith.constant 0 : index
    %get3A_9 = arith.constant 0 : index
    %get3A_10 = vector.load %arg4[%get3A_8, %get3A_9] : memref<1x128xf32, #tpu.memory_space<vmem>>, vector<1x128xf32>
    %add3A = vector.broadcast %get3A_10 : vector<1x128xf32> to vector<12800x128xf32>
    %add3A_11 = arith.addf %dot_general3A_7, %add3A : vector<12800x128xf32>
    %tanh3A = math.tanh %add3A_11 : vector<12800x128xf32>
    %get3A_12 = arith.constant 0 : index
    %get3A_13 = arith.constant 0 : index
    %get3A_14 = vector.load %arg5[%get3A_12, %get3A_13] : memref<128x1xf32, #tpu.memory_space<vmem>>, vector<128x1xf32>
    %dot_general3A_15 = arith.constant dense<0.000000e+00> : vector<12800x1xf32>
    %dot_general3A_16 = tpu.matmul %tanh3A, %get3A_14, %dot_general3A_15 {dimension_numbers = #tpu.dot_dimension_numbers<[1], [0], [0], [1], [0, 0, 1, 1], [], []>, transpose_lhs_hint = false} : vector<12800x128xf32>, vector<128x1xf32>, vector<12800x1xf32> -> vector<12800x1xf32>
    %exp3A = math.exp %dot_general3A_16 : vector<12800x1xf32>
    %get3A_17 = arith.constant 0 : index
    %get3A_18 = arith.constant 0 : index
    %get3A_19 = arith.constant 0 : index
    %get3A_20 = vector.load %arg1[%get3A_17, %get3A_18, %get3A_19] : memref<1x1x12800xi32, #tpu.memory_space<vmem>>, vector<1x1x12800xi32>
    %get3A_21 = vector.shape_cast %get3A_20 : vector<1x1x12800xi32> to vector<1x12800xi32>
    %mul3A = vector.broadcast %exp3A : vector<12800x1xf32> to vector<12800x128xf32>
    %mul3A_22 = arith.mulf %get3A_3, %mul3A : vector<12800x128xf32>
    %convert_element_type3A_23 = arith.truncf %mul3A_22 : vector<12800x128xf32> to vector<12800x128xbf16>
    %convert_element_type3A_24 = arith.truncf %exp3A : vector<12800x1xf32> to vector<12800x1xbf16>
    %reduce_min3A = vector.shape_cast %get3A_21 : vector<1x12800xi32> to vector<1x1x12800xi32>
    %reduce_min3A_25 = arith.constant dense<2147483647> : vector<1xi32>
    %reduce_min3A_26 = vector.multi_reduction <minsi>, %reduce_min3A, %reduce_min3A_25 [1, 2] : vector<1x1x12800xi32> to vector<1xi32>
    %reduce_min3A_27 = vector.shape_cast %reduce_min3A_26 : vector<1xi32> to vector<1x1x1xi32>
    %reduce_min3A_28 = vector.extract %reduce_min3A_27[0, 0, 0] : i32 from vector<1x1x1xi32>
    %reduce_max3A = vector.shape_cast %get3A_21 : vector<1x12800xi32> to vector<1x1x12800xi32>
    %reduce_max3A_29 = arith.constant dense<-2147483648> : vector<1xi32>
    %reduce_max3A_30 = vector.multi_reduction <maxsi>, %reduce_max3A, %reduce_max3A_29 [1, 2] : vector<1x1x12800xi32> to vector<1xi32>
    %reduce_max3A_31 = vector.shape_cast %reduce_max3A_30 : vector<1xi32> to vector<1x1x1xi32>
    %reduce_max3A_32 = vector.extract %reduce_max3A_31[0, 0, 0] : i32 from vector<1x1x1xi32>
    %lt3A = arith.constant 128 : i32
    %lt3A_33 = arith.cmpi slt, %reduce_min3A_28, %lt3A : i32
    %ge3A = arith.constant 0 : i32
    %ge3A_34 = arith.cmpi sge, %reduce_max3A_32, %ge3A : i32
    %and3A = arith.andi %lt3A_33, %ge3A_34 : i1
    %convert_element_type3A_35 = arith.extui %and3A : i1 to i32
    %cond3A_36 = arith.constant 0 : i32
    %cond3A_37 = arith.cmpi ne, %convert_element_type3A_35, %cond3A_36 : i32
    scf.if %cond3A_37 {
      %iota3A = tpu.iota {dimensions = array<i32: 0>} : vector<128x12800xi32>
      %add3A_94 = arith.constant 0 : i32
      %add3A_95 = vector.broadcast %add3A_94 : i32 to vector<128x12800xi32>
      %add3A_96 = arith.addi %iota3A, %add3A_95 : vector<128x12800xi32>
      %eq3A_97 = vector.broadcast %get3A_21 : vector<1x12800xi32> to vector<128x12800xi32>
      %eq3A_98 = arith.cmpi eq, %add3A_96, %eq3A_97 : vector<128x12800xi32>
      %convert_element_type3A_99 = arith.extui %eq3A_98 : vector<128x12800xi1> to vector<128x12800xi32>
      %convert_element_type3A_100 = arith.sitofp %convert_element_type3A_99 : vector<128x12800xi32> to vector<128x12800xf32>
      %convert_element_type3A_101 = arith.truncf %convert_element_type3A_100 : vector<128x12800xf32> to vector<128x12800xbf16>
      %get3A_102 = arith.constant 0 : index
      %get3A_103 = arith.constant 0 : index
      %get3A_104 = vector.load %arg6[%get3A_102, %get3A_103] : memref<1024x128xf32, #tpu.memory_space<vmem>>, vector<128x128xf32>
      %dot_general3A_105 = arith.constant dense<0.000000e+00> : vector<128x128xf32>
      %dot_general3A_106 = tpu.matmul %convert_element_type3A_101, %convert_element_type3A_23, %dot_general3A_105 {dimension_numbers = #tpu.dot_dimension_numbers<[1], [0], [0], [1], [0, 0, 1, 1], [], []>, transpose_lhs_hint = false} : vector<128x12800xbf16>, vector<12800x128xbf16>, vector<128x128xf32> -> vector<128x128xf32>
      %add3A_107 = arith.addf %get3A_104, %dot_general3A_106 : vector<128x128xf32>
      %swap3A = arith.constant 0 : index
      %swap3A_108 = arith.constant 0 : index
      %swap3A_109 = vector.load %arg6[%swap3A, %swap3A_108] : memref<1024x128xf32, #tpu.memory_space<vmem>>, vector<128x128xf32>
      tpu.vector_store %arg6[%swap3A, %swap3A_108], %add3A_107 {strides = array<i32>} : memref<1024x128xf32, #tpu.memory_space<vmem>>, vector<128x128xf32>,
      %dot_general3A_110 = arith.constant dense<0.000000e+00> : vector<128x1xf32>
      %dot_general3A_111 = tpu.matmul %convert_element_type3A_101, %convert_element_type3A_24, %dot_general3A_110 {dimension_numbers = #tpu.dot_dimension_numbers<[1], [0], [0], [1], [0, 0, 1, 1], [], []>, transpose_lhs_hint = false} : vector<128x12800xbf16>, vector<12800x1xbf16>, vector<128x1xf32> -> vector<128x1xf32>
      %get3A_112 = arith.constant 0 : index
      %get3A_113 = arith.constant 0 : index
      %get3A_114 = vector.load %arg7[%get3A_112, %get3A_113] : memref<1024x16xf32, #tpu.memory_space<vmem>>, vector<128x16xf32>
      %broadcast_in_dim3A = vector.shape_cast %dot_general3A_111 : vector<128x1xf32> to vector<128x1xf32>
      %broadcast_in_dim3A_115 = vector.broadcast %broadcast_in_dim3A : vector<128x1xf32> to vector<128x16xf32>
      %add3A_116 = arith.addf %get3A_114, %broadcast_in_dim3A_115 : vector<128x16xf32>
      %swap3A_117 = arith.constant 0 : index
      %swap3A_118 = arith.constant 0 : index
      %swap3A_119 = vector.load %arg7[%swap3A_117, %swap3A_118] : memref<1024x16xf32, #tpu.memory_space<vmem>>, vector<128x16xf32>
      tpu.vector_store %arg7[%swap3A_117, %swap3A_118], %add3A_116 {strides = array<i32>} : memref<1024x16xf32, #tpu.memory_space<vmem>>, vector<128x16xf32>,
    } else {
    }
    %lt3A_38 = arith.constant 256 : i32
    %lt3A_39 = arith.cmpi slt, %reduce_min3A_28, %lt3A_38 : i32
    %ge3A_40 = arith.constant 128 : i32
    %ge3A_41 = arith.cmpi sge, %reduce_max3A_32, %ge3A_40 : i32
    %and3A_42 = arith.andi %lt3A_39, %ge3A_41 : i1
    %convert_element_type3A_43 = arith.extui %and3A_42 : i1 to i32
    %cond3A_44 = arith.constant 0 : i32
    %cond3A_45 = arith.cmpi ne, %convert_element_type3A_43, %cond3A_44 : i32
    scf.if %cond3A_45 {
      %iota3A = tpu.iota {dimensions = array<i32: 0>} : vector<128x12800xi32>
      %add3A_94 = arith.constant 128 : i32
      %add3A_95 = vector.broadcast %add3A_94 : i32 to vector<128x12800xi32>
      %add3A_96 = arith.addi %iota3A, %add3A_95 : vector<128x12800xi32>
      %eq3A_97 = vector.broadcast %get3A_21 : vector<1x12800xi32> to vector<128x12800xi32>
      %eq3A_98 = arith.cmpi eq, %add3A_96, %eq3A_97 : vector<128x12800xi32>
      %convert_element_type3A_99 = arith.extui %eq3A_98 : vector<128x12800xi1> to vector<128x12800xi32>
      %convert_element_type3A_100 = arith.sitofp %convert_element_type3A_99 : vector<128x12800xi32> to vector<128x12800xf32>
      %convert_element_type3A_101 = arith.truncf %convert_element_type3A_100 : vector<128x12800xf32> to vector<128x12800xbf16>
      %get3A_102 = arith.constant 128 : index
      %get3A_103 = arith.constant 0 : index
      %get3A_104 = vector.load %arg6[%get3A_102, %get3A_103] : memref<1024x128xf32, #tpu.memory_space<vmem>>, vector<128x128xf32>
      %dot_general3A_105 = arith.constant dense<0.000000e+00> : vector<128x128xf32>
      %dot_general3A_106 = tpu.matmul %convert_element_type3A_101, %convert_element_type3A_23, %dot_general3A_105 {dimension_numbers = #tpu.dot_dimension_numbers<[1], [0], [0], [1], [0, 0, 1, 1], [], []>, transpose_lhs_hint = false} : vector<128x12800xbf16>, vector<12800x128xbf16>, vector<128x128xf32> -> vector<128x128xf32>
      %add3A_107 = arith.addf %get3A_104, %dot_general3A_106 : vector<128x128xf32>
      %swap3A = arith.constant 128 : index
      %swap3A_108 = arith.constant 0 : index
      %swap3A_109 = vector.load %arg6[%swap3A, %swap3A_108] : memref<1024x128xf32, #tpu.memory_space<vmem>>, vector<128x128xf32>
      tpu.vector_store %arg6[%swap3A, %swap3A_108], %add3A_107 {strides = array<i32>} : memref<1024x128xf32, #tpu.memory_space<vmem>>, vector<128x128xf32>,
      %dot_general3A_110 = arith.constant dense<0.000000e+00> : vector<128x1xf32>
      %dot_general3A_111 = tpu.matmul %convert_element_type3A_101, %convert_element_type3A_24, %dot_general3A_110 {dimension_numbers = #tpu.dot_dimension_numbers<[1], [0], [0], [1], [0, 0, 1, 1], [], []>, transpose_lhs_hint = false} : vector<128x12800xbf16>, vector<12800x1xbf16>, vector<128x1xf32> -> vector<128x1xf32>
      %get3A_112 = arith.constant 128 : index
      %get3A_113 = arith.constant 0 : index
      %get3A_114 = vector.load %arg7[%get3A_112, %get3A_113] : memref<1024x16xf32, #tpu.memory_space<vmem>>, vector<128x16xf32>
      %broadcast_in_dim3A = vector.shape_cast %dot_general3A_111 : vector<128x1xf32> to vector<128x1xf32>
      %broadcast_in_dim3A_115 = vector.broadcast %broadcast_in_dim3A : vector<128x1xf32> to vector<128x16xf32>
      %add3A_116 = arith.addf %get3A_114, %broadcast_in_dim3A_115 : vector<128x16xf32>
      %swap3A_117 = arith.constant 128 : index
      %swap3A_118 = arith.constant 0 : index
      %swap3A_119 = vector.load %arg7[%swap3A_117, %swap3A_118] : memref<1024x16xf32, #tpu.memory_space<vmem>>, vector<128x16xf32>
      tpu.vector_store %arg7[%swap3A_117, %swap3A_118], %add3A_116 {strides = array<i32>} : memref<1024x16xf32, #tpu.memory_space<vmem>>, vector<128x16xf32>,
    } else {
    }
    %lt3A_46 = arith.constant 384 : i32
    %lt3A_47 = arith.cmpi slt, %reduce_min3A_28, %lt3A_46 : i32
    %ge3A_48 = arith.constant 256 : i32
    %ge3A_49 = arith.cmpi sge, %reduce_max3A_32, %ge3A_48 : i32
    %and3A_50 = arith.andi %lt3A_47, %ge3A_49 : i1
    %convert_element_type3A_51 = arith.extui %and3A_50 : i1 to i32
    %cond3A_52 = arith.constant 0 : i32
    %cond3A_53 = arith.cmpi ne, %convert_element_type3A_51, %cond3A_52 : i32
    scf.if %cond3A_53 {
      %iota3A = tpu.iota {dimensions = array<i32: 0>} : vector<128x12800xi32>
      %add3A_94 = arith.constant 256 : i32
      %add3A_95 = vector.broadcast %add3A_94 : i32 to vector<128x12800xi32>
      %add3A_96 = arith.addi %iota3A, %add3A_95 : vector<128x12800xi32>
      %eq3A_97 = vector.broadcast %get3A_21 : vector<1x12800xi32> to vector<128x12800xi32>
      %eq3A_98 = arith.cmpi eq, %add3A_96, %eq3A_97 : vector<128x12800xi32>
      %convert_element_type3A_99 = arith.extui %eq3A_98 : vector<128x12800xi1> to vector<128x12800xi32>
      %convert_element_type3A_100 = arith.sitofp %convert_element_type3A_99 : vector<128x12800xi32> to vector<128x12800xf32>
      %convert_element_type3A_101 = arith.truncf %convert_element_type3A_100 : vector<128x12800xf32> to vector<128x12800xbf16>
      %get3A_102 = arith.constant 256 : index
      %get3A_103 = arith.constant 0 : index
      %get3A_104 = vector.load %arg6[%get3A_102, %get3A_103] : memref<1024x128xf32, #tpu.memory_space<vmem>>, vector<128x128xf32>
      %dot_general3A_105 = arith.constant dense<0.000000e+00> : vector<128x128xf32>
      %dot_general3A_106 = tpu.matmul %convert_element_type3A_101, %convert_element_type3A_23, %dot_general3A_105 {dimension_numbers = #tpu.dot_dimension_numbers<[1], [0], [0], [1], [0, 0, 1, 1], [], []>, transpose_lhs_hint = false} : vector<128x12800xbf16>, vector<12800x128xbf16>, vector<128x128xf32> -> vector<128x128xf32>
      %add3A_107 = arith.addf %get3A_104, %dot_general3A_106 : vector<128x128xf32>
      %swap3A = arith.constant 256 : index
      %swap3A_108 = arith.constant 0 : index
      %swap3A_109 = vector.load %arg6[%swap3A, %swap3A_108] : memref<1024x128xf32, #tpu.memory_space<vmem>>, vector<128x128xf32>
      tpu.vector_store %arg6[%swap3A, %swap3A_108], %add3A_107 {strides = array<i32>} : memref<1024x128xf32, #tpu.memory_space<vmem>>, vector<128x128xf32>,
      %dot_general3A_110 = arith.constant dense<0.000000e+00> : vector<128x1xf32>
      %dot_general3A_111 = tpu.matmul %convert_element_type3A_101, %convert_element_type3A_24, %dot_general3A_110 {dimension_numbers = #tpu.dot_dimension_numbers<[1], [0], [0], [1], [0, 0, 1, 1], [], []>, transpose_lhs_hint = false} : vector<128x12800xbf16>, vector<12800x1xbf16>, vector<128x1xf32> -> vector<128x1xf32>
      %get3A_112 = arith.constant 256 : index
      %get3A_113 = arith.constant 0 : index
      %get3A_114 = vector.load %arg7[%get3A_112, %get3A_113] : memref<1024x16xf32, #tpu.memory_space<vmem>>, vector<128x16xf32>
      %broadcast_in_dim3A = vector.shape_cast %dot_general3A_111 : vector<128x1xf32> to vector<128x1xf32>
      %broadcast_in_dim3A_115 = vector.broadcast %broadcast_in_dim3A : vector<128x1xf32> to vector<128x16xf32>
      %add3A_116 = arith.addf %get3A_114, %broadcast_in_dim3A_115 : vector<128x16xf32>
      %swap3A_117 = arith.constant 256 : index
      %swap3A_118 = arith.constant 0 : index
      %swap3A_119 = vector.load %arg7[%swap3A_117, %swap3A_118] : memref<1024x16xf32, #tpu.memory_space<vmem>>, vector<128x16xf32>
      tpu.vector_store %arg7[%swap3A_117, %swap3A_118], %add3A_116 {strides = array<i32>} : memref<1024x16xf32, #tpu.memory_space<vmem>>, vector<128x16xf32>,
    } else {
    }
    %lt3A_54 = arith.constant 512 : i32
    %lt3A_55 = arith.cmpi slt, %reduce_min3A_28, %lt3A_54 : i32
    %ge3A_56 = arith.constant 384 : i32
    %ge3A_57 = arith.cmpi sge, %reduce_max3A_32, %ge3A_56 : i32
    %and3A_58 = arith.andi %lt3A_55, %ge3A_57 : i1
    %convert_element_type3A_59 = arith.extui %and3A_58 : i1 to i32
    %cond3A_60 = arith.constant 0 : i32
    %cond3A_61 = arith.cmpi ne, %convert_element_type3A_59, %cond3A_60 : i32
    scf.if %cond3A_61 {
      %iota3A = tpu.iota {dimensions = array<i32: 0>} : vector<128x12800xi32>
      %add3A_94 = arith.constant 384 : i32
      %add3A_95 = vector.broadcast %add3A_94 : i32 to vector<128x12800xi32>
      %add3A_96 = arith.addi %iota3A, %add3A_95 : vector<128x12800xi32>
      %eq3A_97 = vector.broadcast %get3A_21 : vector<1x12800xi32> to vector<128x12800xi32>
      %eq3A_98 = arith.cmpi eq, %add3A_96, %eq3A_97 : vector<128x12800xi32>
      %convert_element_type3A_99 = arith.extui %eq3A_98 : vector<128x12800xi1> to vector<128x12800xi32>
      %convert_element_type3A_100 = arith.sitofp %convert_element_type3A_99 : vector<128x12800xi32> to vector<128x12800xf32>
      %convert_element_type3A_101 = arith.truncf %convert_element_type3A_100 : vector<128x12800xf32> to vector<128x12800xbf16>
      %get3A_102 = arith.constant 384 : index
      %get3A_103 = arith.constant 0 : index
      %get3A_104 = vector.load %arg6[%get3A_102, %get3A_103] : memref<1024x128xf32, #tpu.memory_space<vmem>>, vector<128x128xf32>
      %dot_general3A_105 = arith.constant dense<0.000000e+00> : vector<128x128xf32>
      %dot_general3A_106 = tpu.matmul %convert_element_type3A_101, %convert_element_type3A_23, %dot_general3A_105 {dimension_numbers = #tpu.dot_dimension_numbers<[1], [0], [0], [1], [0, 0, 1, 1], [], []>, transpose_lhs_hint = false} : vector<128x12800xbf16>, vector<12800x128xbf16>, vector<128x128xf32> -> vector<128x128xf32>
      %add3A_107 = arith.addf %get3A_104, %dot_general3A_106 : vector<128x128xf32>
      %swap3A = arith.constant 384 : index
      %swap3A_108 = arith.constant 0 : index
      %swap3A_109 = vector.load %arg6[%swap3A, %swap3A_108] : memref<1024x128xf32, #tpu.memory_space<vmem>>, vector<128x128xf32>
      tpu.vector_store %arg6[%swap3A, %swap3A_108], %add3A_107 {strides = array<i32>} : memref<1024x128xf32, #tpu.memory_space<vmem>>, vector<128x128xf32>,
      %dot_general3A_110 = arith.constant dense<0.000000e+00> : vector<128x1xf32>
      %dot_general3A_111 = tpu.matmul %convert_element_type3A_101, %convert_element_type3A_24, %dot_general3A_110 {dimension_numbers = #tpu.dot_dimension_numbers<[1], [0], [0], [1], [0, 0, 1, 1], [], []>, transpose_lhs_hint = false} : vector<128x12800xbf16>, vector<12800x1xbf16>, vector<128x1xf32> -> vector<128x1xf32>
      %get3A_112 = arith.constant 384 : index
      %get3A_113 = arith.constant 0 : index
      %get3A_114 = vector.load %arg7[%get3A_112, %get3A_113] : memref<1024x16xf32, #tpu.memory_space<vmem>>, vector<128x16xf32>
      %broadcast_in_dim3A = vector.shape_cast %dot_general3A_111 : vector<128x1xf32> to vector<128x1xf32>
      %broadcast_in_dim3A_115 = vector.broadcast %broadcast_in_dim3A : vector<128x1xf32> to vector<128x16xf32>
      %add3A_116 = arith.addf %get3A_114, %broadcast_in_dim3A_115 : vector<128x16xf32>
      %swap3A_117 = arith.constant 384 : index
      %swap3A_118 = arith.constant 0 : index
      %swap3A_119 = vector.load %arg7[%swap3A_117, %swap3A_118] : memref<1024x16xf32, #tpu.memory_space<vmem>>, vector<128x16xf32>
      tpu.vector_store %arg7[%swap3A_117, %swap3A_118], %add3A_116 {strides = array<i32>} : memref<1024x16xf32, #tpu.memory_space<vmem>>, vector<128x16xf32>,
    } else {
    }
    %lt3A_62 = arith.constant 640 : i32
    %lt3A_63 = arith.cmpi slt, %reduce_min3A_28, %lt3A_62 : i32
    %ge3A_64 = arith.constant 512 : i32
    %ge3A_65 = arith.cmpi sge, %reduce_max3A_32, %ge3A_64 : i32
    %and3A_66 = arith.andi %lt3A_63, %ge3A_65 : i1
    %convert_element_type3A_67 = arith.extui %and3A_66 : i1 to i32
    %cond3A_68 = arith.constant 0 : i32
    %cond3A_69 = arith.cmpi ne, %convert_element_type3A_67, %cond3A_68 : i32
    scf.if %cond3A_69 {
      %iota3A = tpu.iota {dimensions = array<i32: 0>} : vector<128x12800xi32>
      %add3A_94 = arith.constant 512 : i32
      %add3A_95 = vector.broadcast %add3A_94 : i32 to vector<128x12800xi32>
      %add3A_96 = arith.addi %iota3A, %add3A_95 : vector<128x12800xi32>
      %eq3A_97 = vector.broadcast %get3A_21 : vector<1x12800xi32> to vector<128x12800xi32>
      %eq3A_98 = arith.cmpi eq, %add3A_96, %eq3A_97 : vector<128x12800xi32>
      %convert_element_type3A_99 = arith.extui %eq3A_98 : vector<128x12800xi1> to vector<128x12800xi32>
      %convert_element_type3A_100 = arith.sitofp %convert_element_type3A_99 : vector<128x12800xi32> to vector<128x12800xf32>
      %convert_element_type3A_101 = arith.truncf %convert_element_type3A_100 : vector<128x12800xf32> to vector<128x12800xbf16>
      %get3A_102 = arith.constant 512 : index
      %get3A_103 = arith.constant 0 : index
      %get3A_104 = vector.load %arg6[%get3A_102, %get3A_103] : memref<1024x128xf32, #tpu.memory_space<vmem>>, vector<128x128xf32>
      %dot_general3A_105 = arith.constant dense<0.000000e+00> : vector<128x128xf32>
      %dot_general3A_106 = tpu.matmul %convert_element_type3A_101, %convert_element_type3A_23, %dot_general3A_105 {dimension_numbers = #tpu.dot_dimension_numbers<[1], [0], [0], [1], [0, 0, 1, 1], [], []>, transpose_lhs_hint = false} : vector<128x12800xbf16>, vector<12800x128xbf16>, vector<128x128xf32> -> vector<128x128xf32>
      %add3A_107 = arith.addf %get3A_104, %dot_general3A_106 : vector<128x128xf32>
      %swap3A = arith.constant 512 : index
      %swap3A_108 = arith.constant 0 : index
      %swap3A_109 = vector.load %arg6[%swap3A, %swap3A_108] : memref<1024x128xf32, #tpu.memory_space<vmem>>, vector<128x128xf32>
      tpu.vector_store %arg6[%swap3A, %swap3A_108], %add3A_107 {strides = array<i32>} : memref<1024x128xf32, #tpu.memory_space<vmem>>, vector<128x128xf32>,
      %dot_general3A_110 = arith.constant dense<0.000000e+00> : vector<128x1xf32>
      %dot_general3A_111 = tpu.matmul %convert_element_type3A_101, %convert_element_type3A_24, %dot_general3A_110 {dimension_numbers = #tpu.dot_dimension_numbers<[1], [0], [0], [1], [0, 0, 1, 1], [], []>, transpose_lhs_hint = false} : vector<128x12800xbf16>, vector<12800x1xbf16>, vector<128x1xf32> -> vector<128x1xf32>
      %get3A_112 = arith.constant 512 : index
      %get3A_113 = arith.constant 0 : index
      %get3A_114 = vector.load %arg7[%get3A_112, %get3A_113] : memref<1024x16xf32, #tpu.memory_space<vmem>>, vector<128x16xf32>
      %broadcast_in_dim3A = vector.shape_cast %dot_general3A_111 : vector<128x1xf32> to vector<128x1xf32>
      %broadcast_in_dim3A_115 = vector.broadcast %broadcast_in_dim3A : vector<128x1xf32> to vector<128x16xf32>
      %add3A_116 = arith.addf %get3A_114, %broadcast_in_dim3A_115 : vector<128x16xf32>
      %swap3A_117 = arith.constant 512 : index
      %swap3A_118 = arith.constant 0 : index
      %swap3A_119 = vector.load %arg7[%swap3A_117, %swap3A_118] : memref<1024x16xf32, #tpu.memory_space<vmem>>, vector<128x16xf32>
      tpu.vector_store %arg7[%swap3A_117, %swap3A_118], %add3A_116 {strides = array<i32>} : memref<1024x16xf32, #tpu.memory_space<vmem>>, vector<128x16xf32>,
    } else {
    }
    %lt3A_70 = arith.constant 768 : i32
    %lt3A_71 = arith.cmpi slt, %reduce_min3A_28, %lt3A_70 : i32
    %ge3A_72 = arith.constant 640 : i32
    %ge3A_73 = arith.cmpi sge, %reduce_max3A_32, %ge3A_72 : i32
    %and3A_74 = arith.andi %lt3A_71, %ge3A_73 : i1
    %convert_element_type3A_75 = arith.extui %and3A_74 : i1 to i32
    %cond3A_76 = arith.constant 0 : i32
    %cond3A_77 = arith.cmpi ne, %convert_element_type3A_75, %cond3A_76 : i32
    scf.if %cond3A_77 {
      %iota3A = tpu.iota {dimensions = array<i32: 0>} : vector<128x12800xi32>
      %add3A_94 = arith.constant 640 : i32
      %add3A_95 = vector.broadcast %add3A_94 : i32 to vector<128x12800xi32>
      %add3A_96 = arith.addi %iota3A, %add3A_95 : vector<128x12800xi32>
      %eq3A_97 = vector.broadcast %get3A_21 : vector<1x12800xi32> to vector<128x12800xi32>
      %eq3A_98 = arith.cmpi eq, %add3A_96, %eq3A_97 : vector<128x12800xi32>
      %convert_element_type3A_99 = arith.extui %eq3A_98 : vector<128x12800xi1> to vector<128x12800xi32>
      %convert_element_type3A_100 = arith.sitofp %convert_element_type3A_99 : vector<128x12800xi32> to vector<128x12800xf32>
      %convert_element_type3A_101 = arith.truncf %convert_element_type3A_100 : vector<128x12800xf32> to vector<128x12800xbf16>
      %get3A_102 = arith.constant 640 : index
      %get3A_103 = arith.constant 0 : index
      %get3A_104 = vector.load %arg6[%get3A_102, %get3A_103] : memref<1024x128xf32, #tpu.memory_space<vmem>>, vector<128x128xf32>
      %dot_general3A_105 = arith.constant dense<0.000000e+00> : vector<128x128xf32>
      %dot_general3A_106 = tpu.matmul %convert_element_type3A_101, %convert_element_type3A_23, %dot_general3A_105 {dimension_numbers = #tpu.dot_dimension_numbers<[1], [0], [0], [1], [0, 0, 1, 1], [], []>, transpose_lhs_hint = false} : vector<128x12800xbf16>, vector<12800x128xbf16>, vector<128x128xf32> -> vector<128x128xf32>
      %add3A_107 = arith.addf %get3A_104, %dot_general3A_106 : vector<128x128xf32>
      %swap3A = arith.constant 640 : index
      %swap3A_108 = arith.constant 0 : index
      %swap3A_109 = vector.load %arg6[%swap3A, %swap3A_108] : memref<1024x128xf32, #tpu.memory_space<vmem>>, vector<128x128xf32>
      tpu.vector_store %arg6[%swap3A, %swap3A_108], %add3A_107 {strides = array<i32>} : memref<1024x128xf32, #tpu.memory_space<vmem>>, vector<128x128xf32>,
      %dot_general3A_110 = arith.constant dense<0.000000e+00> : vector<128x1xf32>
      %dot_general3A_111 = tpu.matmul %convert_element_type3A_101, %convert_element_type3A_24, %dot_general3A_110 {dimension_numbers = #tpu.dot_dimension_numbers<[1], [0], [0], [1], [0, 0, 1, 1], [], []>, transpose_lhs_hint = false} : vector<128x12800xbf16>, vector<12800x1xbf16>, vector<128x1xf32> -> vector<128x1xf32>
      %get3A_112 = arith.constant 640 : index
      %get3A_113 = arith.constant 0 : index
      %get3A_114 = vector.load %arg7[%get3A_112, %get3A_113] : memref<1024x16xf32, #tpu.memory_space<vmem>>, vector<128x16xf32>
      %broadcast_in_dim3A = vector.shape_cast %dot_general3A_111 : vector<128x1xf32> to vector<128x1xf32>
      %broadcast_in_dim3A_115 = vector.broadcast %broadcast_in_dim3A : vector<128x1xf32> to vector<128x16xf32>
      %add3A_116 = arith.addf %get3A_114, %broadcast_in_dim3A_115 : vector<128x16xf32>
      %swap3A_117 = arith.constant 640 : index
      %swap3A_118 = arith.constant 0 : index
      %swap3A_119 = vector.load %arg7[%swap3A_117, %swap3A_118] : memref<1024x16xf32, #tpu.memory_space<vmem>>, vector<128x16xf32>
      tpu.vector_store %arg7[%swap3A_117, %swap3A_118], %add3A_116 {strides = array<i32>} : memref<1024x16xf32, #tpu.memory_space<vmem>>, vector<128x16xf32>,
    } else {
    }
    %lt3A_78 = arith.constant 896 : i32
    %lt3A_79 = arith.cmpi slt, %reduce_min3A_28, %lt3A_78 : i32
    %ge3A_80 = arith.constant 768 : i32
    %ge3A_81 = arith.cmpi sge, %reduce_max3A_32, %ge3A_80 : i32
    %and3A_82 = arith.andi %lt3A_79, %ge3A_81 : i1
    %convert_element_type3A_83 = arith.extui %and3A_82 : i1 to i32
    %cond3A_84 = arith.constant 0 : i32
    %cond3A_85 = arith.cmpi ne, %convert_element_type3A_83, %cond3A_84 : i32
    scf.if %cond3A_85 {
      %iota3A = tpu.iota {dimensions = array<i32: 0>} : vector<128x12800xi32>
      %add3A_94 = arith.constant 768 : i32
      %add3A_95 = vector.broadcast %add3A_94 : i32 to vector<128x12800xi32>
      %add3A_96 = arith.addi %iota3A, %add3A_95 : vector<128x12800xi32>
      %eq3A_97 = vector.broadcast %get3A_21 : vector<1x12800xi32> to vector<128x12800xi32>
      %eq3A_98 = arith.cmpi eq, %add3A_96, %eq3A_97 : vector<128x12800xi32>
      %convert_element_type3A_99 = arith.extui %eq3A_98 : vector<128x12800xi1> to vector<128x12800xi32>
      %convert_element_type3A_100 = arith.sitofp %convert_element_type3A_99 : vector<128x12800xi32> to vector<128x12800xf32>
      %convert_element_type3A_101 = arith.truncf %convert_element_type3A_100 : vector<128x12800xf32> to vector<128x12800xbf16>
      %get3A_102 = arith.constant 768 : index
      %get3A_103 = arith.constant 0 : index
      %get3A_104 = vector.load %arg6[%get3A_102, %get3A_103] : memref<1024x128xf32, #tpu.memory_space<vmem>>, vector<128x128xf32>
      %dot_general3A_105 = arith.constant dense<0.000000e+00> : vector<128x128xf32>
      %dot_general3A_106 = tpu.matmul %convert_element_type3A_101, %convert_element_type3A_23, %dot_general3A_105 {dimension_numbers = #tpu.dot_dimension_numbers<[1], [0], [0], [1], [0, 0, 1, 1], [], []>, transpose_lhs_hint = false} : vector<128x12800xbf16>, vector<12800x128xbf16>, vector<128x128xf32> -> vector<128x128xf32>
      %add3A_107 = arith.addf %get3A_104, %dot_general3A_106 : vector<128x128xf32>
      %swap3A = arith.constant 768 : index
      %swap3A_108 = arith.constant 0 : index
      %swap3A_109 = vector.load %arg6[%swap3A, %swap3A_108] : memref<1024x128xf32, #tpu.memory_space<vmem>>, vector<128x128xf32>
      tpu.vector_store %arg6[%swap3A, %swap3A_108], %add3A_107 {strides = array<i32>} : memref<1024x128xf32, #tpu.memory_space<vmem>>, vector<128x128xf32>,
      %dot_general3A_110 = arith.constant dense<0.000000e+00> : vector<128x1xf32>
      %dot_general3A_111 = tpu.matmul %convert_element_type3A_101, %convert_element_type3A_24, %dot_general3A_110 {dimension_numbers = #tpu.dot_dimension_numbers<[1], [0], [0], [1], [0, 0, 1, 1], [], []>, transpose_lhs_hint = false} : vector<128x12800xbf16>, vector<12800x1xbf16>, vector<128x1xf32> -> vector<128x1xf32>
      %get3A_112 = arith.constant 768 : index
      %get3A_113 = arith.constant 0 : index
      %get3A_114 = vector.load %arg7[%get3A_112, %get3A_113] : memref<1024x16xf32, #tpu.memory_space<vmem>>, vector<128x16xf32>
      %broadcast_in_dim3A = vector.shape_cast %dot_general3A_111 : vector<128x1xf32> to vector<128x1xf32>
      %broadcast_in_dim3A_115 = vector.broadcast %broadcast_in_dim3A : vector<128x1xf32> to vector<128x16xf32>
      %add3A_116 = arith.addf %get3A_114, %broadcast_in_dim3A_115 : vector<128x16xf32>
      %swap3A_117 = arith.constant 768 : index
      %swap3A_118 = arith.constant 0 : index
      %swap3A_119 = vector.load %arg7[%swap3A_117, %swap3A_118] : memref<1024x16xf32, #tpu.memory_space<vmem>>, vector<128x16xf32>
      tpu.vector_store %arg7[%swap3A_117, %swap3A_118], %add3A_116 {strides = array<i32>} : memref<1024x16xf32, #tpu.memory_space<vmem>>, vector<128x16xf32>,
    } else {
    }
    %lt3A_86 = arith.constant 1024 : i32
    %lt3A_87 = arith.cmpi slt, %reduce_min3A_28, %lt3A_86 : i32
    %ge3A_88 = arith.constant 896 : i32
    %ge3A_89 = arith.cmpi sge, %reduce_max3A_32, %ge3A_88 : i32
    %and3A_90 = arith.andi %lt3A_87, %ge3A_89 : i1
    %convert_element_type3A_91 = arith.extui %and3A_90 : i1 to i32
    %cond3A_92 = arith.constant 0 : i32
    %cond3A_93 = arith.cmpi ne, %convert_element_type3A_91, %cond3A_92 : i32
    scf.if %cond3A_93 {
      %iota3A = tpu.iota {dimensions = array<i32: 0>} : vector<128x12800xi32>
      %add3A_94 = arith.constant 896 : i32
      %add3A_95 = vector.broadcast %add3A_94 : i32 to vector<128x12800xi32>
      %add3A_96 = arith.addi %iota3A, %add3A_95 : vector<128x12800xi32>
      %eq3A_97 = vector.broadcast %get3A_21 : vector<1x12800xi32> to vector<128x12800xi32>
      %eq3A_98 = arith.cmpi eq, %add3A_96, %eq3A_97 : vector<128x12800xi32>
      %convert_element_type3A_99 = arith.extui %eq3A_98 : vector<128x12800xi1> to vector<128x12800xi32>
      %convert_element_type3A_100 = arith.sitofp %convert_element_type3A_99 : vector<128x12800xi32> to vector<128x12800xf32>
      %convert_element_type3A_101 = arith.truncf %convert_element_type3A_100 : vector<128x12800xf32> to vector<128x12800xbf16>
      %get3A_102 = arith.constant 896 : index
      %get3A_103 = arith.constant 0 : index
      %get3A_104 = vector.load %arg6[%get3A_102, %get3A_103] : memref<1024x128xf32, #tpu.memory_space<vmem>>, vector<128x128xf32>
      %dot_general3A_105 = arith.constant dense<0.000000e+00> : vector<128x128xf32>
      %dot_general3A_106 = tpu.matmul %convert_element_type3A_101, %convert_element_type3A_23, %dot_general3A_105 {dimension_numbers = #tpu.dot_dimension_numbers<[1], [0], [0], [1], [0, 0, 1, 1], [], []>, transpose_lhs_hint = false} : vector<128x12800xbf16>, vector<12800x128xbf16>, vector<128x128xf32> -> vector<128x128xf32>
      %add3A_107 = arith.addf %get3A_104, %dot_general3A_106 : vector<128x128xf32>
      %swap3A = arith.constant 896 : index
      %swap3A_108 = arith.constant 0 : index
      %swap3A_109 = vector.load %arg6[%swap3A, %swap3A_108] : memref<1024x128xf32, #tpu.memory_space<vmem>>, vector<128x128xf32>
      tpu.vector_store %arg6[%swap3A, %swap3A_108], %add3A_107 {strides = array<i32>} : memref<1024x128xf32, #tpu.memory_space<vmem>>, vector<128x128xf32>,
      %dot_general3A_110 = arith.constant dense<0.000000e+00> : vector<128x1xf32>
      %dot_general3A_111 = tpu.matmul %convert_element_type3A_101, %convert_element_type3A_24, %dot_general3A_110 {dimension_numbers = #tpu.dot_dimension_numbers<[1], [0], [0], [1], [0, 0, 1, 1], [], []>, transpose_lhs_hint = false} : vector<128x12800xbf16>, vector<12800x1xbf16>, vector<128x1xf32> -> vector<128x1xf32>
      %get3A_112 = arith.constant 896 : index
      %get3A_113 = arith.constant 0 : index
      %get3A_114 = vector.load %arg7[%get3A_112, %get3A_113] : memref<1024x16xf32, #tpu.memory_space<vmem>>, vector<128x16xf32>
      %broadcast_in_dim3A = vector.shape_cast %dot_general3A_111 : vector<128x1xf32> to vector<128x1xf32>
      %broadcast_in_dim3A_115 = vector.broadcast %broadcast_in_dim3A : vector<128x1xf32> to vector<128x16xf32>
      %add3A_116 = arith.addf %get3A_114, %broadcast_in_dim3A_115 : vector<128x16xf32>
      %swap3A_117 = arith.constant 896 : index
      %swap3A_118 = arith.constant 0 : index
      %swap3A_119 = vector.load %arg7[%swap3A_117, %swap3A_118] : memref<1024x16xf32, #tpu.memory_space<vmem>>, vector<128x16xf32>
      tpu.vector_store %arg7[%swap3A_117, %swap3A_118], %add3A_116 {strides = array<i32>} : memref<1024x16xf32, #tpu.memory_space<vmem>>, vector<128x16xf32>,
    } else {
    }
    return
  }
  func.func @transform_0(%arg0: i32) -> (i32, i32, i32) {
    %c0_i32 = arith.constant 0 : i32
    %c0_i32_0 = arith.constant 0 : i32
    %c0_i32_1 = arith.constant 0 : i32
    return %arg0, %c0_i32, %c0_i32_0 : i32, i32, i32
  }
  func.func @transform_1(%arg0: i32) -> (i32, i32) {
    %c0_i32 = arith.constant 0 : i32
    %c0_i32_0 = arith.constant 0 : i32
    return %arg0, %c0_i32 : i32, i32
  }
  func.func @transform_2(%arg0: i32) -> (i32, i32) {
    %c0_i32 = arith.constant 0 : i32
    %c0_i32_0 = arith.constant 0 : i32
    %c0_i32_1 = arith.constant 0 : i32
    return %c0_i32, %c0_i32_0 : i32, i32
  }
  func.func @transform_3(%arg0: i32) -> (i32, i32) {
    %c0_i32 = arith.constant 0 : i32
    %c0_i32_0 = arith.constant 0 : i32
    %c0_i32_1 = arith.constant 0 : i32
    return %c0_i32, %c0_i32_0 : i32, i32
  }
  func.func @transform_4(%arg0: i32) -> (i32, i32) {
    %c0_i32 = arith.constant 0 : i32
    %c0_i32_0 = arith.constant 0 : i32
    %c0_i32_1 = arith.constant 0 : i32
    return %c0_i32, %c0_i32_0 : i32, i32
  }
  func.func @transform_5(%arg0: i32) -> (i32, i32) {
    %c0_i32 = arith.constant 0 : i32
    %c0_i32_0 = arith.constant 0 : i32
    %c0_i32_1 = arith.constant 0 : i32
    return %c0_i32, %c0_i32_0 : i32, i32
  }
  func.func @transform_6(%arg0: i32) -> (i32, i32) {
    %c0_i32 = arith.constant 0 : i32
    %c0_i32_0 = arith.constant 0 : i32
    %c0_i32_1 = arith.constant 0 : i32
    return %c0_i32, %c0_i32_0 : i32, i32
  }
}

</mosaic_0001>

<sc_bundles>
// kernel: kernel.4.cloned.1.call-start
scs
__scs_entry_jumppad:
0x0: {  	(pc) =	sbr.rel $0x88, $3  }
0x1: {  	(tag) =	ssettag $0x0;
	lr =	simm.s32 $0x1  }
0x2: {  	[smem:$0x3F9C] =	sst lr;
	_ =	strace $0xD0000000  }
0x3: {  	_ = 	snop  }
0x4: {  	_ = 	snop  }
0x5: {  	_ = 	snop  }
0x6: {  	_ = 	snop  }
0x7: {  	_ = 	snop  }
__scs_overlays_trampoline_lowered:
0x8: {  	[smem:$0x3FAB] =	sst s0  }
0x9: {  	[smem:$0x3FAC] =	sst s1  }
0xa: {  	[smem:$0x3FAD] =	sst s2  }
0xb: {  	[smem:$0x3FAE] =	sst s3  }
0xc: {  	[smem:$0x3FAF] =	sst s4  }
0xd: {  	[smem:$0x3FB0] =	sst s5  }
0xe: {  	[smem:$0x3FB1] =	sst s6  }
0xf: {  	[smem:$0x3FB2] =	sst s7  }
0x10: {  	[smem:$0x3FB3] =	sst s8  }
0x11: {  	[smem:$0x3FB4] =	sst s9;
	s0 =	simm.s32 @!p0 $0x0  }
0x12: {  	s1 =	sld [smem:$0x3F9A];
	s0 =	simm.s32 @p0 $0x1  }
0x13: {  	[smem:$0x3FB5] =	sst s0;
	s0 =	simm.s32 @!p1 $0x0  }
0x14: {  	s2 =	sld [smem:$0x3F99];
	s0 =	simm.s32 @p1 $0x1  }
0x15: {  	[smem:$0x3FB6] =	sst s0;
	s0 =	simm.s32 @!p2 $0x0  }
0x16: {  	s3 =	sld [smem:$0x3FDB];
	s0 =	simm.s32 @p2 $0x1  }
0x17: {  	s4 =	simm.s32 $0x1BF5;
	[smem:$0x3FB8] =	sst s0  }
0x18: {  	s0 =	sld [smem:$0x3F9B];
	_ =	swait.ge [sflag:s4], $0x0  }
0x19: {  	s7 =	sld [smem:$0x3F9C]  }
0x1a: {  	s8 =	sadd.s32 $0xFFFFE003, lr  }
0x1b: {  	s9 =	sadd.s32 $0xFFFFFEF7, lr;
	s5 =	simm.s32 $0xFFFFFFFF;
	p2 =	slt.u32 s8, $0xFFFFF086  }
0x1c: {  	p1 =	slt.u32 s9, $0xF7A;
	s5 =	simm.s32 @!p2 $0x0  }
0x1d: {  	s5 =	simm.s32 @p1 $0x1;
	p0 =	seq.s32 s7, s2  }
0x1e: {  	s7 =	smul.u32 @!p0 $0xF7A, s2;
	p2 =	seq.s32 @!p0 s5, $0x0  }
0x1f: {  	s9 =	smul.u32 $0xF7A, s1;
	s8 =	simm.s32 @!p0 $0x1BF5;
	p2 =	por !p2, p0  }
0x20: {  	[sflag:s8] =	ssyncset.s32 @!p0 $0xFFFFF086;
	s6 =	sadd.s32 @!p0 s3, s7;
	s7 =	simm.s32 @!p0 $0x108  }
0x21: {  	s3 =	sadd.s32 s3, s9;
	s6 =	sadd.s32 @!p0 $0x88, s6;
	s7 =	simm.s32 @p2 $0x1082  }
0x22: {  	[simem:s7], [sflag:s8] =	dma.local @!p0 [hbm:s6], $0xF7A  }
0x23: {  	s9 =	sor.u32 $0xD0000000, s2;
	s6 =	simm.s32 $0x108;
	_ =	swait.ge @!p0 [sflag:s8], $0x0  }
0x24: {  	s3 =	sadd.s32 $0x88, s3;
	s6 =	simm.s32 @!p1 $0x1082;
	[sflag:s4] =	ssyncset.s32 $0xFFFFF086  }
0x25: {  	[simem:s6], [sflag:s4] =	dma.local [hbm:s3], $0xF7A  }
0x26: {  	[smem:$0x3F9C] =	sst s1;
	(tag) =	ssettag s2;
	_ =	strace s9  }
0x27: {  	s1 =	sld [smem:$0x3FAC]  }
0x28: {  	s2 =	sld [smem:$0x3FAD]  }
0x29: {  	s4 =	sld [smem:$0x3FAF]  }
0x2a: {  	p0 =	seq.s32 s5, $0x0;
	s5 =	sld [smem:$0x3FB0]  }
0x2b: {  	s6 =	sld [smem:$0x3FB1]  }
0x2c: {  	s7 =	sld [smem:$0x3FB2]  }
0x2d: {  	s3 =	simm.s32 $0x108;
	s8 =	sld [smem:$0x3FB3]  }
0x2e: {  	s3 =	simm.s32 @!p0 $0x1082;
	s9 =	sld [smem:$0x3FB4]  }
0x2f: {  	lr =	sadd.s32 s0, s3;
	s0 =	sld [smem:$0x3FAB]  }
0x30: {  	s3 =	sld [smem:$0x3FAE]  }
0x31: {  	[smem:$0x3FB7] =	sst s10  }
0x32: {  	s10 =	sld [smem:$0x3FB5];
	_ =	sdelay $0x3  }
0x33: {  	p0 =	seq.s32 s10, $0x1;
	s10 =	sld [smem:$0x3FB7];
	_ =	sdelay $0x3  }
0x34: {  	[smem:$0x3FB7] =	sst s10  }
0x35: {  	s10 =	sld [smem:$0x3FB6];
	_ =	sdelay $0x3  }
0x36: {  	p1 =	seq.s32 s10, $0x1;
	s10 =	sld [smem:$0x3FB7];
	_ =	sdelay $0x3  }
0x37: {  	[smem:$0x3FB7] =	sst s10  }
0x38: {  	s10 =	sld [smem:$0x3FB8]  }
0x39: {  	_ = 	snop;
	(pc) =	sbr.ind lr, $3  }
0x3a: {  	_ = 	snop  }
0x3b: {  	_ = 	snop  }
0x3c: {  	p2 =	seq.s32 s10, $0x1;
	s10 =	sld [smem:$0x3FB7]  }
0x3d: {  	_ =	shalt  }
0x3e: {  	_ =	shalt  }
0x3f: {  	_ =	shalt  }
0x40: {  	_ =	shalt  }
0x41: {  	_ =	shalt  }
0x42: {  	_ =	shalt  }
0x43: {  	_ =	shalt  }
0x44: {  	_ =	shalt  }
0x45: {  	_ =	shalt  }
0x46: {  	_ =	shalt  }
0x47: {  	_ =	shalt  }
0x48: {  	_ =	shalt  }
0x49: {  	_ =	shalt  }
0x4a: {  	_ =	shalt  }
0x4b: {  	_ =	shalt  }
0x4c: {  	_ =	shalt  }
0x4d: {  	_ =	shalt  }
0x4e: {  	_ =	shalt  }
0x4f: {  	_ =	shalt  }
0x50: {  	_ =	shalt  }
0x51: {  	_ =	shalt  }
0x52: {  	_ =	shalt  }
0x53: {  	_ =	shalt  }
0x54: {  	_ =	shalt  }
0x55: {  	_ =	shalt  }
0x56: {  	_ =	shalt  }
0x57: {  	_ =	shalt  }
0x58: {  	_ =	shalt  }
0x59: {  	_ =	shalt  }
0x5a: {  	_ =	shalt  }
0x5b: {  	_ =	shalt  }
0x5c: {  	_ =	shalt  }
0x5d: {  	_ =	shalt  }
0x5e: {  	_ =	shalt  }
0x5f: {  	_ =	shalt  }
0x60: {  	_ =	shalt  }
0x61: {  	_ =	shalt  }
0x62: {  	_ =	shalt  }
0x63: {  	_ =	shalt  }
0x64: {  	_ =	shalt  }
0x65: {  	_ =	shalt  }
0x66: {  	_ =	shalt  }
0x67: {  	_ =	shalt  }
0x68: {  	_ =	shalt  }
0x69: {  	_ =	shalt  }
0x6a: {  	_ =	shalt  }
0x6b: {  	_ =	shalt  }
0x6c: {  	_ =	shalt  }
0x6d: {  	_ =	shalt  }
0x6e: {  	_ =	shalt  }
0x6f: {  	_ =	shalt  }
0x70: {  	_ =	shalt  }
0x71: {  	_ =	shalt  }
0x72: {  	_ =	shalt  }
0x73: {  	_ =	shalt  }
0x74: {  	_ =	shalt  }
0x75: {  	_ =	shalt  }
0x76: {  	_ =	shalt  }
0x77: {  	_ =	shalt  }
0x78: {  	_ =	shalt  }
0x79: {  	_ =	shalt  }
0x7a: {  	_ =	shalt  }
0x7b: {  	_ =	shalt  }
0x7c: {  	_ =	shalt  }
0x7d: {  	_ =	shalt  }
0x7e: {  	_ =	shalt  }
0x7f: {  	_ =	shalt  }
0x80: {  	_ =	shalt  }
0x81: {  	_ =	shalt  }
0x82: {  	_ =	shalt  }
0x83: {  	_ =	shalt  }
0x84: {  	_ =	shalt  }
0x85: {  	_ =	shalt  }
0x86: {  	_ =	shalt  }
0x87: {  	_ =	shalt  }
.Lfunc_end0:
.L_simem_size_0:
called_computation_lowered:
.L_overlay_start_0:
0x88: {  	s2 =	sld [smem:$0x3FD9]  }
0x89: {  	s3 =	sld [smem:$0x3FFE];
	_ =	sdelay $0x1  }
0x8a: {  	s1 =	srdreg.scid  }
0x8b: {  	s0 =	sand.u32 $0x1, s1  }
0x8c: {  	s17 =	sshll.u32 s0, $0xA;
	s2 =	sadd.s32 s3, s2  }
0x8d: {  	s2 =	sadd.s32 s2, s17  }
0x8e: {  	[smem:$0x3FC3] =	sst s2  }
0x8f: {  	_ = 	snop  }
0x90: {  	s2 =	sld [smem:$0x3FD0];
	(tm) =	ssettm $0x1  }
0x91: {  	s18 =	sld [smem:$0x3FFB];
	_ =	sdelay $0x3  }
0x92: {  	_ =	strace s18  }
0x93: {  	s3 =	sld [smem:$0x3FFC];
	_ =	sdelay $0x3  }
0x94: {  	_ =	strace s3  }
0x95: {  	s3 =	sld [smem:$0x3FFD];
	_ =	sdelay $0x3  }
0x96: {  	_ =	strace s3  }
0x97: {  	_ =	strace $0x8FFFFFFF  }
0x98: {  	s19 =	sld [smem:$0x3FDB];
	_ =	sdelay $0x1  }
0x99: {  	s4 =	simm.s32 $_scs_section_size  }
0x9a: {  	s5 =	simm.s32 $_size__tile_overlayer_lowered;
	s6 =	simm.s32 $_tile_overlayer_lowered  }
0x9b: {  	s22 =	simm.s32 $0x1BFF;
	s21 =	sshll.u32 s6, $0x1;
	s3 =	sadd.s32 s4, s19  }
0x9c: {  	s7 =	simm.s32 $0x0;
	s20 =	sshll.u32 s5, $0x1;
	s5 =	sadd.s32 s21, s3  }
0x9d: {  	[timem:s7], [sflag:s22] =	dma.local [hbm:s5], s20  }
0x9e: {  	_ =	swait.ge [sflag:s22], s20  }
0x9f: {  	s4 =	ssub.s32 $0x0, s20;
	[sflag:s22] =	ssyncset.done $0x0  }
0xa0: {  	[sflag:s22] =	ssyncadd.s32 s4;
	_ =	sdelay $0x1  }
0xa1: {  	s23 =	simm.s32 $0x1B8B  }
0xa2: {  	_ =	swait.ge [sflag:s23], $0x1  }
0xa3: {  	[sflag:s23] =	ssyncset.done $0x0  }
0xa4: {  	s25 =	simm.s32 $0x1B8E;
	s24 =	sld [smem:$0x3FFE];
	[sflag:s23] =	ssyncadd.s32 $0xFFFFFFFF  }
0xa5: {  	s26 =	simm.s32 $execute0_lowered;
	[smem:$0x3FD2] =	sst s25  }
0xa6: {  	s5 =	sshll.u32 s26, $0x1;
	_ =	strace $0x80000046;
	[dreg:$0x1] =	wrdreg $0xFFFFFFFF  }
0xa7: {  	s28 =	simm.s32 $_size_execute0_lowered;
	s3 =	sadd.s32 s3, s5;
	[dreg:$0x0] =	wrdreg $0x0  }
0xa8: {  	s5 =	sshll.u32 s28, $0x1;
	[dreg:$0x2] =	wrdreg s3  }
0xa9: {  	[dreg:$0x3] =	wrdreg s5  }
0xaa: {  	[dreg:$0x4] =	wrdreg $0xC0  }
0xab: {  	_ =	task [dreg:s7], $0x5FFFF  }
0xac: {  	[dreg:$0x1] =	wrdreg $0xFFFFFFFF  }
0xad: {  	[dreg:$0x0] =	wrdreg $0x60  }
0xae: {  	[dreg:$0x2] =	wrdreg s24  }
0xaf: {  	[dreg:$0x3] =	wrdreg s2  }
0xb0: {  	[dreg:$0x4] =	wrdreg $0x9  }
0xb1: {  	_ =	task.clear_ibuf [dreg:s7], $0x5FFFF;
	_ =	strace $0x90000046  }
0xb2: {  	s29 =	simm.s32 $0x9;
	_ =	strace $0x80000048  }
0xb3: {  	_ =	swait.ge [sflag:s29], $0x1  }
0xb4: {  	[sflag:s29] =	ssyncadd.s32 $0xFFFFFFFF  }
0xb5: {  	_ =	strace $0x90000048  }
0xb6: {  	_ =	sfence  }
0xb7: {  	s30 =	sld [smem:$0x0];
	_ =	sdelay $0x2  }
0xb8: {  	s31 =	sshll.u32 s1, $0xD;
	s1 =	sshrl.u32 s1, $0x2  }
0xb9: {  	s3 =	sand.u32 $0x4000, s31;
	s1 =	sadd.s32 s1, s30  }
0xba: {  	s0 =	sor.u32 s3, s0;
	s1 =	sshll.u32 s1, $0x11  }
0xbb: {  	s0 =	sor.u32 s1, s0  }
0xbc: {  	s0 =	sadd.s32 $0x8F2B, s0  }
0xbd: {  	[sflag:s0] =	ssyncadd.remote.s32 $0x1  }
0xbe: {  	_ =	sfence.sel $0xFFFF  }
0xbf: {  	[dreg:$0x0] =	wrdreg $0xFFFFFFFF;
	(pc) =	sbr.abs _section_cstart, $3  }
0xc0: {  	[dreg:$0x1] =	wrdreg $0xFFFFFFFF  }
0xc1: {  	_ =	task.clear_ibuf [dreg:s7], $0x2FFFF;
	_ =	strace $0x9FFFFFFF  }
0xc2: {  	(tm) =	ssettm $0x7FFFFFFF  }
0xc3: {  	_ =	shalt  }
tec
execute0_lowered:
.L_overlay_start_1:
0x0: {  	(tag) =	ssettag $0x1  }
0x1: {  	s3 =	rddreg [dreg:$0x0]  }
0x2: {  	s5 =	rddreg [dreg:$0x1];
	s1 =	srdreg.scid  }
0x3: {  	s0 =	rddreg [dreg:$0x2];
	s2 =	simm.s32 $0x0;
	s4 =	sand.u32 $0x1, s1  }
0x4: {  	[smem:$0x7FF] =	sst s2;
	s1 =	stileid.u32;
	s6 =	sshll.u32 s4, $0x4  }
0x5: {  	_ =	strace $0x80000047;
	s4 =	ssub.s32 $0x2, s4;
	s6 =	sor.u32 s1, s6  }
0x6: {  	s8 =	sshrl.u32 s4, $0x1;
	s7 =	sshll.u32 s6, $0x9;
	s6 =	sshll.u32 s6, $0x6  }
0x7: {  	s8 =	ssub.s32 s4, s8;
	s6 =	sadd.s32 s6, s3;
	s3 =	sadd.s32 s7, s3  }
0x8: {  	s5 =	sadd.s32 s5, s7;
	s7 =	simm.s32 $0x1;
	s3 =	sadd.s32 $0xC00, s3  }
0x9: {  	s4 =	sadd.s32 $0x4C00, s6;
	s6 =	smax.u32 s8, $0x1;
	s8 =	simm.s32 $0x1000  }
.LBB2_1:
0xa: {  	[tilespmem:s2], [sflag:$0x1] =	stream.linear.gather [hbm4b:s3+s2], $0x1000, $0x38;
	[tilespmem:$0x1200] =	vst v63  }
0xb: {  	_ =	swait.ge [sflag:s7], $0x1000  }
0xc: {  	[sflag:s7] =	ssyncset.done $0x0  }
0xd: {  	[sflag:s7] =	ssyncadd.s32 $0xFFFFF000  }
0xe: {  	[tilespmem:s8], [sflag:$0x1] =	stream.linear.gather [hbm4b:s4+s2], $0x200, $0x38;
	[tilespmem:$0x1200] =	vst v63  }
0xf: {  	_ =	swait.ge [sflag:s7], $0x200  }
0x10: {  	[sflag:s7] =	ssyncset.done $0x0  }
0x11: {  	[sflag:s7] =	ssyncadd.s32 $0xFFFFFE00  }
0x12: {  	v0 =	vld [tilespmem:$0x1000];
	_ =	sdelay $0x4  }
0x13: {  	v0 =	vadd.f32 $1.000000020e-16, v0;
	_ =	sdelay $0x1  }
0x14: {  	v35 =	vld [tilespmem:$0x0];
	(erf) = vrcp.f32 v0  }
0x15: {  	v1 =	vld [tilespmem:$0x1010]  }
0x16: {  	v2 =	vld [tilespmem:$0x10]  }
0x17: {  	v3 =	vld [tilespmem:$0x20]  }
0x18: {  	v4 =	vld [tilespmem:$0x30]  }
0x19: {  	v5 =	vld [tilespmem:$0x40]  }
0x1a: {  	v6 =	vld [tilespmem:$0x50];
	v1 =	vadd.f32 $1.000000020e-16, v1  }
0x1b: {  	v7 =	vld [tilespmem:$0x60]  }
0x1c: {  	v8 =	vld [tilespmem:$0x70];
	(erf) = vrcp.f32 v1  }
0x1d: {  	v9 =	vld [tilespmem:$0x1020];
	v36 =	vpop (erf)  }
0x1e: {  	v10 =	vld [tilespmem:$0x80];
	v0 =	vmul.f32 v36, v35  }
0x1f: {  	v11 =	vld [tilespmem:$0x90];
	v2 =	vmul.f32 v2, v36  }
0x20: {  	v38 =	vld [tilespmem:$0xA0];
	v37 =	vmul.f32 v3, v36;
	[tilespmem:$0x0] =	vst v0  }
0x21: {  	v40 =	vld [tilespmem:$0xB0];
	v39 =	vmul.f32 v4, v36;
	[tilespmem:$0x10] =	vst v2  }
0x22: {  	v42 =	vld [tilespmem:$0xC0];
	v9 =	vadd.f32 $1.000000020e-16, v9;
	v41 =	vmul.f32 v5, v36;
	[tilespmem:$0x20] =	vst v37  }
0x23: {  	v44 =	vld [tilespmem:$0xD0];
	v43 =	vmul.f32 v6, v36;
	[tilespmem:$0x30] =	vst v39  }
0x24: {  	v46 =	vld [tilespmem:$0xE0];
	(erf) = vrcp.f32 v9;
	v45 =	vmul.f32 v7, v36;
	[tilespmem:$0x40] =	vst v41  }
0x25: {  	v48 =	vld [tilespmem:$0x1030];
	v1 =	vmul.f32 v8, v36;
	v47 =	vpop (erf);
	[tilespmem:$0x50] =	vst v43  }
0x26: {  	v50 =	vld [tilespmem:$0xF0];
	v49 =	vmul.f32 v47, v10;
	[tilespmem:$0x60] =	vst v45  }
0x27: {  	v52 =	vld [tilespmem:$0x100];
	v51 =	vmul.f32 v11, v47;
	[tilespmem:$0x70] =	vst v1  }
0x28: {  	v54 =	vld [tilespmem:$0x110];
	v53 =	vmul.f32 v38, v47;
	[tilespmem:$0x80] =	vst v49  }
0x29: {  	v56 =	vld [tilespmem:$0x120];
	v55 =	vmul.f32 v40, v47;
	[tilespmem:$0x90] =	vst v51  }
0x2a: {  	v58 =	vld [tilespmem:$0x130];
	v8 =	vadd.f32 $1.000000020e-16, v48;
	v57 =	vmul.f32 v42, v47;
	[tilespmem:$0xA0] =	vst v53  }
0x2b: {  	v60 =	vld [tilespmem:$0x140];
	v59 =	vmul.f32 v44, v47;
	[tilespmem:$0xB0] =	vst v55  }
0x2c: {  	v62 =	vld [tilespmem:$0x150];
	v61 =	vmul.f32 v46, v47;
	(erf) = vrcp.f32 v8;
	[tilespmem:$0xC0] =	vst v57  }
0x2d: {  	v13 =	vld [tilespmem:$0x1040];
	v63 =	vmul.f32 v50, v47;
	[tilespmem:$0xD0] =	vst v59;
	v12 =	vpop (erf)  }
0x2e: {  	v15 =	vld [tilespmem:$0x160];
	[tilespmem:$0xE0] =	vst v61;
	v14 =	vmul.f32 v12, v52  }
0x2f: {  	v17 =	vld [tilespmem:$0x170];
	[tilespmem:$0xF0] =	vst v63;
	v16 =	vmul.f32 v54, v12  }
0x30: {  	v19 =	vld [tilespmem:$0x180];
	v18 =	vmul.f32 v56, v12;
	[tilespmem:$0x100] =	vst v14  }
0x31: {  	v21 =	vld [tilespmem:$0x190];
	v20 =	vmul.f32 v58, v12;
	[tilespmem:$0x110] =	vst v16  }
0x32: {  	v23 =	vld [tilespmem:$0x1A0];
	v8 =	vadd.f32 $1.000000020e-16, v13;
	v22 =	vmul.f32 v60, v12;
	[tilespmem:$0x120] =	vst v18  }
0x33: {  	v25 =	vld [tilespmem:$0x1B0];
	v24 =	vmul.f32 v62, v12;
	[tilespmem:$0x130] =	vst v20  }
0x34: {  	v27 =	vld [tilespmem:$0x1C0];
	(erf) = vrcp.f32 v8;
	v26 =	vmul.f32 v15, v12;
	[tilespmem:$0x140] =	vst v22  }
0x35: {  	v30 =	vld [tilespmem:$0x1050];
	v28 =	vmul.f32 v17, v12;
	[tilespmem:$0x150] =	vst v24;
	v29 =	vpop (erf)  }
0x36: {  	v32 =	vld [tilespmem:$0x1D0];
	[tilespmem:$0x160] =	vst v26;
	v31 =	vmul.f32 v29, v19  }
0x37: {  	v34 =	vld [tilespmem:$0x1E0];
	[tilespmem:$0x170] =	vst v28;
	v33 =	vmul.f32 v21, v29  }
0x38: {  	v36 =	vld [tilespmem:$0x1F0];
	v35 =	vmul.f32 v23, v29;
	[tilespmem:$0x180] =	vst v31  }
0x39: {  	v38 =	vld [tilespmem:$0x200];
	v37 =	vmul.f32 v25, v29;
	[tilespmem:$0x190] =	vst v33  }
0x3a: {  	v3 =	vadd.f32 $1.000000020e-16, v30;
	v40 =	vld [tilespmem:$0x210];
	v39 =	vmul.f32 v27, v29;
	[tilespmem:$0x1A0] =	vst v35  }
0x3b: {  	v42 =	vld [tilespmem:$0x220];
	v41 =	vmul.f32 v32, v29;
	[tilespmem:$0x1B0] =	vst v37  }
0x3c: {  	v44 =	vld [tilespmem:$0x230];
	(erf) = vrcp.f32 v3;
	v43 =	vmul.f32 v34, v29;
	[tilespmem:$0x1C0] =	vst v39  }
0x3d: {  	v47 =	vld [tilespmem:$0x240];
	v45 =	vmul.f32 v36, v29;
	[tilespmem:$0x1D0] =	vst v41;
	v46 =	vpop (erf)  }
0x3e: {  	v49 =	vld [tilespmem:$0x250];
	[tilespmem:$0x1E0] =	vst v43;
	v48 =	vmul.f32 v46, v38  }
0x3f: {  	v51 =	vld [tilespmem:$0x260];
	[tilespmem:$0x1F0] =	vst v45;
	v50 =	vmul.f32 v40, v46  }
0x40: {  	v53 =	vld [tilespmem:$0x270];
	v52 =	vmul.f32 v42, v46;
	[tilespmem:$0x200] =	vst v48  }
0x41: {  	v55 =	vld [tilespmem:$0x280];
	v54 =	vmul.f32 v44, v46;
	[tilespmem:$0x210] =	vst v50  }
0x42: {  	v57 =	vld [tilespmem:$0x290];
	v56 =	vmul.f32 v47, v46;
	[tilespmem:$0x220] =	vst v52  }
0x43: {  	v59 =	vld [tilespmem:$0x2A0];
	v58 =	vmul.f32 v49, v46;
	[tilespmem:$0x230] =	vst v54  }
0x44: {  	v61 =	vld [tilespmem:$0x2B0];
	v60 =	vmul.f32 v51, v46;
	[tilespmem:$0x240] =	vst v56  }
0x45: {  	v27 =	vld [tilespmem:$0x2C0];
	v62 =	vmul.f32 v53, v46;
	[tilespmem:$0x250] =	vst v58;
	v63 =	vpop (erf)  }
0x46: {  	v29 =	vld [tilespmem:$0x2D0];
	[tilespmem:$0x260] =	vst v60;
	v28 =	vmul.f32 v63, v55  }
0x47: {  	v31 =	vld [tilespmem:$0x2E0];
	[tilespmem:$0x270] =	vst v62;
	v30 =	vmul.f32 v57, v63  }
0x48: {  	v32 =	vmul.f32 v59, v63;
	[tilespmem:$0x280] =	vst v28  }
0x49: {  	v33 =	vmul.f32 v61, v63;
	[tilespmem:$0x290] =	vst v30  }
0x4a: {  	v34 =	vmul.f32 v27, v63;
	[tilespmem:$0x2A0] =	vst v32  }
0x4b: {  	v35 =	vmul.f32 v29, v63;
	[tilespmem:$0x2B0] =	vst v33  }
0x4c: {  	v36 =	vmul.f32 v31, v63;
	[tilespmem:$0x2C0] =	vst v34  }
0x4d: {  	[tilespmem:$0x2D0] =	vst v35  }
0x4e: {  	[tilespmem:$0x2E0] =	vst v36  }
0x4f: {  	v0 =	vld [tilespmem:$0x2F0]  }
0x50: {  	v37 =	vld [tilespmem:$0x1060]  }
0x51: {  	v38 =	vld [tilespmem:$0x300]  }
0x52: {  	v39 =	vld [tilespmem:$0x310]  }
0x53: {  	v40 =	vld [tilespmem:$0x320]  }
0x54: {  	v41 =	vld [tilespmem:$0x330]  }
0x55: {  	v42 =	vld [tilespmem:$0x340]  }
0x56: {  	v43 =	vld [tilespmem:$0x350]  }
0x57: {  	v44 =	vld [tilespmem:$0x360]  }
0x58: {  	v45 =	vld [tilespmem:$0x370]  }
0x59: {  	v46 =	vld [tilespmem:$0x1070]  }
0x5a: {  	v12 =	vld [tilespmem:$0x380]  }
0x5b: {  	v13 =	vld [tilespmem:$0x390]  }
0x5c: {  	v14 =	vld [tilespmem:$0x3A0]  }
0x5d: {  	v15 =	vld [tilespmem:$0x3B0]  }
0x5e: {  	v16 =	vld [tilespmem:$0x3C0]  }
0x5f: {  	v17 =	vld [tilespmem:$0x3D0]  }
0x60: {  	v18 =	vld [tilespmem:$0x3E0]  }
0x61: {  	v19 =	vld [tilespmem:$0x3F0]  }
0x62: {  	v20 =	vld [tilespmem:$0x1080]  }
0x63: {  	v21 =	vld [tilespmem:$0x400];
	v1 =	vadd.f32 $1.000000020e-16, v37  }
0x64: {  	v22 =	vld [tilespmem:$0x410]  }
0x65: {  	v47 =	vld [tilespmem:$0x420];
	(erf) = vrcp.f32 v1  }
0x66: {  	v23 =	vld [tilespmem:$0x430]  }
0x67: {  	v24 =	vld [tilespmem:$0x440]  }
0x68: {  	v25 =	vld [tilespmem:$0x450]  }
0x69: {  	v26 =	vld [tilespmem:$0x460]  }
0x6a: {  	v27 =	vld [tilespmem:$0x470]  }
0x6b: {  	v28 =	vld [tilespmem:$0x1090];
	v11 =	vadd.f32 $1.000000020e-16, v46  }
0x6c: {  	v29 =	vld [tilespmem:$0x480]  }
0x6d: {  	v30 =	vld [tilespmem:$0x4A0];
	(erf) = vrcp.f32 v11  }
0x6e: {  	v31 =	vld [tilespmem:$0x4B0];
	v0 =	vmul.f32 v0, v63;
	v48 =	vpop (erf)  }
0x6f: {  	v4 =	vld [tilespmem:$0x4C0];
	v3 =	vmul.f32 v48, v38  }
0x70: {  	v5 =	vld [tilespmem:$0x4D0];
	[tilespmem:$0x2F0] =	vst v0;
	v49 =	vmul.f32 v39, v48  }
0x71: {  	v6 =	vld [tilespmem:$0x4E0];
	v50 =	vmul.f32 v40, v48;
	[tilespmem:$0x300] =	vst v3  }
0x72: {  	v55 =	vld [tilespmem:$0x10A0];
	v51 =	vmul.f32 v41, v48;
	[tilespmem:$0x310] =	vst v49  }
0x73: {  	v7 =	vld [tilespmem:$0x500];
	v53 =	vadd.f32 $1.000000020e-16, v20;
	v52 =	vmul.f32 v42, v48;
	[tilespmem:$0x320] =	vst v50  }
0x74: {  	v9 =	vld [tilespmem:$0x510];
	v54 =	vmul.f32 v43, v48;
	[tilespmem:$0x330] =	vst v51  }
0x75: {  	v10 =	vld [tilespmem:$0x520];
	(erf) = vrcp.f32 v53;
	v56 =	vmul.f32 v44, v48;
	[tilespmem:$0x340] =	vst v52  }
0x76: {  	v35 =	vld [tilespmem:$0x10B0];
	v57 =	vmul.f32 v45, v48;
	v58 =	vpop (erf);
	[tilespmem:$0x350] =	vst v54  }
0x77: {  	v20 =	vld [tilespmem:$0x4F0];
	v59 =	vmul.f32 v58, v12;
	[tilespmem:$0x360] =	vst v56  }
0x78: {  	v32 =	vadd.f32 $1.000000020e-16, v28;
	v28 =	vld [tilespmem:$0x630];
	v60 =	vmul.f32 v13, v58;
	[tilespmem:$0x370] =	vst v57  }
0x79: {  	v11 =	vld [tilespmem:$0x490];
	v61 =	vmul.f32 v14, v58;
	[tilespmem:$0x380] =	vst v59  }
0x7a: {  	v38 =	vld [tilespmem:$0x580];
	v62 =	vmul.f32 v15, v58;
	[tilespmem:$0x390] =	vst v60  }
0x7b: {  	v40 =	vld [tilespmem:$0x590];
	v63 =	vmul.f32 v16, v58;
	[tilespmem:$0x3A0] =	vst v61  }
0x7c: {  	v42 =	vld [tilespmem:$0x5A0];
	v33 =	vmul.f32 v17, v58;
	[tilespmem:$0x3B0] =	vst v62  }
0x7d: {  	(erf) = vrcp.f32 v32;
	v43 =	vld [tilespmem:$0x5B0];
	v34 =	vmul.f32 v18, v58;
	[tilespmem:$0x3C0] =	vst v63  }
0x7e: {  	v32 =	vld [tilespmem:$0x6B0];
	v36 =	vmul.f32 v19, v58;
	[tilespmem:$0x3D0] =	vst v33;
	v37 =	vpop (erf)  }
0x7f: {  	v12 =	vld [tilespmem:$0x530];
	[tilespmem:$0x3E0] =	vst v34;
	v39 =	vmul.f32 v37, v21  }
0x80: {  	v13 =	vld [tilespmem:$0x540];
	[tilespmem:$0x3F0] =	vst v36;
	v41 =	vmul.f32 v22, v37  }
0x81: {  	v14 =	vld [tilespmem:$0x550];
	v1 =	vmul.f32 v47, v37;
	[tilespmem:$0x400] =	vst v39  }
0x82: {  	v16 =	vld [tilespmem:$0x560];
	v44 =	vmul.f32 v23, v37;
	[tilespmem:$0x410] =	vst v41  }
0x83: {  	v8 =	vadd.f32 $1.000000020e-16, v55;
	v17 =	vld [tilespmem:$0x570];
	v45 =	vmul.f32 v24, v37;
	[tilespmem:$0x420] =	vst v1  }
0x84: {  	v15 =	vld [tilespmem:$0x640];
	v46 =	vmul.f32 v25, v37;
	[tilespmem:$0x430] =	vst v44  }
0x85: {  	v18 =	vld [tilespmem:$0x790];
	(erf) = vrcp.f32 v8;
	v47 =	vmul.f32 v26, v37;
	[tilespmem:$0x440] =	vst v45  }
0x86: {  	v19 =	vld [tilespmem:$0x860];
	v48 =	vmul.f32 v27, v37;
	v49 =	vpop (erf);
	[tilespmem:$0x450] =	vst v46  }
0x87: {  	v50 =	vld [tilespmem:$0x10C0];
	v51 =	vmul.f32 v49, v29;
	[tilespmem:$0x460] =	vst v47  }
0x88: {  	v62 =	vld [tilespmem:$0x10D0];
	v52 =	vmul.f32 v11, v49;
	[tilespmem:$0x470] =	vst v48  }
0x89: {  	v34 =	vld [tilespmem:$0x6C0];
	v53 =	vmul.f32 v30, v49;
	[tilespmem:$0x480] =	vst v51  }
0x8a: {  	v8 =	vld [tilespmem:$0x5F0];
	v54 =	vmul.f32 v31, v49;
	[tilespmem:$0x490] =	vst v52  }
0x8b: {  	v56 =	vadd.f32 $1.000000020e-16, v35;
	v22 =	vld [tilespmem:$0x5C0];
	v55 =	vmul.f32 v4, v49;
	[tilespmem:$0x4A0] =	vst v53  }
0x8c: {  	v23 =	vld [tilespmem:$0x5D0];
	v57 =	vmul.f32 v5, v49;
	[tilespmem:$0x4B0] =	vst v54  }
0x8d: {  	v24 =	vld [tilespmem:$0x5E0];
	(erf) = vrcp.f32 v56;
	v58 =	vmul.f32 v6, v49;
	[tilespmem:$0x4C0] =	vst v55  }
0x8e: {  	v26 =	vld [tilespmem:$0x600];
	v59 =	vmul.f32 v20, v49;
	[tilespmem:$0x4D0] =	vst v57;
	v60 =	vpop (erf)  }
0x8f: {  	v27 =	vld [tilespmem:$0x620];
	[tilespmem:$0x4E0] =	vst v58;
	v61 =	vmul.f32 v60, v7  }
0x90: {  	v21 =	vld [tilespmem:$0x720];
	[tilespmem:$0x4F0] =	vst v59;
	v63 =	vmul.f32 v9, v60  }
0x91: {  	v56 =	vld [tilespmem:$0x10F0];
	v20 =	vmul.f32 v10, v60;
	[tilespmem:$0x500] =	vst v61  }
0x92: {  	v25 =	vld [tilespmem:$0x780];
	v29 =	vmul.f32 v12, v60;
	[tilespmem:$0x510] =	vst v63  }
0x93: {  	v11 =	vld [tilespmem:$0x610];
	v31 =	vadd.f32 $1.000000020e-16, v50;
	v30 =	vmul.f32 v13, v60;
	[tilespmem:$0x520] =	vst v20  }
0x94: {  	v5 =	vld [tilespmem:$0x650];
	v33 =	vmul.f32 v14, v60;
	[tilespmem:$0x530] =	vst v29  }
0x95: {  	v4 =	vld [tilespmem:$0x660];
	(erf) = vrcp.f32 v31;
	v35 =	vmul.f32 v16, v60;
	[tilespmem:$0x540] =	vst v30  }
0x96: {  	v6 =	vld [tilespmem:$0x670];
	v36 =	vmul.f32 v17, v60;
	v37 =	vpop (erf);
	[tilespmem:$0x550] =	vst v33  }
0x97: {  	v44 =	vld [tilespmem:$0x710];
	v38 =	vmul.f32 v37, v38;
	[tilespmem:$0x560] =	vst v35  }
0x98: {  	v48 =	vld [tilespmem:$0x740];
	v39 =	vmul.f32 v40, v37;
	[tilespmem:$0x570] =	vst v36  }
0x99: {  	v51 =	vld [tilespmem:$0x750];
	v41 =	vmul.f32 v42, v37;
	[tilespmem:$0x580] =	vst v38  }
0x9a: {  	v53 =	vld [tilespmem:$0x760];
	v43 =	vmul.f32 v43, v37;
	[tilespmem:$0x590] =	vst v39  }
0x9b: {  	v9 =	vld [tilespmem:$0x680];
	v7 =	vadd.f32 $1.000000020e-16, v62;
	v45 =	vmul.f32 v22, v37;
	[tilespmem:$0x5A0] =	vst v41  }
0x9c: {  	v10 =	vld [tilespmem:$0x690];
	v46 =	vmul.f32 v23, v37;
	[tilespmem:$0x5B0] =	vst v43  }
0x9d: {  	v12 =	vld [tilespmem:$0x6A0];
	v47 =	vmul.f32 v24, v37;
	(erf) = vrcp.f32 v7;
	[tilespmem:$0x5C0] =	vst v45  }
0x9e: {  	v40 =	vld [tilespmem:$0x10E0];
	v49 =	vmul.f32 v8, v37;
	[tilespmem:$0x5D0] =	vst v46;
	v50 =	vpop (erf)  }
0x9f: {  	v13 =	vld [tilespmem:$0x6D0];
	[tilespmem:$0x5E0] =	vst v47;
	v52 =	vmul.f32 v50, v26  }
0xa0: {  	v16 =	vld [tilespmem:$0x6E0];
	[tilespmem:$0x5F0] =	vst v49;
	v54 =	vmul.f32 v11, v50  }
0xa1: {  	v17 =	vld [tilespmem:$0x6F0];
	v55 =	vmul.f32 v27, v50;
	[tilespmem:$0x600] =	vst v52  }
0xa2: {  	v14 =	vld [tilespmem:$0x820];
	v57 =	vmul.f32 v28, v50;
	[tilespmem:$0x610] =	vst v54  }
0xa3: {  	v42 =	vld [tilespmem:$0x700];
	v59 =	vadd.f32 $1.000000020e-16, v40;
	v58 =	vmul.f32 v15, v50;
	[tilespmem:$0x620] =	vst v55  }
0xa4: {  	v22 =	vld [tilespmem:$0x730];
	v60 =	vmul.f32 v5, v50;
	[tilespmem:$0x630] =	vst v57  }
0xa5: {  	v37 =	vld [tilespmem:$0x810];
	(erf) = vrcp.f32 v59;
	v61 =	vmul.f32 v4, v50;
	[tilespmem:$0x640] =	vst v58  }
0xa6: {  	v24 =	vld [tilespmem:$0x8E0];
	v62 =	vmul.f32 v6, v50;
	[tilespmem:$0x650] =	vst v60;
	v63 =	vpop (erf)  }
0xa7: {  	v35 =	vld [tilespmem:$0x800];
	[tilespmem:$0x660] =	vst v61;
	v27 =	vmul.f32 v63, v9  }
0xa8: {  	v20 =	vld [tilespmem:$0xB00];
	[tilespmem:$0x670] =	vst v62;
	v29 =	vmul.f32 v10, v63  }
0xa9: {  	v41 =	vld [tilespmem:$0x830];
	v30 =	vmul.f32 v12, v63;
	[tilespmem:$0x680] =	vst v27  }
0xaa: {  	v43 =	vld [tilespmem:$0x840];
	v31 =	vmul.f32 v32, v63;
	[tilespmem:$0x690] =	vst v29  }
0xab: {  	v45 =	vld [tilespmem:$0x850];
	v33 =	vmul.f32 v34, v63;
	v34 =	vadd.f32 $1.000000020e-16, v56;
	[tilespmem:$0x6A0] =	vst v30  }
0xac: {  	v59 =	vld [tilespmem:$0x8B0];
	v36 =	vmul.f32 v13, v63;
	[tilespmem:$0x6B0] =	vst v31  }
0xad: {  	v11 =	vld [tilespmem:$0x770];
	v38 =	vmul.f32 v16, v63;
	[tilespmem:$0x6C0] =	vst v33;
	(erf) = vrcp.f32 v34  }
0xae: {  	v32 =	vld [tilespmem:$0x1100];
	v39 =	vmul.f32 v17, v63;
	[tilespmem:$0x6D0] =	vst v36;
	v40 =	vpop (erf)  }
0xaf: {  	v5 =	vld [tilespmem:$0x7A0];
	[tilespmem:$0x6E0] =	vst v38;
	v42 =	vmul.f32 v40, v42  }
0xb0: {  	v4 =	vld [tilespmem:$0x7B0];
	[tilespmem:$0x6F0] =	vst v39;
	v44 =	vmul.f32 v44, v40  }
0xb1: {  	v26 =	vld [tilespmem:$0x7C0];
	v46 =	vmul.f32 v21, v40;
	[tilespmem:$0x700] =	vst v42  }
0xb2: {  	v28 =	vld [tilespmem:$0x7D0];
	v47 =	vmul.f32 v22, v40;
	[tilespmem:$0x710] =	vst v44  }
0xb3: {  	v50 =	vld [tilespmem:$0x1110];
	v49 =	vadd.f32 $1.000000020e-16, v32;
	v48 =	vmul.f32 v48, v40;
	[tilespmem:$0x720] =	vst v46  }
0xb4: {  	v52 =	vld [tilespmem:$0x880];
	v51 =	vmul.f32 v51, v40;
	[tilespmem:$0x730] =	vst v47  }
0xb5: {  	v54 =	vld [tilespmem:$0x890];
	v53 =	vmul.f32 v53, v40;
	(erf) = vrcp.f32 v49;
	[tilespmem:$0x740] =	vst v48  }
0xb6: {  	v57 =	vld [tilespmem:$0x8A0];
	v55 =	vmul.f32 v11, v40;
	[tilespmem:$0x750] =	vst v51;
	v56 =	vpop (erf)  }
0xb7: {  	v61 =	vld [tilespmem:$0x8C0];
	[tilespmem:$0x760] =	vst v53;
	v58 =	vmul.f32 v56, v25  }
0xb8: {  	v10 =	vld [tilespmem:$0x7E0];
	[tilespmem:$0x770] =	vst v55;
	v60 =	vmul.f32 v18, v56  }
0xb9: {  	v12 =	vld [tilespmem:$0x7F0];
	v62 =	vmul.f32 v5, v56;
	[tilespmem:$0x780] =	vst v58  }
0xba: {  	v63 =	vld [tilespmem:$0x8D0];
	v23 =	vmul.f32 v4, v56;
	[tilespmem:$0x790] =	vst v60  }
0xbb: {  	v16 =	vld [tilespmem:$0xD70];
	v25 =	vmul.f32 v26, v56;
	v26 =	vadd.f32 $1.000000020e-16, v50;
	[tilespmem:$0x7A0] =	vst v62  }
0xbc: {  	v13 =	vld [tilespmem:$0xEB0];
	v28 =	vmul.f32 v28, v56;
	[tilespmem:$0x7B0] =	vst v23  }
0xbd: {  	v27 =	vld [tilespmem:$0x8F0];
	v30 =	vmul.f32 v10, v56;
	[tilespmem:$0x7C0] =	vst v25;
	(erf) = vrcp.f32 v26  }
0xbe: {  	v29 =	vld [tilespmem:$0x1120];
	v32 =	vmul.f32 v12, v56;
	[tilespmem:$0x7D0] =	vst v28;
	v33 =	vpop (erf)  }
0xbf: {  	v31 =	vld [tilespmem:$0x900];
	[tilespmem:$0x7E0] =	vst v30;
	v35 =	vmul.f32 v33, v35  }
0xc0: {  	v34 =	vld [tilespmem:$0x910];
	[tilespmem:$0x7F0] =	vst v32;
	v37 =	vmul.f32 v37, v33  }
0xc1: {  	v21 =	vld [tilespmem:$0x870];
	v39 =	vmul.f32 v14, v33;
	[tilespmem:$0x800] =	vst v35  }
0xc2: {  	v36 =	vld [tilespmem:$0x920];
	v41 =	vmul.f32 v41, v33;
	[tilespmem:$0x810] =	vst v37  }
0xc3: {  	v38 =	vld [tilespmem:$0x930];
	v9 =	vadd.f32 $1.000000020e-16, v29;
	v43 =	vmul.f32 v43, v33;
	[tilespmem:$0x820] =	vst v39  }
0xc4: {  	v40 =	vld [tilespmem:$0x940];
	v45 =	vmul.f32 v45, v33;
	[tilespmem:$0x830] =	vst v41  }
0xc5: {  	v22 =	vld [tilespmem:$0x9F0];
	(erf) = vrcp.f32 v9;
	v47 =	vmul.f32 v19, v33;
	[tilespmem:$0x840] =	vst v43  }
0xc6: {  	v48 =	vld [tilespmem:$0x1130];
	v49 =	vmul.f32 v21, v33;
	[tilespmem:$0x850] =	vst v45;
	v50 =	vpop (erf)  }
0xc7: {  	v29 =	vld [tilespmem:$0xA10];
	[tilespmem:$0x860] =	vst v47;
	v52 =	vmul.f32 v50, v52  }
0xc8: {  	v42 =	vld [tilespmem:$0x950];
	[tilespmem:$0x870] =	vst v49;
	v54 =	vmul.f32 v54, v50  }
0xc9: {  	v44 =	vld [tilespmem:$0x960];
	v56 =	vmul.f32 v57, v50;
	[tilespmem:$0x880] =	vst v52  }
0xca: {  	v46 =	vld [tilespmem:$0x970];
	v58 =	vmul.f32 v59, v50;
	[tilespmem:$0x890] =	vst v54  }
0xcb: {  	v51 =	vld [tilespmem:$0x980];
	v9 =	vadd.f32 $1.000000020e-16, v48;
	v60 =	vmul.f32 v61, v50;
	[tilespmem:$0x8A0] =	vst v56  }
0xcc: {  	v53 =	vld [tilespmem:$0x990];
	v62 =	vmul.f32 v63, v50;
	[tilespmem:$0x8B0] =	vst v58  }
0xcd: {  	v55 =	vld [tilespmem:$0x9A0];
	(erf) = vrcp.f32 v9;
	v21 =	vmul.f32 v24, v50;
	[tilespmem:$0x8C0] =	vst v60  }
0xce: {  	v25 =	vld [tilespmem:$0x1140];
	v23 =	vmul.f32 v27, v50;
	v24 =	vpop (erf);
	[tilespmem:$0x8D0] =	vst v62  }
0xcf: {  	v48 =	vld [tilespmem:$0xA90];
	[tilespmem:$0x8E0] =	vst v21;
	v26 =	vmul.f32 v24, v31  }
0xd0: {  	v33 =	vld [tilespmem:$0xA30];
	[tilespmem:$0x8F0] =	vst v23;
	v28 =	vmul.f32 v34, v24  }
0xd1: {  	v14 =	vld [tilespmem:$0xD60];
	v30 =	vmul.f32 v36, v24;
	[tilespmem:$0x900] =	vst v26  }
0xd2: {  	v35 =	vld [tilespmem:$0xA40];
	v32 =	vmul.f32 v38, v24;
	[tilespmem:$0x910] =	vst v28  }
0xd3: {  	v37 =	vld [tilespmem:$0xA50];
	v9 =	vadd.f32 $1.000000020e-16, v25;
	v34 =	vmul.f32 v40, v24;
	[tilespmem:$0x920] =	vst v30  }
0xd4: {  	v57 =	vld [tilespmem:$0x9B0];
	v36 =	vmul.f32 v42, v24;
	[tilespmem:$0x930] =	vst v32  }
0xd5: {  	v59 =	vld [tilespmem:$0x9C0];
	(erf) = vrcp.f32 v9;
	v38 =	vmul.f32 v44, v24;
	[tilespmem:$0x940] =	vst v34  }
0xd6: {  	v40 =	vmul.f32 v46, v24;
	v42 =	vld [tilespmem:$0x1150];
	[tilespmem:$0x950] =	vst v36;
	v41 =	vpop (erf)  }
0xd7: {  	v61 =	vld [tilespmem:$0x9D0];
	[tilespmem:$0x960] =	vst v38;
	v43 =	vmul.f32 v41, v51  }
0xd8: {  	v63 =	vld [tilespmem:$0x9E0];
	[tilespmem:$0x970] =	vst v40;
	v45 =	vmul.f32 v53, v41  }
0xd9: {  	v39 =	vld [tilespmem:$0xA60];
	v47 =	vmul.f32 v55, v41;
	[tilespmem:$0x980] =	vst v43  }
0xda: {  	v27 =	vld [tilespmem:$0xA00];
	v49 =	vmul.f32 v57, v41;
	[tilespmem:$0x990] =	vst v45  }
0xdb: {  	v50 =	vld [tilespmem:$0xAA0];
	v3 =	vadd.f32 $1.000000020e-16, v42;
	v51 =	vmul.f32 v59, v41;
	[tilespmem:$0x9A0] =	vst v47  }
0xdc: {  	v31 =	vld [tilespmem:$0xA20];
	v53 =	vmul.f32 v61, v41;
	[tilespmem:$0x9B0] =	vst v49  }
0xdd: {  	v44 =	vld [tilespmem:$0xA70];
	v55 =	vmul.f32 v63, v41;
	(erf) = vrcp.f32 v3;
	[tilespmem:$0x9C0] =	vst v51  }
0xde: {  	v57 =	vmul.f32 v22, v41;
	v59 =	vld [tilespmem:$0x1160];
	v58 =	vpop (erf);
	[tilespmem:$0x9D0] =	vst v53  }
0xdf: {  	v46 =	vld [tilespmem:$0xA80];
	[tilespmem:$0x9E0] =	vst v55;
	v60 =	vmul.f32 v58, v27  }
0xe0: {  	v52 =	vld [tilespmem:$0xAB0];
	[tilespmem:$0x9F0] =	vst v57;
	v62 =	vmul.f32 v29, v58  }
0xe1: {  	v54 =	vld [tilespmem:$0xAC0];
	v19 =	vmul.f32 v31, v58;
	[tilespmem:$0xA00] =	vst v60  }
0xe2: {  	v56 =	vld [tilespmem:$0xAD0];
	v21 =	vmul.f32 v33, v58;
	[tilespmem:$0xA10] =	vst v62  }
0xe3: {  	v24 =	vld [tilespmem:$0xB20];
	v23 =	vmul.f32 v35, v58;
	[tilespmem:$0xA20] =	vst v19;
	v4 =	vadd.f32 $1.000000020e-16, v59  }
0xe4: {  	v26 =	vld [tilespmem:$0xB30];
	v25 =	vmul.f32 v37, v58;
	[tilespmem:$0xA30] =	vst v21  }
0xe5: {  	v28 =	vld [tilespmem:$0xB40];
	v27 =	vmul.f32 v39, v58;
	[tilespmem:$0xA40] =	vst v23;
	(erf) = vrcp.f32 v4  }
0xe6: {  	v29 =	vmul.f32 v44, v58;
	v31 =	vld [tilespmem:$0x1170];
	[tilespmem:$0xA50] =	vst v25;
	v30 =	vpop (erf)  }
0xe7: {  	v61 =	vld [tilespmem:$0xAE0];
	[tilespmem:$0xA60] =	vst v27;
	v32 =	vmul.f32 v30, v46  }
0xe8: {  	v63 =	vld [tilespmem:$0xAF0];
	[tilespmem:$0xA70] =	vst v29;
	v34 =	vmul.f32 v48, v30  }
0xe9: {  	v22 =	vld [tilespmem:$0xB10];
	v36 =	vmul.f32 v50, v30;
	[tilespmem:$0xA80] =	vst v32  }
0xea: {  	v41 =	vld [tilespmem:$0xB90];
	v38 =	vmul.f32 v52, v30;
	[tilespmem:$0xA90] =	vst v34  }
0xeb: {  	v33 =	vld [tilespmem:$0xB50];
	v9 =	vadd.f32 $1.000000020e-16, v31;
	v40 =	vmul.f32 v54, v30;
	[tilespmem:$0xAA0] =	vst v36  }
0xec: {  	v35 =	vld [tilespmem:$0xB60];
	v42 =	vmul.f32 v56, v30;
	[tilespmem:$0xAB0] =	vst v38  }
0xed: {  	v37 =	vld [tilespmem:$0xB70];
	(erf) = vrcp.f32 v9;
	v44 =	vmul.f32 v61, v30;
	[tilespmem:$0xAC0] =	vst v40  }
0xee: {  	v46 =	vmul.f32 v63, v30;
	v48 =	vld [tilespmem:$0x1180];
	[tilespmem:$0xAD0] =	vst v42;
	v47 =	vpop (erf)  }
0xef: {  	v39 =	vld [tilespmem:$0xB80];
	[tilespmem:$0xAE0] =	vst v44;
	v49 =	vmul.f32 v47, v20  }
0xf0: {  	v43 =	vld [tilespmem:$0xBA0];
	[tilespmem:$0xAF0] =	vst v46;
	v51 =	vmul.f32 v22, v47  }
0xf1: {  	v45 =	vld [tilespmem:$0xBB0];
	v53 =	vmul.f32 v24, v47;
	[tilespmem:$0xB00] =	vst v49  }
0xf2: {  	v19 =	vld [tilespmem:$0x1190];
	v55 =	vmul.f32 v26, v47;
	[tilespmem:$0xB10] =	vst v51  }
0xf3: {  	v21 =	vld [tilespmem:$0xC30];
	v58 =	vadd.f32 $1.000000020e-16, v48;
	v57 =	vmul.f32 v28, v47;
	[tilespmem:$0xB20] =	vst v53  }
0xf4: {  	v23 =	vld [tilespmem:$0xC40];
	v60 =	vmul.f32 v33, v47;
	[tilespmem:$0xB30] =	vst v55  }
0xf5: {  	v25 =	vld [tilespmem:$0xC50];
	v62 =	vmul.f32 v35, v47;
	(erf) = vrcp.f32 v58;
	[tilespmem:$0xB40] =	vst v57  }
0xf6: {  	v50 =	vld [tilespmem:$0xBC0];
	v17 =	vmul.f32 v37, v47;
	v18 =	vpop (erf);
	[tilespmem:$0xB50] =	vst v60  }
0xf7: {  	v52 =	vld [tilespmem:$0xBD0];
	[tilespmem:$0xB60] =	vst v62;
	v20 =	vmul.f32 v18, v39  }
0xf8: {  	v54 =	vld [tilespmem:$0xBE0];
	[tilespmem:$0xB70] =	vst v17;
	v22 =	vmul.f32 v41, v18  }
0xf9: {  	v56 =	vld [tilespmem:$0xBF0];
	v24 =	vmul.f32 v43, v18;
	[tilespmem:$0xB80] =	vst v20  }
0xfa: {  	v59 =	vld [tilespmem:$0xC00];
	v26 =	vmul.f32 v45, v18;
	[tilespmem:$0xB90] =	vst v22  }
0xfb: {  	v7 =	vadd.f32 $1.000000020e-16, v19;
	v61 =	vld [tilespmem:$0xC10];
	v28 =	vmul.f32 v50, v18;
	[tilespmem:$0xBA0] =	vst v24  }
0xfc: {  	v63 =	vld [tilespmem:$0xC20];
	v30 =	vmul.f32 v52, v18;
	[tilespmem:$0xBB0] =	vst v26  }
0xfd: {  	v27 =	vld [tilespmem:$0xC60];
	(erf) = vrcp.f32 v7;
	v32 =	vmul.f32 v54, v18;
	[tilespmem:$0xBC0] =	vst v28  }
0xfe: {  	v36 =	vld [tilespmem:$0x11A0];
	v34 =	vmul.f32 v56, v18;
	[tilespmem:$0xBD0] =	vst v30;
	v35 =	vpop (erf)  }
0xff: {  	v29 =	vld [tilespmem:$0xC70];
	[tilespmem:$0xBE0] =	vst v32;
	v37 =	vmul.f32 v35, v59  }
0x100: {  	v31 =	vld [tilespmem:$0xC80];
	[tilespmem:$0xBF0] =	vst v34;
	v39 =	vmul.f32 v61, v35  }
0x101: {  	v19 =	vld [tilespmem:$0x11C0];
	v41 =	vmul.f32 v63, v35;
	[tilespmem:$0xC00] =	vst v37  }
0x102: {  	v38 =	vld [tilespmem:$0xCA0];
	v43 =	vmul.f32 v21, v35;
	[tilespmem:$0xC10] =	vst v39  }
0x103: {  	v33 =	vld [tilespmem:$0xC90];
	v12 =	vadd.f32 $1.000000020e-16, v36;
	v45 =	vmul.f32 v23, v35;
	[tilespmem:$0xC20] =	vst v41  }
0x104: {  	v40 =	vld [tilespmem:$0xCB0];
	v47 =	vmul.f32 v25, v35;
	[tilespmem:$0xC30] =	vst v43  }
0x105: {  	v42 =	vld [tilespmem:$0xCC0];
	(erf) = vrcp.f32 v12;
	v49 =	vmul.f32 v27, v35;
	[tilespmem:$0xC40] =	vst v45  }
0x106: {  	v53 =	vld [tilespmem:$0x11B0];
	v51 =	vmul.f32 v29, v35;
	v52 =	vpop (erf);
	[tilespmem:$0xC50] =	vst v47  }
0x107: {  	v44 =	vld [tilespmem:$0xCD0];
	v54 =	vmul.f32 v52, v31;
	[tilespmem:$0xC60] =	vst v49  }
0x108: {  	v46 =	vld [tilespmem:$0xCE0];
	v56 =	vmul.f32 v33, v52;
	[tilespmem:$0xC70] =	vst v51  }
0x109: {  	v48 =	vld [tilespmem:$0xCF0];
	v58 =	vmul.f32 v38, v52;
	[tilespmem:$0xC80] =	vst v54  }
0x10a: {  	v50 =	vld [tilespmem:$0xD00];
	v60 =	vmul.f32 v40, v52;
	[tilespmem:$0xC90] =	vst v56  }
0x10b: {  	v55 =	vld [tilespmem:$0xD10];
	v9 =	vadd.f32 $1.000000020e-16, v53;
	v62 =	vmul.f32 v42, v52;
	[tilespmem:$0xCA0] =	vst v58  }
0x10c: {  	v57 =	vld [tilespmem:$0xD20];
	v12 =	vmul.f32 v44, v52;
	[tilespmem:$0xCB0] =	vst v60  }
0x10d: {  	v59 =	vld [tilespmem:$0xD30];
	(erf) = vrcp.f32 v9;
	v15 =	vmul.f32 v46, v52;
	[tilespmem:$0xCC0] =	vst v62  }
0x10e: {  	v61 =	vld [tilespmem:$0xD40];
	v17 =	vmul.f32 v48, v52;
	[tilespmem:$0xCD0] =	vst v12;
	v18 =	vpop (erf)  }
0x10f: {  	v63 =	vld [tilespmem:$0xD50];
	[tilespmem:$0xCE0] =	vst v15;
	v20 =	vmul.f32 v18, v50  }
0x110: {  	v36 =	vld [tilespmem:$0x11D0];
	[tilespmem:$0xCF0] =	vst v17;
	v22 =	vmul.f32 v55, v18  }
0x111: {  	v53 =	vld [tilespmem:$0x11E0];
	v24 =	vmul.f32 v57, v18;
	[tilespmem:$0xD00] =	vst v20  }
0x112: {  	v21 =	vld [tilespmem:$0xD80];
	v26 =	vmul.f32 v59, v18;
	[tilespmem:$0xD10] =	vst v22  }
0x113: {  	v3 =	vadd.f32 $1.000000020e-16, v19;
	v23 =	vld [tilespmem:$0xD90];
	v28 =	vmul.f32 v61, v18;
	[tilespmem:$0xD20] =	vst v24  }
0x114: {  	v25 =	vld [tilespmem:$0xDA0];
	v30 =	vmul.f32 v63, v18;
	[tilespmem:$0xD30] =	vst v26  }
0x115: {  	v27 =	vld [tilespmem:$0xDB0];
	(erf) = vrcp.f32 v3;
	v32 =	vmul.f32 v14, v18;
	[tilespmem:$0xD40] =	vst v28  }
0x116: {  	v29 =	vld [tilespmem:$0xDC0];
	v34 =	vmul.f32 v16, v18;
	v35 =	vpop (erf);
	[tilespmem:$0xD50] =	vst v30  }
0x117: {  	v31 =	vld [tilespmem:$0xDD0];
	v37 =	vmul.f32 v35, v21;
	[tilespmem:$0xD60] =	vst v32  }
0x118: {  	v33 =	vld [tilespmem:$0xDE0];
	v39 =	vmul.f32 v23, v35;
	[tilespmem:$0xD70] =	vst v34  }
0x119: {  	v38 =	vld [tilespmem:$0xDF0];
	v41 =	vmul.f32 v25, v35;
	[tilespmem:$0xD80] =	vst v37  }
0x11a: {  	v40 =	vld [tilespmem:$0xE00];
	v43 =	vmul.f32 v27, v35;
	[tilespmem:$0xD90] =	vst v39  }
0x11b: {  	v9 =	vadd.f32 $1.000000020e-16, v36;
	v42 =	vld [tilespmem:$0xE10];
	v45 =	vmul.f32 v29, v35;
	[tilespmem:$0xDA0] =	vst v41  }
0x11c: {  	v44 =	vld [tilespmem:$0xE20];
	v47 =	vmul.f32 v31, v35;
	[tilespmem:$0xDB0] =	vst v43  }
0x11d: {  	v46 =	vld [tilespmem:$0xE30];
	(erf) = vrcp.f32 v9;
	v49 =	vmul.f32 v33, v35;
	[tilespmem:$0xDC0] =	vst v45  }
0x11e: {  	v48 =	vld [tilespmem:$0xE40];
	v51 =	vmul.f32 v38, v35;
	[tilespmem:$0xDD0] =	vst v47;
	v52 =	vpop (erf)  }
0x11f: {  	v50 =	vld [tilespmem:$0xE50];
	[tilespmem:$0xDE0] =	vst v49;
	v54 =	vmul.f32 v52, v40  }
0x120: {  	v55 =	vld [tilespmem:$0xE60];
	[tilespmem:$0xDF0] =	vst v51;
	v56 =	vmul.f32 v42, v52  }
0x121: {  	v57 =	vld [tilespmem:$0xE70];
	v58 =	vmul.f32 v44, v52;
	[tilespmem:$0xE00] =	vst v54  }
0x122: {  	v59 =	vld [tilespmem:$0xE80];
	v60 =	vmul.f32 v46, v52;
	[tilespmem:$0xE10] =	vst v56  }
0x123: {  	v5 =	vadd.f32 $1.000000020e-16, v53;
	v61 =	vld [tilespmem:$0xE90];
	v62 =	vmul.f32 v48, v52;
	[tilespmem:$0xE20] =	vst v58  }
0x124: {  	v63 =	vld [tilespmem:$0xEA0];
	v12 =	vmul.f32 v50, v52;
	[tilespmem:$0xE30] =	vst v60  }
0x125: {  	v15 =	vld [tilespmem:$0xEC0];
	(erf) = vrcp.f32 v5;
	v14 =	vmul.f32 v55, v52;
	[tilespmem:$0xE40] =	vst v62  }
0x126: {  	v18 =	vld [tilespmem:$0x11F0];
	v16 =	vmul.f32 v57, v52;
	v17 =	vpop (erf);
	[tilespmem:$0xE50] =	vst v12  }
0x127: {  	v20 =	vld [tilespmem:$0xED0];
	v19 =	vmul.f32 v17, v59;
	[tilespmem:$0xE60] =	vst v14  }
0x128: {  	v22 =	vld [tilespmem:$0xEE0];
	v21 =	vmul.f32 v61, v17;
	[tilespmem:$0xE70] =	vst v16  }
0x129: {  	v24 =	vld [tilespmem:$0xEF0];
	v23 =	vmul.f32 v63, v17;
	[tilespmem:$0xE80] =	vst v19  }
0x12a: {  	v26 =	vld [tilespmem:$0xF00];
	v25 =	vmul.f32 v13, v17;
	[tilespmem:$0xE90] =	vst v21  }
0x12b: {  	v28 =	vld [tilespmem:$0xF10];
	v7 =	vadd.f32 $1.000000020e-16, v18;
	v27 =	vmul.f32 v15, v17;
	[tilespmem:$0xEA0] =	vst v23  }
0x12c: {  	v30 =	vld [tilespmem:$0xF20];
	v29 =	vmul.f32 v20, v17;
	[tilespmem:$0xEB0] =	vst v25  }
0x12d: {  	v32 =	vld [tilespmem:$0xF30];
	(erf) = vrcp.f32 v7;
	v31 =	vmul.f32 v22, v17;
	[tilespmem:$0xEC0] =	vst v27  }
0x12e: {  	v35 =	vld [tilespmem:$0xF40];
	v34 =	vmul.f32 v24, v17;
	[tilespmem:$0xED0] =	vst v29;
	v33 =	vpop (erf)  }
0x12f: {  	v37 =	vld [tilespmem:$0xF50];
	[tilespmem:$0xEE0] =	vst v31;
	v36 =	vmul.f32 v33, v26  }
0x130: {  	v39 =	vld [tilespmem:$0xF60];
	[tilespmem:$0xEF0] =	vst v34;
	v38 =	vmul.f32 v28, v33  }
0x131: {  	v41 =	vld [tilespmem:$0xF70];
	v40 =	vmul.f32 v30, v33;
	[tilespmem:$0xF00] =	vst v36  }
0x132: {  	v43 =	vld [tilespmem:$0xF80];
	v42 =	vmul.f32 v32, v33;
	[tilespmem:$0xF10] =	vst v38  }
0x133: {  	v45 =	vld [tilespmem:$0xF90];
	v44 =	vmul.f32 v35, v33;
	[tilespmem:$0xF20] =	vst v40  }
0x134: {  	v47 =	vld [tilespmem:$0xFA0];
	v46 =	vmul.f32 v37, v33;
	[tilespmem:$0xF30] =	vst v42  }
0x135: {  	v49 =	vld [tilespmem:$0xFB0];
	v48 =	vmul.f32 v39, v33;
	[tilespmem:$0xF40] =	vst v44  }
0x136: {  	v52 =	vld [tilespmem:$0xFC0];
	v50 =	vmul.f32 v41, v33;
	v51 =	vpop (erf);
	[tilespmem:$0xF50] =	vst v46  }
0x137: {  	v54 =	vld [tilespmem:$0xFD0];
	v53 =	vmul.f32 v51, v43;
	[tilespmem:$0xF60] =	vst v48  }
0x138: {  	v56 =	vld [tilespmem:$0xFE0];
	v55 =	vmul.f32 v45, v51;
	[tilespmem:$0xF70] =	vst v50  }
0x139: {  	v58 =	vld [tilespmem:$0xFF0];
	v57 =	vmul.f32 v47, v51;
	[tilespmem:$0xF80] =	vst v53  }
0x13a: {  	v59 =	vmul.f32 v49, v51;
	[tilespmem:$0xF90] =	vst v55  }
0x13b: {  	v60 =	vmul.f32 v52, v51;
	[tilespmem:$0xFA0] =	vst v57  }
0x13c: {  	v61 =	vmul.f32 v54, v51;
	[tilespmem:$0xFB0] =	vst v59  }
0x13d: {  	v62 =	vmul.f32 v56, v51;
	[tilespmem:$0xFC0] =	vst v60  }
0x13e: {  	v63 =	vmul.f32 v58, v51;
	[tilespmem:$0xFD0] =	vst v61  }
0x13f: {  	p0 =	sne.s32 s6, $0x1;
	[tilespmem:$0xFE0] =	vst v62  }
.Ltmp0:
0x140: {  	[tilespmem:$0xFF0] =	vst v63;
	(pc) =	sbr.rel @p0 .LBB2_1-.Ltmp0, $4  }
0x141: {  	[hbm4b:s5+s2] =	stream.linear.scatter [tilespmem:s2], [sflag:$0x1], $0x1000, $0x38;
	[tilespmem:$0x1200] =	vst v63  }
0x142: {  	_ =	swait.ge [sflag:s7], $0x1000  }
0x143: {  	[sflag:s7] =	ssyncset.done $0x0  }
0x144: {  	s6 =	sadd.s32 $0xFFFFFFFF, s6;
	[sflag:s7] =	ssyncadd.s32 $0xFFFFF000  }
0x145: {  	_ =	sfence.sel $0x180000  }
0x146: {  	[bflag:$0x0] =	sbarrier.arrive $0xFFFF  }
0x147: {  	p0 =	sne.s32 s1, $0x0;
	_ =	strace $0x90000047  }
0x148: {  	s0 =	sadd.s32 @!p0 $0x100000, s0;
	[bflag:$0x2] =	sbarrier.arrive $0xFFFF  }
0x149: {  	[sflag:s0] =	ssyncadd.tile.s32 @!p0 $0x1;
	_ =	shalt  }
.Lfunc_end2:
_tile_overlayer_lowered:
.L_overlay_start_2:
0x14a: {  	(tag) =	ssettag $0x2  }
0x14b: {  	s0 =	rddreg [dreg:$0x0];
	s2 =	stileid.u32  }
0x14c: {  	s1 =	rddreg [dreg:$0x1];
	p0 =	sne.s32 s2, $0x0  }
0x14d: {  	s3 =	rddreg [dreg:$0x2];
	[bflag:$0x3] =	sbarrier.arrive $0xFFFF;
	s2 =	simm.s32 @!p0 $0x1C01  }
0x14e: {  	[timem:s3], [sflag:s2] =	dma.local @!p0 [hbm:s0], s1  }
0x14f: {  	s0 =	simm.s32 @!p0 $0x1  }
0x150: {  	_ =	swait.ge @!p0 [sflag:s0], s1  }
0x151: {  	s1 =	ssub.s32 @!p0 $0x0, s1;
	[sflag:s0] =	ssyncset.done @!p0 $0x0  }
0x152: {  	[sflag:s0] =	ssyncadd.s32 @!p0 s1  }
0x153: {  	[bflag:$0x3] =	sbarrier.arrive $0xFFFF  }
0x154: {  	_ =	shalt  }

</sc_bundles>
